<compile_context>
chip_gen: v7x
topology: tpu7x:2x2x1
jax: 0.10.2.dev20260603
libtpu: 0.0.44.dev20260713+nightly
codegen_flags: <defaults>
</compile_context>

<pallas_src>
import functools

import jax
import jax.numpy as jnp
import numpy as np
from jax import lax
from jax.experimental import pallas as pl
from jax.experimental.pallas import tpu as pltpu
from jax.experimental.pallas import tpu_sc as plsc

_B = 1024
_D = 64
_DP = 128
_M = 100000
_H = 4
_K = 5
_T = 2048
_NT = (_M + _T - 1) // _T
_MP = _NT * _T
_W = 16
_GPT = _T // _W
_NG = _M // _W
_NC = _K * _W
_BIG = 2 ** 30


def _gelu_exact(h):
    return 0.5 * h * (1.0 + lax.erf(h * np.float32(0.7071067811865476)))


def _mm(a, b, dims):
    return jax.lax.dot_general(a, b, (dims, ((), ())),
                               preferred_element_type=jnp.float32)


def _knn_body(x_ref, w1_ref, b1_ref, g_ref, bt_ref, w2_ref, b2_ref,
              s_ref, mv_ref, cand_ref, sn_ref, eq_ref, qn_out_ref, qn_ref,
              cv_ref, ci_ref):
    i = pl.program_id(0)

    @pl.when(i == 0)
    def _init():
        x = x_ref[...]
        h = _mm(x, w1_ref[...], ((1,), (1,))) + b1_ref[...]
        mu = jnp.mean(h, axis=-1, keepdims=True)
        var = jnp.mean((h - mu) ** 2, axis=-1, keepdims=True)
        h = (h - mu) / jnp.sqrt(var + 1e-5) * g_ref[...] + bt_ref[...]
        h = _gelu_exact(h)
        eq = _mm(h, w2_ref[...], ((1,), (1,))) + b2_ref[...]
        eq_ref[...] = eq
        qnrm = jnp.sqrt(jnp.sum(eq * eq, axis=-1, keepdims=True))
        qn = eq / jnp.maximum(qnrm, 1e-8)
        qn_ref[...] = qn
        qn_out_ref[...] = qn
        cv_ref[...] = jnp.full((8, _B), -jnp.inf, jnp.float32)
        ci_ref[...] = jnp.zeros((8, _B), jnp.int32)

    s = s_ref[...]
    nrm = jnp.sqrt(jnp.sum(s * s, axis=1, keepdims=True))
    sn = s * (1.0 / jnp.maximum(nrm, 1e-8))
    sn_ref[...] = jnp.concatenate([sn, mv_ref[...]], axis=1)
    sc = _mm(sn, qn_ref[...], ((1,), (1,)))
    g = jnp.max(sc.reshape(_GPT, _W, _B), axis=1)
    sub_g = jax.lax.broadcasted_iota(jnp.int32, (_GPT, 1), 0)
    gid = i * _GPT + sub_g
    g = jnp.where(gid < _NG, g, -jnp.inf)

    A = jnp.concatenate([cv_ref[...], g], axis=0)
    AI = jnp.concatenate(
        [ci_ref[...], jnp.broadcast_to(gid, (_GPT, _B))], axis=0)

    nv, ni = [], []
    for _ in range(_K):
        m = jnp.max(A, axis=0, keepdims=True)
        sel = jnp.min(jnp.where(A == m, AI, _BIG), axis=0, keepdims=True)
        nv.append(m)
        ni.append(sel)
        A = jnp.where(AI == sel, -jnp.inf, A)

    sub8 = jax.lax.broadcasted_iota(jnp.int32, (8, 1), 0)
    cv = jnp.full((8, _B), -jnp.inf, jnp.float32)
    ci = jnp.zeros((8, _B), jnp.int32)
    for j in range(_K):
        selj = sub8 == j
        cv = jnp.where(selj, nv[j], cv)
        ci = jnp.where(selj, ni[j], ci)
    cv_ref[...] = cv
    ci_ref[...] = ci

    @pl.when(i == _NT - 1)
    def _emit():
        sub_c = jax.lax.broadcasted_iota(jnp.int32, (_NC, 1), 0)
        jsel = sub_c // _W
        grp = jnp.zeros((_NC, _B), jnp.int32)
        for j in range(_K):
            grp = jnp.where(jsel == j, ni[j], grp)
        cand_ref[...] = grp * _W + sub_c % _W


def _knn_groups(x, w1, b1, g, bt, w2, b2, storage, memory_values):
    const = lambda i: (0, 0)
    return pl.pallas_call(
        _knn_body,
        grid=(_NT,),
        in_specs=[
            pl.BlockSpec((_B, _D), const),
            pl.BlockSpec((_D, _D), const),
            pl.BlockSpec((1, _D), const),
            pl.BlockSpec((1, _D), const),
            pl.BlockSpec((1, _D), const),
            pl.BlockSpec((_D, _D), const),
            pl.BlockSpec((1, _D), const),
            pl.BlockSpec((_T, _D), lambda i: (i, 0)),
            pl.BlockSpec((_T, _D), lambda i: (i, 0)),
        ],
        out_specs=[
            pl.BlockSpec((_NC, _B), const),
            pl.BlockSpec((_T, _DP), lambda i: (i, 0)),
            pl.BlockSpec((_B, _D), const),
            pl.BlockSpec((_B, _D), const),
        ],
        out_shape=[jax.ShapeDtypeStruct((_NC, _B), jnp.int32),
                   jax.ShapeDtypeStruct((_MP, _DP), jnp.float32),
                   jax.ShapeDtypeStruct((_B, _D), jnp.float32),
                   jax.ShapeDtypeStruct((_B, _D), jnp.float32)],
        scratch_shapes=[
            pltpu.VMEM((_B, _D), jnp.float32),
            pltpu.VMEM((8, _B), jnp.float32),
            pltpu.VMEM((8, _B), jnp.int32),
        ],
        compiler_params=pltpu.CompilerParams(
            dimension_semantics=("arbitrary",)),
    )(x, w1, b1.reshape(1, _D), g.reshape(1, _D), bt.reshape(1, _D),
      w2, b2.reshape(1, _D), storage, memory_values)


def _gather_rows(table, idx_flat, chunk, width, sc_tiling):
    n = idx_flat.shape[0]
    nw = 32
    bpw = n // nw
    nch = bpw // chunk
    mesh = plsc.VectorSubcoreMesh(core_axis_name="c", subcore_axis_name="s")

    @functools.partial(
        pl.kernel,
        mesh=mesh,
        out_type=jax.ShapeDtypeStruct((n, width), jnp.float32),
        scratch_types=[
            pltpu.VMEM((chunk,), jnp.int32),
            pltpu.VMEM((chunk, width), jnp.float32),
            pltpu.SemaphoreType.DMA,
        ],
        compiler_params=pltpu.CompilerParams(
            use_tc_tiling_on_sc=not sc_tiling),
    )
    def k(table_hbm, idx_hbm, out_hbm, idx_v, rows_v, sem):
        wid = lax.axis_index("s") * 2 + lax.axis_index("c")
        base = wid * bpw
        for ch in range(nch):
            off = base + ch * chunk
            pltpu.sync_copy(idx_hbm.at[pl.ds(off, chunk)], idx_v)
            pltpu.async_copy(table_hbm.at[idx_v], rows_v, sem).wait()
            pltpu.sync_copy(rows_v, out_hbm.at[pl.ds(off, chunk)])

    return k(table, idx_flat)


def _resolve_body(qn_ref, rows_ref, cand_ref, oi_ref):
    qn = qn_ref[...]
    scs = []
    for c in range(_NC):
        seg = rows_ref[c][:, :_D]
        scs.append(jnp.sum(seg * qn, axis=1, keepdims=True))
    S = jnp.concatenate(scs, axis=1)
    AI = jnp.transpose(cand_ref[...])
    ids = []
    for _ in range(_K):
        m = jnp.max(S, axis=1, keepdims=True)
        sel = jnp.min(jnp.where(S == m, AI, _BIG), axis=1, keepdims=True)
        ids.append(sel)
        S = jnp.where(AI == sel, -jnp.inf, S)
    lane5 = jax.lax.broadcasted_iota(jnp.int32, (1, _K), 1)
    oi = jnp.zeros((qn.shape[0], _K), jnp.int32)
    for j in range(_K):
        oi = jnp.where(lane5 == j, ids[j], oi)
    oi_ref[...] = oi


def _resolve(qn, rows, cand_q):
    nb = 4
    bb = _B // nb
    return pl.pallas_call(
        _resolve_body,
        grid=(nb,),
        in_specs=[
            pl.BlockSpec((bb, _D), lambda i: (i, 0)),
            pl.BlockSpec((_NC, bb, _DP), lambda i: (0, i, 0)),
            pl.BlockSpec((_NC, bb), lambda i: (0, i)),
        ],
        out_specs=pl.BlockSpec((bb, _K), lambda i: (i, 0)),
        out_shape=jax.ShapeDtypeStruct((_B, _K), jnp.int32),
        compiler_params=pltpu.CompilerParams(
            dimension_semantics=("parallel",)),
    )(qn, rows, cand_q)


def _post_body(x_ref, eq_ref, r_ref, wq_ref, bq_ref, wk_ref, bk_ref,
               wv_ref, bv_ref, wo_ref, bo_ref, c1w_ref, c1b_ref,
               c2w_ref, c2b_ref, seg_ref, out_ref):
    eq = eq_ref[...]
    q = _mm(eq, wq_ref[...], ((1,), (1,))) + bq_ref[...]
    seg = seg_ref[...]
    scs, vs = [], []
    for j in range(_K):
        r = r_ref[:, j * _DP + _D:(j + 1) * _DP]
        kj = _mm(r, wk_ref[...], ((1,), (1,))) + bk_ref[...]
        vj = _mm(r, wv_ref[...], ((1,), (1,))) + bv_ref[...]
        sj = _mm(q * kj, seg, ((1,), (1,)))
        scs.append(sj * 0.25)
        vs.append(vj)
    m = scs[0]
    for j in range(1, _K):
        m = jnp.maximum(m, scs[j])
    es = [jnp.exp(s - m) for s in scs]
    tot = es[0]
    for j in range(1, _K):
        tot = tot + es[j]
    ctx = jnp.zeros((_B, _D), jnp.float32)
    for j in range(_K):
        a = es[j] / tot
        ab = _mm(a, seg, ((1,), (0,)))
        ctx = ctx + ab * vs[j]
    comp = _mm(ctx, wo_ref[...], ((1,), (1,))) + bo_ref[...]
    h = _mm(comp, c1w_ref[...], ((1,), (1,))) + c1b_ref[...]
    h = _gelu_exact(h)
    ca1 = _mm(h, c2w_ref[...], ((1,), (1,))) + c2b_ref[...]
    out_ref[...] = x_ref[...] + 0.5 * ca1


def _post(x, eq, retrieved_flat, in_proj_w, in_proj_b, out_proj_w, out_proj_b,
          c1_W, c1_b, c2_W, c2_b):
    seg = np.zeros((_H, _D), np.float32)
    for h in range(_H):
        seg[h, h * 16:(h + 1) * 16] = 1.0
    seg = jnp.asarray(seg)
    wq, wk, wv = in_proj_w[:_D], in_proj_w[_D:2 * _D], in_proj_w[2 * _D:]
    bq, bk, bv = in_proj_b[:_D], in_proj_b[_D:2 * _D], in_proj_b[2 * _D:]
    return pl.pallas_call(
        _post_body,
        out_shape=jax.ShapeDtypeStruct((_B, _D), jnp.float32),
    )(x, eq, retrieved_flat, wq, bq.reshape(1, _D), wk, bk.reshape(1, _D),
      wv, bv.reshape(1, _D), out_proj_w, out_proj_b.reshape(1, _D),
      c1_W, c1_b.reshape(1, 2 * _D), c2_W, c2_b.reshape(1, _D), seg)


def kernel(x, k_W1, k_b1, k_gamma, k_beta, k_W2, k_b2, storage, memory_values,
           in_proj_w, in_proj_b, out_proj_w, out_proj_b, c1_W, c1_b, c2_W,
           c2_b):
    cand_t, sn_full, eq, qn = _knn_groups(
        x, k_W1, k_b1, k_gamma, k_beta, k_W2, k_b2, storage, memory_values)
    crows = _gather_rows(sn_full, cand_t.reshape(_NC * _B),
                         chunk=640, width=_DP, sc_tiling=False)
    top = _resolve(qn, crows.reshape(_NC, _B, _DP), cand_t)
    idx_flat = top.reshape(_B * _K)
    retrieved = _gather_rows(sn_full, idx_flat,
                             chunk=160, width=_DP, sc_tiling=False)
    retrieved_flat = retrieved.reshape(_B, _K * _DP)
    return _post(x, eq, retrieved_flat, in_proj_w, in_proj_b,
                 out_proj_w, out_proj_b, c1_W, c1_b, c2_W, c2_b)

# --- scband reference (transcript-rebuilt; emitter-appended) ---
"""Pipeline reference for scband-hippocampal-memory-7627861918061 (READ-ONLY COPY).

The authoritative reference and input builder live on the scoring server;
editing this copy changes nothing except your own understanding.
"""

import jax, jax.numpy as jnp
import numpy as np

B = 1024
D = 64
M = 100000
H = 4
K = 5


def setup_inputs(seed: int = 0) -> dict:
    key = jax.random.key(seed)
    ks = jax.random.split(key, 16)
    s = 0.05
    inp = {
        "x": jax.random.normal(ks[0], (B, D), dtype=jnp.float32),
        "k_W1": jax.random.normal(ks[1], (D, D), dtype=jnp.float32) * s,
        "k_b1": jnp.zeros((D,), dtype=jnp.float32),
        "k_gamma": jnp.ones((D,), dtype=jnp.float32),
        "k_beta": jnp.zeros((D,), dtype=jnp.float32),
        "k_W2": jax.random.normal(ks[2], (D, D), dtype=jnp.float32) * s,
        "k_b2": jnp.zeros((D,), dtype=jnp.float32),
        "storage": jax.random.normal(ks[3], (M, D), dtype=jnp.float32),
        "memory_values": jax.random.normal(ks[4], (M, D), dtype=jnp.float32),
        "in_proj_w": jax.random.normal(ks[5], (3 * D, D), dtype=jnp.float32) * s,
        "in_proj_b": jnp.zeros((3 * D,), dtype=jnp.float32),
        "out_proj_w": jax.random.normal(ks[6], (D, D), dtype=jnp.float32) * s,
        "out_proj_b": jnp.zeros((D,), dtype=jnp.float32),
        "c1_W": jax.random.normal(ks[7], (2 * D, D), dtype=jnp.float32) * s,
        "c1_b": jnp.zeros((2 * D,), dtype=jnp.float32),
        "c2_W": jax.random.normal(ks[8], (D, 2 * D), dtype=jnp.float32) * s,
        "c2_b": jnp.zeros((D,), dtype=jnp.float32),
    }
    return inp


def _layernorm(h, g, b):
    mu = jnp.mean(h, axis=-1, keepdims=True)
    var = jnp.var(h, axis=-1, keepdims=True)
    return (h - mu) / jnp.sqrt(var + 1e-5) * g + b


def _key_encoder(x, W1, b1, g, bt, W2, b2):
    h = x @ W1.T + b1
    h = _layernorm(h, g, bt)
    h = jax.nn.gelu(h, approximate=False)
    return h @ W2.T + b2


def reference(x, k_W1, k_b1, k_gamma, k_beta, k_W2, k_b2, storage, memory_values,
              in_proj_w, in_proj_b, out_proj_w, out_proj_b, c1_W, c1_b, c2_W, c2_b):
    # retrieve(): key-encode the query
    eq = _key_encoder(x, k_W1, k_b1, k_gamma, k_beta, k_W2, k_b2)
    # brute-force cosine-similarity kNN over the memory index (fallback storage backend)
    qn = eq / jnp.maximum(jnp.linalg.norm(eq, axis=-1, keepdims=True), 1e-8)
    sn = storage / jnp.maximum(jnp.linalg.norm(storage, axis=-1, keepdims=True), 1e-8)
    sims = qn @ sn.T  # [B, M]
    top_vals, top_idx = jax.lax.top_k(sims, K)  # [B, K]
    retrieved = jnp.take(memory_values, top_idx, axis=0)  # [B, K, D] gather
    # CA3 multi-head attention (query = encoded_query[:, None, :], kv = retrieved)
    Wq, Wk, Wv = in_proj_w[:D], in_proj_w[D:2 * D], in_proj_w[2 * D:]
    bq, bk, bv = in_proj_b[:D], in_proj_b[D:2 * D], in_proj_b[2 * D:]
    hd = D // H
    q = (eq @ Wq.T + bq).reshape(B, H, hd)
    k = (retrieved @ Wk.T + bk).reshape(B, K, H, hd).transpose(0, 2, 1, 3)
    v = (retrieved @ Wv.T + bv).reshape(B, K, H, hd).transpose(0, 2, 1, 3)
    scores = jnp.einsum('bhd,bhkd->bhk', q, k) / jnp.sqrt(jnp.float32(hd))
    attn = jax.nn.softmax(scores, axis=-1)
    ctx = jnp.einsum('bhk,bhkd->bhd', attn, v).reshape(B, D)
    completed = ctx @ out_proj_w.T + out_proj_b
    # CA1 output mapping
    h = jax.nn.gelu(completed @ c1_W.T + c1_b, approximate=False)
    ca1 = h @ c2_W.T + c2_b
    # residual combine
    output = x + 0.5 * ca1
    return output

if __name__ == "__main__":
    import jax
    _d = setup_inputs()
    print(jax.jit(kernel)(*tuple(_d.values())))

</pallas_src>

<mosaic_0001>
#map = affine_map<(d0, d1) -> (0, 0)>
#map1 = affine_map<(d0, d1) -> (0)>
module attributes {stable_mosaic.version = 14 : i64} {
  func.func @k(%arg0: i32, %arg1: i32, %arg2: memref<100352x128xf32, #tpu.memory_space<hbm>>, %arg3: memref<5120xi32, #tpu.memory_space<hbm>>, %arg4: memref<5120x128xf32, #tpu.memory_space<hbm>>, %arg5: memref<160xi32, #tpu.memory_space<vmem>>, %arg6: memref<160x128xf32, #tpu.memory_space<vmem>>, %arg7: memref<!tpu.dma_semaphore, #tpu.memory_space<semaphore_mem>>) attributes {dimension_semantics = [#tpu.dimension_semantics<core_parallel>, #tpu.dimension_semantics<subcore_parallel>], iteration_bounds = array<i64: 2, 16>, scalar_prefetch = 0 : i64, scratch_operands = 3 : i64, tpu.core_type = #tpu.core_type<sc_vector_subcore>, window_params = [{transform_indices = #map}, {transform_indices = #map1}, {transform_indices = #map}]} {
    %mul3A = arith.constant 2 : i32
    %mul3A_0 = arith.muli %arg1, %mul3A : i32
    %add3A = arith.addi %mul3A_0, %arg0 : i32
    %mul3A_1 = arith.constant 160 : i32
    %mul3A_2 = arith.muli %add3A, %mul3A_1 : i32
    %add3A_3 = arith.constant 0 : i32
    %add3A_4 = arith.addi %mul3A_2, %add3A_3 : i32
    "tpu.region"() ({
      %run_scoped3A = tpu.sem_alloc : memref<!tpu.dma_semaphore, #tpu.memory_space<semaphore_mem>>
      %dma_start3A_9 = tpu.memref_slice %arg3[%add3A_4] : memref<5120xi32, #tpu.memory_space<hbm>> -> memref<160xi32, #tpu.memory_space<hbm>>
      %dma_start3A_10 = tpu.memref_slice %arg3[%add3A_4] : memref<5120xi32, #tpu.memory_space<hbm>> -> memref<160xi32, #tpu.memory_space<hbm>>
      tpu.enqueue_dma source(%dma_start3A_10 : memref<160xi32, #tpu.memory_space<hbm>>) target(%arg5 : memref<160xi32, #tpu.memory_space<vmem>>) target_semaphore(%run_scoped3A : memref<!tpu.dma_semaphore, #tpu.memory_space<semaphore_mem>>)
      %dma_wait3A_11 = tpu.memref_slice %arg3[%add3A_4] : memref<5120xi32, #tpu.memory_space<hbm>> -> memref<160xi32, #tpu.memory_space<hbm>>
      %dma_wait3A_12 = tpu.memref_slice %arg3[%add3A_4] : memref<5120xi32, #tpu.memory_space<hbm>> -> memref<160xi32, #tpu.memory_space<hbm>>
      tpu.wait_dma2 semaphore(%run_scoped3A : memref<!tpu.dma_semaphore, #tpu.memory_space<semaphore_mem>>) src(%dma_wait3A_12 : memref<160xi32, #tpu.memory_space<hbm>>) dst(%arg5 : memref<160xi32, #tpu.memory_space<vmem>>)
      tpu.yield
    }) : () -> ()
    %dma_start3A = arith.constant 0 : i32
    %dma_start3A_5 = arith.constant 0 : i32
    %dma_start3A_6 = tpu.memref_slice %arg2[%dma_start3A, %dma_start3A_5] : memref<100352x128xf32, #tpu.memory_space<hbm>> -> memref<100352x128xf32, #tpu.memory_space<hbm>>
    tpu.enqueue_indirect_dma source(%dma_start3A_6 : memref<100352x128xf32, #tpu.memory_space<hbm>>) target(%arg6 : memref<160x128xf32, #tpu.memory_space<vmem>>) offsets(%arg5 : memref<160xi32, #tpu.memory_space<vmem>>) semaphore(%arg7 : memref<!tpu.dma_semaphore, #tpu.memory_space<semaphore_mem>>)
    %dma_wait3A = arith.constant 0 : i32
    %dma_wait3A_7 = arith.constant 0 : i32
    %dma_wait3A_8 = tpu.memref_slice %arg2[%dma_wait3A, %dma_wait3A_7] : memref<100352x128xf32, #tpu.memory_space<hbm>> -> memref<100352x128xf32, #tpu.memory_space<hbm>>
    tpu.wait_indirect_dma semaphore(%arg7 : memref<!tpu.dma_semaphore, #tpu.memory_space<semaphore_mem>>) src(%dma_wait3A_8 : memref<100352x128xf32, #tpu.memory_space<hbm>>) dst(%arg6 : memref<160x128xf32, #tpu.memory_space<vmem>>)
    "tpu.region"() ({
      %run_scoped3A = tpu.sem_alloc : memref<!tpu.dma_semaphore, #tpu.memory_space<semaphore_mem>>
      %dma_start3A_9 = arith.constant 0 : i32
      %dma_start3A_10 = tpu.memref_slice %arg4[%add3A_4, %dma_start3A_9] : memref<5120x128xf32, #tpu.memory_space<hbm>> -> memref<160x128xf32, #tpu.memory_space<hbm>>
      %dma_start3A_11 = arith.constant 0 : i32
      %dma_start3A_12 = tpu.memref_slice %arg4[%add3A_4, %dma_start3A_11] : memref<5120x128xf32, #tpu.memory_space<hbm>> -> memref<160x128xf32, #tpu.memory_space<hbm>>
      tpu.enqueue_dma source(%arg6 : memref<160x128xf32, #tpu.memory_space<vmem>>) target(%dma_start3A_12 : memref<160x128xf32, #tpu.memory_space<hbm>>) target_semaphore(%run_scoped3A : memref<!tpu.dma_semaphore, #tpu.memory_space<semaphore_mem>>)
      %dma_wait3A_13 = arith.constant 0 : i32
      %dma_wait3A_14 = tpu.memref_slice %arg4[%add3A_4, %dma_wait3A_13] : memref<5120x128xf32, #tpu.memory_space<hbm>> -> memref<160x128xf32, #tpu.memory_space<hbm>>
      %dma_wait3A_15 = arith.constant 0 : i32
      %dma_wait3A_16 = tpu.memref_slice %arg4[%add3A_4, %dma_wait3A_15] : memref<5120x128xf32, #tpu.memory_space<hbm>> -> memref<160x128xf32, #tpu.memory_space<hbm>>
      tpu.wait_dma2 semaphore(%run_scoped3A : memref<!tpu.dma_semaphore, #tpu.memory_space<semaphore_mem>>) src(%arg6 : memref<160x128xf32, #tpu.memory_space<vmem>>) dst(%dma_wait3A_16 : memref<160x128xf32, #tpu.memory_space<hbm>>)
      tpu.yield
    }) : () -> ()
    return
  }
}

#map = affine_map<(d0, d1) -> (0, 0)>
#map1 = affine_map<(d0, d1) -> (0)>
module attributes {stable_mosaic.version = 14 : i64} {
  func.func @k(%arg0: i32, %arg1: i32, %arg2: memref<100352x128xf32, #tpu.memory_space<hbm>>, %arg3: memref<81920xi32, #tpu.memory_space<hbm>>, %arg4: memref<81920x128xf32, #tpu.memory_space<hbm>>, %arg5: memref<640xi32, #tpu.memory_space<vmem>>, %arg6: memref<640x128xf32, #tpu.memory_space<vmem>>, %arg7: memref<!tpu.dma_semaphore, #tpu.memory_space<semaphore_mem>>) attributes {dimension_semantics = [#tpu.dimension_semantics<core_parallel>, #tpu.dimension_semantics<subcore_parallel>], iteration_bounds = array<i64: 2, 16>, scalar_prefetch = 0 : i64, scratch_operands = 3 : i64, tpu.core_type = #tpu.core_type<sc_vector_subcore>, window_params = [{transform_indices = #map}, {transform_indices = #map1}, {transform_indices = #map}]} {
    %mul3A = arith.constant 2 : i32
    %mul3A_0 = arith.muli %arg1, %mul3A : i32
    %add3A = arith.addi %mul3A_0, %arg0 : i32
    %mul3A_1 = arith.constant 2560 : i32
    %mul3A_2 = arith.muli %add3A, %mul3A_1 : i32
    %add3A_3 = arith.constant 0 : i32
    %add3A_4 = arith.addi %mul3A_2, %add3A_3 : i32
    "tpu.region"() ({
      %run_scoped3A = tpu.sem_alloc : memref<!tpu.dma_semaphore, #tpu.memory_space<semaphore_mem>>
      %dma_start3A_33 = tpu.memref_slice %arg3[%add3A_4] : memref<81920xi32, #tpu.memory_space<hbm>> -> memref<640xi32, #tpu.memory_space<hbm>>
      %dma_start3A_34 = tpu.memref_slice %arg3[%add3A_4] : memref<81920xi32, #tpu.memory_space<hbm>> -> memref<640xi32, #tpu.memory_space<hbm>>
      tpu.enqueue_dma source(%dma_start3A_34 : memref<640xi32, #tpu.memory_space<hbm>>) target(%arg5 : memref<640xi32, #tpu.memory_space<vmem>>) target_semaphore(%run_scoped3A : memref<!tpu.dma_semaphore, #tpu.memory_space<semaphore_mem>>)
      %dma_wait3A_35 = tpu.memref_slice %arg3[%add3A_4] : memref<81920xi32, #tpu.memory_space<hbm>> -> memref<640xi32, #tpu.memory_space<hbm>>
      %dma_wait3A_36 = tpu.memref_slice %arg3[%add3A_4] : memref<81920xi32, #tpu.memory_space<hbm>> -> memref<640xi32, #tpu.memory_space<hbm>>
      tpu.wait_dma2 semaphore(%run_scoped3A : memref<!tpu.dma_semaphore, #tpu.memory_space<semaphore_mem>>) src(%dma_wait3A_36 : memref<640xi32, #tpu.memory_space<hbm>>) dst(%arg5 : memref<640xi32, #tpu.memory_space<vmem>>)
      tpu.yield
    }) : () -> ()
    %dma_start3A = arith.constant 0 : i32
    %dma_start3A_5 = arith.constant 0 : i32
    %dma_start3A_6 = tpu.memref_slice %arg2[%dma_start3A, %dma_start3A_5] : memref<100352x128xf32, #tpu.memory_space<hbm>> -> memref<100352x128xf32, #tpu.memory_space<hbm>>
    tpu.enqueue_indirect_dma source(%dma_start3A_6 : memref<100352x128xf32, #tpu.memory_space<hbm>>) target(%arg6 : memref<640x128xf32, #tpu.memory_space<vmem>>) offsets(%arg5 : memref<640xi32, #tpu.memory_space<vmem>>) semaphore(%arg7 : memref<!tpu.dma_semaphore, #tpu.memory_space<semaphore_mem>>)
    %dma_wait3A = arith.constant 0 : i32
    %dma_wait3A_7 = arith.constant 0 : i32
    %dma_wait3A_8 = tpu.memref_slice %arg2[%dma_wait3A, %dma_wait3A_7] : memref<100352x128xf32, #tpu.memory_space<hbm>> -> memref<100352x128xf32, #tpu.memory_space<hbm>>
    tpu.wait_indirect_dma semaphore(%arg7 : memref<!tpu.dma_semaphore, #tpu.memory_space<semaphore_mem>>) src(%dma_wait3A_8 : memref<100352x128xf32, #tpu.memory_space<hbm>>) dst(%arg6 : memref<640x128xf32, #tpu.memory_space<vmem>>)
    "tpu.region"() ({
      %run_scoped3A = tpu.sem_alloc : memref<!tpu.dma_semaphore, #tpu.memory_space<semaphore_mem>>
      %dma_start3A_33 = arith.constant 0 : i32
      %dma_start3A_34 = tpu.memref_slice %arg4[%add3A_4, %dma_start3A_33] : memref<81920x128xf32, #tpu.memory_space<hbm>> -> memref<640x128xf32, #tpu.memory_space<hbm>>
      %dma_start3A_35 = arith.constant 0 : i32
      %dma_start3A_36 = tpu.memref_slice %arg4[%add3A_4, %dma_start3A_35] : memref<81920x128xf32, #tpu.memory_space<hbm>> -> memref<640x128xf32, #tpu.memory_space<hbm>>
      tpu.enqueue_dma source(%arg6 : memref<640x128xf32, #tpu.memory_space<vmem>>) target(%dma_start3A_36 : memref<640x128xf32, #tpu.memory_space<hbm>>) target_semaphore(%run_scoped3A : memref<!tpu.dma_semaphore, #tpu.memory_space<semaphore_mem>>)
      %dma_wait3A_37 = arith.constant 0 : i32
      %dma_wait3A_38 = tpu.memref_slice %arg4[%add3A_4, %dma_wait3A_37] : memref<81920x128xf32, #tpu.memory_space<hbm>> -> memref<640x128xf32, #tpu.memory_space<hbm>>
      %dma_wait3A_39 = arith.constant 0 : i32
      %dma_wait3A_40 = tpu.memref_slice %arg4[%add3A_4, %dma_wait3A_39] : memref<81920x128xf32, #tpu.memory_space<hbm>> -> memref<640x128xf32, #tpu.memory_space<hbm>>
      tpu.wait_dma2 semaphore(%run_scoped3A : memref<!tpu.dma_semaphore, #tpu.memory_space<semaphore_mem>>) src(%arg6 : memref<640x128xf32, #tpu.memory_space<vmem>>) dst(%dma_wait3A_40 : memref<640x128xf32, #tpu.memory_space<hbm>>)
      tpu.yield
    }) : () -> ()
    %add3A_9 = arith.constant 640 : i32
    %add3A_10 = arith.addi %mul3A_2, %add3A_9 : i32
    "tpu.region"() ({
      %run_scoped3A = tpu.sem_alloc : memref<!tpu.dma_semaphore, #tpu.memory_space<semaphore_mem>>
      %dma_start3A_33 = tpu.memref_slice %arg3[%add3A_10] : memref<81920xi32, #tpu.memory_space<hbm>> -> memref<640xi32, #tpu.memory_space<hbm>>
      %dma_start3A_34 = tpu.memref_slice %arg3[%add3A_10] : memref<81920xi32, #tpu.memory_space<hbm>> -> memref<640xi32, #tpu.memory_space<hbm>>
      tpu.enqueue_dma source(%dma_start3A_34 : memref<640xi32, #tpu.memory_space<hbm>>) target(%arg5 : memref<640xi32, #tpu.memory_space<vmem>>) target_semaphore(%run_scoped3A : memref<!tpu.dma_semaphore, #tpu.memory_space<semaphore_mem>>)
      %dma_wait3A_35 = tpu.memref_slice %arg3[%add3A_10] : memref<81920xi32, #tpu.memory_space<hbm>> -> memref<640xi32, #tpu.memory_space<hbm>>
      %dma_wait3A_36 = tpu.memref_slice %arg3[%add3A_10] : memref<81920xi32, #tpu.memory_space<hbm>> -> memref<640xi32, #tpu.memory_space<hbm>>
      tpu.wait_dma2 semaphore(%run_scoped3A : memref<!tpu.dma_semaphore, #tpu.memory_space<semaphore_mem>>) src(%dma_wait3A_36 : memref<640xi32, #tpu.memory_space<hbm>>) dst(%arg5 : memref<640xi32, #tpu.memory_space<vmem>>)
      tpu.yield
    }) : () -> ()
    %dma_start3A_11 = arith.constant 0 : i32
    %dma_start3A_12 = arith.constant 0 : i32
    %dma_start3A_13 = tpu.memref_slice %arg2[%dma_start3A_11, %dma_start3A_12] : memref<100352x128xf32, #tpu.memory_space<hbm>> -> memref<100352x128xf32, #tpu.memory_space<hbm>>
    tpu.enqueue_indirect_dma source(%dma_start3A_13 : memref<100352x128xf32, #tpu.memory_space<hbm>>) target(%arg6 : memref<640x128xf32, #tpu.memory_space<vmem>>) offsets(%arg5 : memref<640xi32, #tpu.memory_space<vmem>>) semaphore(%arg7 : memref<!tpu.dma_semaphore, #tpu.memory_space<semaphore_mem>>)
    %dma_wait3A_14 = arith.constant 0 : i32
    %dma_wait3A_15 = arith.constant 0 : i32
    %dma_wait3A_16 = tpu.memref_slice %arg2[%dma_wait3A_14, %dma_wait3A_15] : memref<100352x128xf32, #tpu.memory_space<hbm>> -> memref<100352x128xf32, #tpu.memory_space<hbm>>
    tpu.wait_indirect_dma semaphore(%arg7 : memref<!tpu.dma_semaphore, #tpu.memory_space<semaphore_mem>>) src(%dma_wait3A_16 : memref<100352x128xf32, #tpu.memory_space<hbm>>) dst(%arg6 : memref<640x128xf32, #tpu.memory_space<vmem>>)
    "tpu.region"() ({
      %run_scoped3A = tpu.sem_alloc : memref<!tpu.dma_semaphore, #tpu.memory_space<semaphore_mem>>
      %dma_start3A_33 = arith.constant 0 : i32
      %dma_start3A_34 = tpu.memref_slice %arg4[%add3A_10, %dma_start3A_33] : memref<81920x128xf32, #tpu.memory_space<hbm>> -> memref<640x128xf32, #tpu.memory_space<hbm>>
      %dma_start3A_35 = arith.constant 0 : i32
      %dma_start3A_36 = tpu.memref_slice %arg4[%add3A_10, %dma_start3A_35] : memref<81920x128xf32, #tpu.memory_space<hbm>> -> memref<640x128xf32, #tpu.memory_space<hbm>>
      tpu.enqueue_dma source(%arg6 : memref<640x128xf32, #tpu.memory_space<vmem>>) target(%dma_start3A_36 : memref<640x128xf32, #tpu.memory_space<hbm>>) target_semaphore(%run_scoped3A : memref<!tpu.dma_semaphore, #tpu.memory_space<semaphore_mem>>)
      %dma_wait3A_37 = arith.constant 0 : i32
      %dma_wait3A_38 = tpu.memref_slice %arg4[%add3A_10, %dma_wait3A_37] : memref<81920x128xf32, #tpu.memory_space<hbm>> -> memref<640x128xf32, #tpu.memory_space<hbm>>
      %dma_wait3A_39 = arith.constant 0 : i32
      %dma_wait3A_40 = tpu.memref_slice %arg4[%add3A_10, %dma_wait3A_39] : memref<81920x128xf32, #tpu.memory_space<hbm>> -> memref<640x128xf32, #tpu.memory_space<hbm>>
      tpu.wait_dma2 semaphore(%run_scoped3A : memref<!tpu.dma_semaphore, #tpu.memory_space<semaphore_mem>>) src(%arg6 : memref<640x128xf32, #tpu.memory_space<vmem>>) dst(%dma_wait3A_40 : memref<640x128xf32, #tpu.memory_space<hbm>>)
      tpu.yield
    }) : () -> ()
    %add3A_17 = arith.constant 1280 : i32
    %add3A_18 = arith.addi %mul3A_2, %add3A_17 : i32
    "tpu.region"() ({
      %run_scoped3A = tpu.sem_alloc : memref<!tpu.dma_semaphore, #tpu.memory_space<semaphore_mem>>
      %dma_start3A_33 = tpu.memref_slice %arg3[%add3A_18] : memref<81920xi32, #tpu.memory_space<hbm>> -> memref<640xi32, #tpu.memory_space<hbm>>
      %dma_start3A_34 = tpu.memref_slice %arg3[%add3A_18] : memref<81920xi32, #tpu.memory_space<hbm>> -> memref<640xi32, #tpu.memory_space<hbm>>
      tpu.enqueue_dma source(%dma_start3A_34 : memref<640xi32, #tpu.memory_space<hbm>>) target(%arg5 : memref<640xi32, #tpu.memory_space<vmem>>) target_semaphore(%run_scoped3A : memref<!tpu.dma_semaphore, #tpu.memory_space<semaphore_mem>>)
      %dma_wait3A_35 = tpu.memref_slice %arg3[%add3A_18] : memref<81920xi32, #tpu.memory_space<hbm>> -> memref<640xi32, #tpu.memory_space<hbm>>
      %dma_wait3A_36 = tpu.memref_slice %arg3[%add3A_18] : memref<81920xi32, #tpu.memory_space<hbm>> -> memref<640xi32, #tpu.memory_space<hbm>>
      tpu.wait_dma2 semaphore(%run_scoped3A : memref<!tpu.dma_semaphore, #tpu.memory_space<semaphore_mem>>) src(%dma_wait3A_36 : memref<640xi32, #tpu.memory_space<hbm>>) dst(%arg5 : memref<640xi32, #tpu.memory_space<vmem>>)
      tpu.yield
    }) : () -> ()
    %dma_start3A_19 = arith.constant 0 : i32
    %dma_start3A_20 = arith.constant 0 : i32
    %dma_start3A_21 = tpu.memref_slice %arg2[%dma_start3A_19, %dma_start3A_20] : memref<100352x128xf32, #tpu.memory_space<hbm>> -> memref<100352x128xf32, #tpu.memory_space<hbm>>
    tpu.enqueue_indirect_dma source(%dma_start3A_21 : memref<100352x128xf32, #tpu.memory_space<hbm>>) target(%arg6 : memref<640x128xf32, #tpu.memory_space<vmem>>) offsets(%arg5 : memref<640xi32, #tpu.memory_space<vmem>>) semaphore(%arg7 : memref<!tpu.dma_semaphore, #tpu.memory_space<semaphore_mem>>)
    %dma_wait3A_22 = arith.constant 0 : i32
    %dma_wait3A_23 = arith.constant 0 : i32
    %dma_wait3A_24 = tpu.memref_slice %arg2[%dma_wait3A_22, %dma_wait3A_23] : memref<100352x128xf32, #tpu.memory_space<hbm>> -> memref<100352x128xf32, #tpu.memory_space<hbm>>
    tpu.wait_indirect_dma semaphore(%arg7 : memref<!tpu.dma_semaphore, #tpu.memory_space<semaphore_mem>>) src(%dma_wait3A_24 : memref<100352x128xf32, #tpu.memory_space<hbm>>) dst(%arg6 : memref<640x128xf32, #tpu.memory_space<vmem>>)
    "tpu.region"() ({
      %run_scoped3A = tpu.sem_alloc : memref<!tpu.dma_semaphore, #tpu.memory_space<semaphore_mem>>
      %dma_start3A_33 = arith.constant 0 : i32
      %dma_start3A_34 = tpu.memref_slice %arg4[%add3A_18, %dma_start3A_33] : memref<81920x128xf32, #tpu.memory_space<hbm>> -> memref<640x128xf32, #tpu.memory_space<hbm>>
      %dma_start3A_35 = arith.constant 0 : i32
      %dma_start3A_36 = tpu.memref_slice %arg4[%add3A_18, %dma_start3A_35] : memref<81920x128xf32, #tpu.memory_space<hbm>> -> memref<640x128xf32, #tpu.memory_space<hbm>>
      tpu.enqueue_dma source(%arg6 : memref<640x128xf32, #tpu.memory_space<vmem>>) target(%dma_start3A_36 : memref<640x128xf32, #tpu.memory_space<hbm>>) target_semaphore(%run_scoped3A : memref<!tpu.dma_semaphore, #tpu.memory_space<semaphore_mem>>)
      %dma_wait3A_37 = arith.constant 0 : i32
      %dma_wait3A_38 = tpu.memref_slice %arg4[%add3A_18, %dma_wait3A_37] : memref<81920x128xf32, #tpu.memory_space<hbm>> -> memref<640x128xf32, #tpu.memory_space<hbm>>
      %dma_wait3A_39 = arith.constant 0 : i32
      %dma_wait3A_40 = tpu.memref_slice %arg4[%add3A_18, %dma_wait3A_39] : memref<81920x128xf32, #tpu.memory_space<hbm>> -> memref<640x128xf32, #tpu.memory_space<hbm>>
      tpu.wait_dma2 semaphore(%run_scoped3A : memref<!tpu.dma_semaphore, #tpu.memory_space<semaphore_mem>>) src(%arg6 : memref<640x128xf32, #tpu.memory_space<vmem>>) dst(%dma_wait3A_40 : memref<640x128xf32, #tpu.memory_space<hbm>>)
      tpu.yield
    }) : () -> ()
    %add3A_25 = arith.constant 1920 : i32
    %add3A_26 = arith.addi %mul3A_2, %add3A_25 : i32
    "tpu.region"() ({
      %run_scoped3A = tpu.sem_alloc : memref<!tpu.dma_semaphore, #tpu.memory_space<semaphore_mem>>
      %dma_start3A_33 = tpu.memref_slice %arg3[%add3A_26] : memref<81920xi32, #tpu.memory_space<hbm>> -> memref<640xi32, #tpu.memory_space<hbm>>
      %dma_start3A_34 = tpu.memref_slice %arg3[%add3A_26] : memref<81920xi32, #tpu.memory_space<hbm>> -> memref<640xi32, #tpu.memory_space<hbm>>
      tpu.enqueue_dma source(%dma_start3A_34 : memref<640xi32, #tpu.memory_space<hbm>>) target(%arg5 : memref<640xi32, #tpu.memory_space<vmem>>) target_semaphore(%run_scoped3A : memref<!tpu.dma_semaphore, #tpu.memory_space<semaphore_mem>>)
      %dma_wait3A_35 = tpu.memref_slice %arg3[%add3A_26] : memref<81920xi32, #tpu.memory_space<hbm>> -> memref<640xi32, #tpu.memory_space<hbm>>
      %dma_wait3A_36 = tpu.memref_slice %arg3[%add3A_26] : memref<81920xi32, #tpu.memory_space<hbm>> -> memref<640xi32, #tpu.memory_space<hbm>>
      tpu.wait_dma2 semaphore(%run_scoped3A : memref<!tpu.dma_semaphore, #tpu.memory_space<semaphore_mem>>) src(%dma_wait3A_36 : memref<640xi32, #tpu.memory_space<hbm>>) dst(%arg5 : memref<640xi32, #tpu.memory_space<vmem>>)
      tpu.yield
    }) : () -> ()
    %dma_start3A_27 = arith.constant 0 : i32
    %dma_start3A_28 = arith.constant 0 : i32
    %dma_start3A_29 = tpu.memref_slice %arg2[%dma_start3A_27, %dma_start3A_28] : memref<100352x128xf32, #tpu.memory_space<hbm>> -> memref<100352x128xf32, #tpu.memory_space<hbm>>
    tpu.enqueue_indirect_dma source(%dma_start3A_29 : memref<100352x128xf32, #tpu.memory_space<hbm>>) target(%arg6 : memref<640x128xf32, #tpu.memory_space<vmem>>) offsets(%arg5 : memref<640xi32, #tpu.memory_space<vmem>>) semaphore(%arg7 : memref<!tpu.dma_semaphore, #tpu.memory_space<semaphore_mem>>)
    %dma_wait3A_30 = arith.constant 0 : i32
    %dma_wait3A_31 = arith.constant 0 : i32
    %dma_wait3A_32 = tpu.memref_slice %arg2[%dma_wait3A_30, %dma_wait3A_31] : memref<100352x128xf32, #tpu.memory_space<hbm>> -> memref<100352x128xf32, #tpu.memory_space<hbm>>
    tpu.wait_indirect_dma semaphore(%arg7 : memref<!tpu.dma_semaphore, #tpu.memory_space<semaphore_mem>>) src(%dma_wait3A_32 : memref<100352x128xf32, #tpu.memory_space<hbm>>) dst(%arg6 : memref<640x128xf32, #tpu.memory_space<vmem>>)
    "tpu.region"() ({
      %run_scoped3A = tpu.sem_alloc : memref<!tpu.dma_semaphore, #tpu.memory_space<semaphore_mem>>
      %dma_start3A_33 = arith.constant 0 : i32
      %dma_start3A_34 = tpu.memref_slice %arg4[%add3A_26, %dma_start3A_33] : memref<81920x128xf32, #tpu.memory_space<hbm>> -> memref<640x128xf32, #tpu.memory_space<hbm>>
      %dma_start3A_35 = arith.constant 0 : i32
      %dma_start3A_36 = tpu.memref_slice %arg4[%add3A_26, %dma_start3A_35] : memref<81920x128xf32, #tpu.memory_space<hbm>> -> memref<640x128xf32, #tpu.memory_space<hbm>>
      tpu.enqueue_dma source(%arg6 : memref<640x128xf32, #tpu.memory_space<vmem>>) target(%dma_start3A_36 : memref<640x128xf32, #tpu.memory_space<hbm>>) target_semaphore(%run_scoped3A : memref<!tpu.dma_semaphore, #tpu.memory_space<semaphore_mem>>)
      %dma_wait3A_37 = arith.constant 0 : i32
      %dma_wait3A_38 = tpu.memref_slice %arg4[%add3A_26, %dma_wait3A_37] : memref<81920x128xf32, #tpu.memory_space<hbm>> -> memref<640x128xf32, #tpu.memory_space<hbm>>
      %dma_wait3A_39 = arith.constant 0 : i32
      %dma_wait3A_40 = tpu.memref_slice %arg4[%add3A_26, %dma_wait3A_39] : memref<81920x128xf32, #tpu.memory_space<hbm>> -> memref<640x128xf32, #tpu.memory_space<hbm>>
      tpu.wait_dma2 semaphore(%run_scoped3A : memref<!tpu.dma_semaphore, #tpu.memory_space<semaphore_mem>>) src(%arg6 : memref<640x128xf32, #tpu.memory_space<vmem>>) dst(%dma_wait3A_40 : memref<640x128xf32, #tpu.memory_space<hbm>>)
      tpu.yield
    }) : () -> ()
    return
  }
}

module attributes {stable_mosaic.version = 14 : i64} {
  func.func @_knn_body(%arg0: i32, %arg1: memref<1024x64xf32, #tpu.memory_space<vmem>>, %arg2: memref<64x64xf32, #tpu.memory_space<vmem>>, %arg3: memref<1x64xf32, #tpu.memory_space<vmem>>, %arg4: memref<1x64xf32, #tpu.memory_space<vmem>>, %arg5: memref<1x64xf32, #tpu.memory_space<vmem>>, %arg6: memref<64x64xf32, #tpu.memory_space<vmem>>, %arg7: memref<1x64xf32, #tpu.memory_space<vmem>>, %arg8: memref<2048x64xf32, #tpu.memory_space<vmem>>, %arg9: memref<2048x64xf32, #tpu.memory_space<vmem>>, %arg10: memref<80x1024xi32, #tpu.memory_space<vmem>>, %arg11: memref<2048x128xf32, #tpu.memory_space<vmem>>, %arg12: memref<1024x64xf32, #tpu.memory_space<vmem>>, %arg13: memref<1024x64xf32, #tpu.memory_space<vmem>>, %arg14: memref<1024x64xf32, #tpu.memory_space<vmem>>, %arg15: memref<8x1024xf32, #tpu.memory_space<vmem>>, %arg16: memref<8x1024xi32, #tpu.memory_space<vmem>>) attributes {dimension_semantics = [#tpu.dimension_semantics<arbitrary>], iteration_bounds = array<i64: 49>, scalar_prefetch = 0 : i64, scratch_operands = 3 : i64, tpu.core_type = #tpu.core_type<tc>, window_params = [{pipeline_mode = #tpu.pipeline_mode<synchronous>, transform_indices = @transform_0, window_bounds = array<i64: 1024, 64>}, {pipeline_mode = #tpu.pipeline_mode<synchronous>, transform_indices = @transform_1, window_bounds = array<i64: 64, 64>}, {pipeline_mode = #tpu.pipeline_mode<synchronous>, transform_indices = @transform_2, window_bounds = array<i64: 1, 64>}, {pipeline_mode = #tpu.pipeline_mode<synchronous>, transform_indices = @transform_3, window_bounds = array<i64: 1, 64>}, {pipeline_mode = #tpu.pipeline_mode<synchronous>, transform_indices = @transform_4, window_bounds = array<i64: 1, 64>}, {pipeline_mode = #tpu.pipeline_mode<synchronous>, transform_indices = @transform_5, window_bounds = array<i64: 64, 64>}, {pipeline_mode = #tpu.pipeline_mode<synchronous>, transform_indices = @transform_6, window_bounds = array<i64: 1, 64>}, {transform_indices = @transform_7, window_bounds = array<i64: 2048, 64>}, {transform_indices = @transform_8, window_bounds = array<i64: 2048, 64>}, {pipeline_mode = #tpu.pipeline_mode<synchronous>, transform_indices = @transform_9, window_bounds = array<i64: 80, 1024>}, {transform_indices = @transform_10, window_bounds = array<i64: 2048, 128>}, {pipeline_mode = #tpu.pipeline_mode<synchronous>, transform_indices = @transform_11, window_bounds = array<i64: 1024, 64>}, {pipeline_mode = #tpu.pipeline_mode<synchronous>, transform_indices = @transform_12, window_bounds = array<i64: 1024, 64>}]} {
    %eq3A = arith.constant 0 : i32
    %eq3A_0 = arith.cmpi eq, %arg0, %eq3A : i32
    %convert_element_type3A = arith.extui %eq3A_0 : i1 to i32
    %cond3A = arith.constant 0 : i32
    %cond3A_1 = arith.cmpi ne, %convert_element_type3A, %cond3A : i32
    scf.if %cond3A_1 {
      %get3A_194 = arith.constant 0 : index
      %get3A_195 = arith.constant 0 : index
      %get3A_196 = vector.load %arg1[%get3A_194, %get3A_195] : memref<1024x64xf32, #tpu.memory_space<vmem>>, vector<1024x64xf32>
      %get3A_197 = arith.constant 0 : index
      %get3A_198 = arith.constant 0 : index
      %get3A_199 = vector.load %arg2[%get3A_197, %get3A_198] : memref<64x64xf32, #tpu.memory_space<vmem>>, vector<64x64xf32>
      %dot_general3A_200 = arith.constant dense<0.000000e+00> : vector<1024x64xf32>
      %dot_general3A_201 = tpu.matmul %get3A_196, %get3A_199, %dot_general3A_200 {dimension_numbers = #tpu.dot_dimension_numbers<[1], [1], [0], [0], [0, 0, 1, 0], [], []>, transpose_lhs_hint = false} : vector<1024x64xf32>, vector<64x64xf32>, vector<1024x64xf32> -> vector<1024x64xf32>
      %get3A_202 = arith.constant 0 : index
      %get3A_203 = arith.constant 0 : index
      %get3A_204 = vector.load %arg3[%get3A_202, %get3A_203] : memref<1x64xf32, #tpu.memory_space<vmem>>, vector<1x64xf32>
      %add3A_205 = vector.broadcast %get3A_204 : vector<1x64xf32> to vector<1024x64xf32>
      %add3A_206 = arith.addf %dot_general3A_201, %add3A_205 : vector<1024x64xf32>
      %reduce_sum3A_207 = arith.constant dense<0.000000e+00> : vector<1024xf32>
      %reduce_sum3A_208 = vector.multi_reduction <add>, %add3A_206, %reduce_sum3A_207 [1] : vector<1024x64xf32> to vector<1024xf32>
      %broadcast_in_dim3A_209 = vector.shape_cast %reduce_sum3A_208 : vector<1024xf32> to vector<1024x1xf32>
      %div3A_210 = arith.constant 6.400000e+01 : f32
      %div3A_211 = vector.broadcast %div3A_210 : f32 to vector<1024x1xf32>
      %div3A_212 = arith.divf %broadcast_in_dim3A_209, %div3A_211 : vector<1024x1xf32>
      %sub3A = vector.broadcast %div3A_212 : vector<1024x1xf32> to vector<1024x64xf32>
      %sub3A_213 = arith.subf %add3A_206, %sub3A : vector<1024x64xf32>
      %integer_pow3A = arith.mulf %sub3A_213, %sub3A_213 : vector<1024x64xf32>
      %reduce_sum3A_214 = arith.constant dense<0.000000e+00> : vector<1024xf32>
      %reduce_sum3A_215 = vector.multi_reduction <add>, %integer_pow3A, %reduce_sum3A_214 [1] : vector<1024x64xf32> to vector<1024xf32>
      %broadcast_in_dim3A_216 = vector.shape_cast %reduce_sum3A_215 : vector<1024xf32> to vector<1024x1xf32>
      %div3A_217 = arith.constant 6.400000e+01 : f32
      %div3A_218 = vector.broadcast %div3A_217 : f32 to vector<1024x1xf32>
      %div3A_219 = arith.divf %broadcast_in_dim3A_216, %div3A_218 : vector<1024x1xf32>
      %sub3A_220 = vector.broadcast %div3A_212 : vector<1024x1xf32> to vector<1024x64xf32>
      %sub3A_221 = arith.subf %add3A_206, %sub3A_220 : vector<1024x64xf32>
      %add3A_222 = arith.constant 9.99999974E-6 : f32
      %add3A_223 = vector.broadcast %add3A_222 : f32 to vector<1024x1xf32>
      %add3A_224 = arith.addf %div3A_219, %add3A_223 : vector<1024x1xf32>
      %sqrt3A_225 = math.sqrt %add3A_224 : vector<1024x1xf32>
      %div3A_226 = vector.broadcast %sqrt3A_225 : vector<1024x1xf32> to vector<1024x64xf32>
      %div3A_227 = arith.divf %sub3A_221, %div3A_226 : vector<1024x64xf32>
      %get3A_228 = arith.constant 0 : index
      %get3A_229 = arith.constant 0 : index
      %get3A_230 = vector.load %arg4[%get3A_228, %get3A_229] : memref<1x64xf32, #tpu.memory_space<vmem>>, vector<1x64xf32>
      %mul3A_231 = vector.broadcast %get3A_230 : vector<1x64xf32> to vector<1024x64xf32>
      %mul3A_232 = arith.mulf %div3A_227, %mul3A_231 : vector<1024x64xf32>
      %get3A_233 = arith.constant 0 : index
      %get3A_234 = arith.constant 0 : index
      %get3A_235 = vector.load %arg5[%get3A_233, %get3A_234] : memref<1x64xf32, #tpu.memory_space<vmem>>, vector<1x64xf32>
      %add3A_236 = vector.broadcast %get3A_235 : vector<1x64xf32> to vector<1024x64xf32>
      %add3A_237 = arith.addf %mul3A_232, %add3A_236 : vector<1024x64xf32>
      %mul3A_238 = arith.constant 5.000000e-01 : f32
      %mul3A_239 = vector.broadcast %mul3A_238 : f32 to vector<1024x64xf32>
      %mul3A_240 = arith.mulf %mul3A_239, %add3A_237 : vector<1024x64xf32>
      %mul3A_241 = arith.constant 0.707106769 : f32
      %mul3A_242 = vector.broadcast %mul3A_241 : f32 to vector<1024x64xf32>
      %mul3A_243 = arith.mulf %add3A_237, %mul3A_242 : vector<1024x64xf32>
      %erf3A = math.erf %mul3A_243 : vector<1024x64xf32>
      %add3A_244 = arith.constant 1.000000e+00 : f32
      %add3A_245 = vector.broadcast %add3A_244 : f32 to vector<1024x64xf32>
      %add3A_246 = arith.addf %add3A_245, %erf3A : vector<1024x64xf32>
      %mul3A_247 = arith.mulf %mul3A_240, %add3A_246 : vector<1024x64xf32>
      %get3A_248 = arith.constant 0 : index
      %get3A_249 = arith.constant 0 : index
      %get3A_250 = vector.load %arg6[%get3A_248, %get3A_249] : memref<64x64xf32, #tpu.memory_space<vmem>>, vector<64x64xf32>
      %dot_general3A_251 = arith.constant dense<0.000000e+00> : vector<1024x64xf32>
      %dot_general3A_252 = tpu.matmul %mul3A_247, %get3A_250, %dot_general3A_251 {dimension_numbers = #tpu.dot_dimension_numbers<[1], [1], [0], [0], [0, 0, 1, 0], [], []>, transpose_lhs_hint = false} : vector<1024x64xf32>, vector<64x64xf32>, vector<1024x64xf32> -> vector<1024x64xf32>
      %get3A_253 = arith.constant 0 : index
      %get3A_254 = arith.constant 0 : index
      %get3A_255 = vector.load %arg7[%get3A_253, %get3A_254] : memref<1x64xf32, #tpu.memory_space<vmem>>, vector<1x64xf32>
      %add3A_256 = vector.broadcast %get3A_255 : vector<1x64xf32> to vector<1024x64xf32>
      %add3A_257 = arith.addf %dot_general3A_252, %add3A_256 : vector<1024x64xf32>
      %swap3A_258 = arith.constant 0 : index
      %swap3A_259 = arith.constant 0 : index
      %swap3A_260 = vector.load %arg12[%swap3A_258, %swap3A_259] : memref<1024x64xf32, #tpu.memory_space<vmem>>, vector<1024x64xf32>
      tpu.vector_store %arg12[%swap3A_258, %swap3A_259], %add3A_257 {strides = array<i32>} : memref<1024x64xf32, #tpu.memory_space<vmem>>, vector<1024x64xf32>,
      %mul3A_261 = arith.mulf %add3A_257, %add3A_257 : vector<1024x64xf32>
      %reduce_sum3A_262 = arith.constant dense<0.000000e+00> : vector<1024xf32>
      %reduce_sum3A_263 = vector.multi_reduction <add>, %mul3A_261, %reduce_sum3A_262 [1] : vector<1024x64xf32> to vector<1024xf32>
      %broadcast_in_dim3A_264 = vector.shape_cast %reduce_sum3A_263 : vector<1024xf32> to vector<1024x1xf32>
      %sqrt3A_265 = math.sqrt %broadcast_in_dim3A_264 : vector<1024x1xf32>
      %max3A_266 = arith.constant 9.99999993E-9 : f32
      %max3A_267 = vector.broadcast %max3A_266 : f32 to vector<1024x1xf32>
      %max3A_268 = arith.maximumf %sqrt3A_265, %max3A_267 : vector<1024x1xf32>
      %div3A_269 = vector.broadcast %max3A_268 : vector<1024x1xf32> to vector<1024x64xf32>
      %div3A_270 = arith.divf %add3A_257, %div3A_269 : vector<1024x64xf32>
      %swap3A_271 = arith.constant 0 : index
      %swap3A_272 = arith.constant 0 : index
      %swap3A_273 = vector.load %arg14[%swap3A_271, %swap3A_272] : memref<1024x64xf32, #tpu.memory_space<vmem>>, vector<1024x64xf32>
      tpu.vector_store %arg14[%swap3A_271, %swap3A_272], %div3A_270 {strides = array<i32>} : memref<1024x64xf32, #tpu.memory_space<vmem>>, vector<1024x64xf32>,
      %swap3A_274 = arith.constant 0 : index
      %swap3A_275 = arith.constant 0 : index
      %swap3A_276 = vector.load %arg13[%swap3A_274, %swap3A_275] : memref<1024x64xf32, #tpu.memory_space<vmem>>, vector<1024x64xf32>
      tpu.vector_store %arg13[%swap3A_274, %swap3A_275], %div3A_270 {strides = array<i32>} : memref<1024x64xf32, #tpu.memory_space<vmem>>, vector<1024x64xf32>,
      %broadcast_in_dim3A_277 = arith.constant 0xFF800000 : f32
      %broadcast_in_dim3A_278 = vector.broadcast %broadcast_in_dim3A_277 : f32 to vector<8x1024xf32>
      %swap3A_279 = arith.constant 0 : index
      %swap3A_280 = arith.constant 0 : index
      %swap3A_281 = vector.load %arg15[%swap3A_279, %swap3A_280] : memref<8x1024xf32, #tpu.memory_space<vmem>>, vector<8x1024xf32>
      tpu.vector_store %arg15[%swap3A_279, %swap3A_280], %broadcast_in_dim3A_278 {strides = array<i32>} : memref<8x1024xf32, #tpu.memory_space<vmem>>, vector<8x1024xf32>,
      %broadcast_in_dim3A_282 = arith.constant 0 : i32
      %broadcast_in_dim3A_283 = vector.broadcast %broadcast_in_dim3A_282 : i32 to vector<8x1024xi32>
      %swap3A_284 = arith.constant 0 : index
      %swap3A_285 = arith.constant 0 : index
      %swap3A_286 = vector.load %arg16[%swap3A_284, %swap3A_285] : memref<8x1024xi32, #tpu.memory_space<vmem>>, vector<8x1024xi32>
      tpu.vector_store %arg16[%swap3A_284, %swap3A_285], %broadcast_in_dim3A_283 {strides = array<i32>} : memref<8x1024xi32, #tpu.memory_space<vmem>>, vector<8x1024xi32>,
    } else {
    }
    %get3A = arith.constant 0 : index
    %get3A_2 = arith.constant 0 : index
    %get3A_3 = vector.load %arg8[%get3A, %get3A_2] : memref<2048x64xf32, #tpu.memory_space<vmem>>, vector<2048x64xf32>
    %mul3A = arith.mulf %get3A_3, %get3A_3 : vector<2048x64xf32>
    %reduce_sum3A = arith.constant dense<0.000000e+00> : vector<2048xf32>
    %reduce_sum3A_4 = vector.multi_reduction <add>, %mul3A, %reduce_sum3A [1] : vector<2048x64xf32> to vector<2048xf32>
    %broadcast_in_dim3A = vector.shape_cast %reduce_sum3A_4 : vector<2048xf32> to vector<2048x1xf32>
    %sqrt3A = math.sqrt %broadcast_in_dim3A : vector<2048x1xf32>
    %max3A = arith.constant 9.99999993E-9 : f32
    %max3A_5 = vector.broadcast %max3A : f32 to vector<2048x1xf32>
    %max3A_6 = arith.maximumf %sqrt3A, %max3A_5 : vector<2048x1xf32>
    %div3A = arith.constant 1.000000e+00 : f32
    %div3A_7 = vector.broadcast %div3A : f32 to vector<2048x1xf32>
    %div3A_8 = arith.divf %div3A_7, %max3A_6 : vector<2048x1xf32>
    %mul3A_9 = vector.broadcast %div3A_8 : vector<2048x1xf32> to vector<2048x64xf32>
    %mul3A_10 = arith.mulf %get3A_3, %mul3A_9 : vector<2048x64xf32>
    %get3A_11 = arith.constant 0 : index
    %get3A_12 = arith.constant 0 : index
    %get3A_13 = vector.load %arg9[%get3A_11, %get3A_12] : memref<2048x64xf32, #tpu.memory_space<vmem>>, vector<2048x64xf32>
    %concatenate3A = tpu.concatenate %mul3A_10, %get3A_13 in 1 : vector<2048x64xf32>, vector<2048x64xf32> -> vector<2048x128xf32>
    %swap3A = arith.constant 0 : index
    %swap3A_14 = arith.constant 0 : index
    %swap3A_15 = vector.load %arg11[%swap3A, %swap3A_14] : memref<2048x128xf32, #tpu.memory_space<vmem>>, vector<2048x128xf32>
    tpu.vector_store %arg11[%swap3A, %swap3A_14], %concatenate3A {strides = array<i32>} : memref<2048x128xf32, #tpu.memory_space<vmem>>, vector<2048x128xf32>,
    %get3A_16 = arith.constant 0 : index
    %get3A_17 = arith.constant 0 : index
    %get3A_18 = vector.load %arg14[%get3A_16, %get3A_17] : memref<1024x64xf32, #tpu.memory_space<vmem>>, vector<1024x64xf32>
    %dot_general3A = arith.constant dense<0.000000e+00> : vector<2048x1024xf32>
    %dot_general3A_19 = tpu.matmul %mul3A_10, %get3A_18, %dot_general3A {dimension_numbers = #tpu.dot_dimension_numbers<[1], [1], [0], [0], [0, 0, 1, 0], [], []>, transpose_lhs_hint = false} : vector<2048x64xf32>, vector<1024x64xf32>, vector<2048x1024xf32> -> vector<2048x1024xf32>
    %reshape3A = vector.shape_cast %dot_general3A_19 : vector<2048x1024xf32> to vector<128x16x1024xf32>
    %reduce_max3A = arith.constant dense<0xFF800000> : vector<128x1024xf32>
    %reduce_max3A_20 = vector.multi_reduction <maximumf>, %reshape3A, %reduce_max3A [1] : vector<128x16x1024xf32> to vector<128x1024xf32>
    %iota3A = tpu.iota {dimensions = array<i32: 0>} : vector<128x1xi32>
    %mul3A_21 = arith.constant 128 : i32
    %mul3A_22 = arith.muli %arg0, %mul3A_21 : i32
    %add3A = vector.broadcast %mul3A_22 : i32 to vector<128x1xi32>
    %add3A_23 = arith.addi %add3A, %iota3A : vector<128x1xi32>
    %lt3A = arith.constant 6250 : i32
    %lt3A_24 = vector.broadcast %lt3A : i32 to vector<128x1xi32>
    %lt3A_25 = arith.cmpi slt, %add3A_23, %lt3A_24 : vector<128x1xi32>
    %jit3A = arith.constant 0xFF800000 : f32
    %broadcast_in_dim3A_26 = vector.shape_cast %lt3A_25 : vector<128x1xi1> to vector<128x1xi1>
    %broadcast_in_dim3A_27 = vector.broadcast %broadcast_in_dim3A_26 : vector<128x1xi1> to vector<128x1024xi1>
    %broadcast_in_dim3A_28 = vector.broadcast %jit3A : f32 to vector<128x1024xf32>
    %select_n3A = arith.select %broadcast_in_dim3A_27, %reduce_max3A_20, %broadcast_in_dim3A_28 : vector<128x1024xi1>, vector<128x1024xf32>
    %get3A_29 = arith.constant 0 : index
    %get3A_30 = arith.constant 0 : index
    %get3A_31 = vector.load %arg15[%get3A_29, %get3A_30] : memref<8x1024xf32, #tpu.memory_space<vmem>>, vector<8x1024xf32>
    %concatenate3A_32 = tpu.concatenate %get3A_31, %select_n3A in 0 : vector<8x1024xf32>, vector<128x1024xf32> -> vector<136x1024xf32>
    %get3A_33 = arith.constant 0 : index
    %get3A_34 = arith.constant 0 : index
    %get3A_35 = vector.load %arg16[%get3A_33, %get3A_34] : memref<8x1024xi32, #tpu.memory_space<vmem>>, vector<8x1024xi32>
    %broadcast_in_dim3A_36 = vector.shape_cast %add3A_23 : vector<128x1xi32> to vector<128x1xi32>
    %broadcast_in_dim3A_37 = vector.broadcast %broadcast_in_dim3A_36 : vector<128x1xi32> to vector<128x1024xi32>
    %concatenate3A_38 = tpu.concatenate %get3A_35, %broadcast_in_dim3A_37 in 0 : vector<8x1024xi32>, vector<128x1024xi32> -> vector<136x1024xi32>
    %reduce_max3A_39 = arith.constant dense<0xFF800000> : vector<1024xf32>
    %reduce_max3A_40 = vector.multi_reduction <maximumf>, %concatenate3A_32, %reduce_max3A_39 [0] : vector<136x1024xf32> to vector<1024xf32>
    %broadcast_in_dim3A_41 = vector.shape_cast %reduce_max3A_40 : vector<1024xf32> to vector<1x1024xf32>
    %eq3A_42 = vector.broadcast %broadcast_in_dim3A_41 : vector<1x1024xf32> to vector<136x1024xf32>
    %eq3A_43 = arith.cmpf oeq, %concatenate3A_32, %eq3A_42 : vector<136x1024xf32>
    %jit3A_44 = arith.constant 1073741824 : i32
    %broadcast_in_dim3A_45 = vector.broadcast %jit3A_44 : i32 to vector<136x1024xi32>
    %select_n3A_46 = arith.select %eq3A_43, %concatenate3A_38, %broadcast_in_dim3A_45 : vector<136x1024xi1>, vector<136x1024xi32>
    %reduce_min3A = arith.constant dense<2147483647> : vector<1024xi32>
    %reduce_min3A_47 = vector.multi_reduction <minsi>, %select_n3A_46, %reduce_min3A [0] : vector<136x1024xi32> to vector<1024xi32>
    %broadcast_in_dim3A_48 = vector.shape_cast %reduce_min3A_47 : vector<1024xi32> to vector<1x1024xi32>
    %eq3A_49 = vector.broadcast %broadcast_in_dim3A_48 : vector<1x1024xi32> to vector<136x1024xi32>
    %eq3A_50 = arith.cmpi eq, %concatenate3A_38, %eq3A_49 : vector<136x1024xi32>
    %jit3A_51 = arith.constant 0xFF800000 : f32
    %broadcast_in_dim3A_52 = vector.broadcast %jit3A_51 : f32 to vector<136x1024xf32>
    %select_n3A_53 = arith.select %eq3A_50, %broadcast_in_dim3A_52, %concatenate3A_32 : vector<136x1024xi1>, vector<136x1024xf32>
    %reduce_max3A_54 = arith.constant dense<0xFF800000> : vector<1024xf32>
    %reduce_max3A_55 = vector.multi_reduction <maximumf>, %select_n3A_53, %reduce_max3A_54 [0] : vector<136x1024xf32> to vector<1024xf32>
    %broadcast_in_dim3A_56 = vector.shape_cast %reduce_max3A_55 : vector<1024xf32> to vector<1x1024xf32>
    %eq3A_57 = vector.broadcast %broadcast_in_dim3A_56 : vector<1x1024xf32> to vector<136x1024xf32>
    %eq3A_58 = arith.cmpf oeq, %select_n3A_53, %eq3A_57 : vector<136x1024xf32>
    %jit3A_59 = arith.constant 1073741824 : i32
    %broadcast_in_dim3A_60 = vector.broadcast %jit3A_59 : i32 to vector<136x1024xi32>
    %select_n3A_61 = arith.select %eq3A_58, %concatenate3A_38, %broadcast_in_dim3A_60 : vector<136x1024xi1>, vector<136x1024xi32>
    %reduce_min3A_62 = arith.constant dense<2147483647> : vector<1024xi32>
    %reduce_min3A_63 = vector.multi_reduction <minsi>, %select_n3A_61, %reduce_min3A_62 [0] : vector<136x1024xi32> to vector<1024xi32>
    %broadcast_in_dim3A_64 = vector.shape_cast %reduce_min3A_63 : vector<1024xi32> to vector<1x1024xi32>
    %eq3A_65 = vector.broadcast %broadcast_in_dim3A_64 : vector<1x1024xi32> to vector<136x1024xi32>
    %eq3A_66 = arith.cmpi eq, %concatenate3A_38, %eq3A_65 : vector<136x1024xi32>
    %jit3A_67 = arith.constant 0xFF800000 : f32
    %broadcast_in_dim3A_68 = vector.broadcast %jit3A_67 : f32 to vector<136x1024xf32>
    %select_n3A_69 = arith.select %eq3A_66, %broadcast_in_dim3A_68, %select_n3A_53 : vector<136x1024xi1>, vector<136x1024xf32>
    %reduce_max3A_70 = arith.constant dense<0xFF800000> : vector<1024xf32>
    %reduce_max3A_71 = vector.multi_reduction <maximumf>, %select_n3A_69, %reduce_max3A_70 [0] : vector<136x1024xf32> to vector<1024xf32>
    %broadcast_in_dim3A_72 = vector.shape_cast %reduce_max3A_71 : vector<1024xf32> to vector<1x1024xf32>
    %eq3A_73 = vector.broadcast %broadcast_in_dim3A_72 : vector<1x1024xf32> to vector<136x1024xf32>
    %eq3A_74 = arith.cmpf oeq, %select_n3A_69, %eq3A_73 : vector<136x1024xf32>
    %jit3A_75 = arith.constant 1073741824 : i32
    %broadcast_in_dim3A_76 = vector.broadcast %jit3A_75 : i32 to vector<136x1024xi32>
    %select_n3A_77 = arith.select %eq3A_74, %concatenate3A_38, %broadcast_in_dim3A_76 : vector<136x1024xi1>, vector<136x1024xi32>
    %reduce_min3A_78 = arith.constant dense<2147483647> : vector<1024xi32>
    %reduce_min3A_79 = vector.multi_reduction <minsi>, %select_n3A_77, %reduce_min3A_78 [0] : vector<136x1024xi32> to vector<1024xi32>
    %broadcast_in_dim3A_80 = vector.shape_cast %reduce_min3A_79 : vector<1024xi32> to vector<1x1024xi32>
    %eq3A_81 = vector.broadcast %broadcast_in_dim3A_80 : vector<1x1024xi32> to vector<136x1024xi32>
    %eq3A_82 = arith.cmpi eq, %concatenate3A_38, %eq3A_81 : vector<136x1024xi32>
    %jit3A_83 = arith.constant 0xFF800000 : f32
    %broadcast_in_dim3A_84 = vector.broadcast %jit3A_83 : f32 to vector<136x1024xf32>
    %select_n3A_85 = arith.select %eq3A_82, %broadcast_in_dim3A_84, %select_n3A_69 : vector<136x1024xi1>, vector<136x1024xf32>
    %reduce_max3A_86 = arith.constant dense<0xFF800000> : vector<1024xf32>
    %reduce_max3A_87 = vector.multi_reduction <maximumf>, %select_n3A_85, %reduce_max3A_86 [0] : vector<136x1024xf32> to vector<1024xf32>
    %broadcast_in_dim3A_88 = vector.shape_cast %reduce_max3A_87 : vector<1024xf32> to vector<1x1024xf32>
    %eq3A_89 = vector.broadcast %broadcast_in_dim3A_88 : vector<1x1024xf32> to vector<136x1024xf32>
    %eq3A_90 = arith.cmpf oeq, %select_n3A_85, %eq3A_89 : vector<136x1024xf32>
    %jit3A_91 = arith.constant 1073741824 : i32
    %broadcast_in_dim3A_92 = vector.broadcast %jit3A_91 : i32 to vector<136x1024xi32>
    %select_n3A_93 = arith.select %eq3A_90, %concatenate3A_38, %broadcast_in_dim3A_92 : vector<136x1024xi1>, vector<136x1024xi32>
    %reduce_min3A_94 = arith.constant dense<2147483647> : vector<1024xi32>
    %reduce_min3A_95 = vector.multi_reduction <minsi>, %select_n3A_93, %reduce_min3A_94 [0] : vector<136x1024xi32> to vector<1024xi32>
    %broadcast_in_dim3A_96 = vector.shape_cast %reduce_min3A_95 : vector<1024xi32> to vector<1x1024xi32>
    %eq3A_97 = vector.broadcast %broadcast_in_dim3A_96 : vector<1x1024xi32> to vector<136x1024xi32>
    %eq3A_98 = arith.cmpi eq, %concatenate3A_38, %eq3A_97 : vector<136x1024xi32>
    %jit3A_99 = arith.constant 0xFF800000 : f32
    %broadcast_in_dim3A_100 = vector.broadcast %jit3A_99 : f32 to vector<136x1024xf32>
    %select_n3A_101 = arith.select %eq3A_98, %broadcast_in_dim3A_100, %select_n3A_85 : vector<136x1024xi1>, vector<136x1024xf32>
    %reduce_max3A_102 = arith.constant dense<0xFF800000> : vector<1024xf32>
    %reduce_max3A_103 = vector.multi_reduction <maximumf>, %select_n3A_101, %reduce_max3A_102 [0] : vector<136x1024xf32> to vector<1024xf32>
    %broadcast_in_dim3A_104 = vector.shape_cast %reduce_max3A_103 : vector<1024xf32> to vector<1x1024xf32>
    %eq3A_105 = vector.broadcast %broadcast_in_dim3A_104 : vector<1x1024xf32> to vector<136x1024xf32>
    %eq3A_106 = arith.cmpf oeq, %select_n3A_101, %eq3A_105 : vector<136x1024xf32>
    %jit3A_107 = arith.constant 1073741824 : i32
    %broadcast_in_dim3A_108 = vector.broadcast %jit3A_107 : i32 to vector<136x1024xi32>
    %select_n3A_109 = arith.select %eq3A_106, %concatenate3A_38, %broadcast_in_dim3A_108 : vector<136x1024xi1>, vector<136x1024xi32>
    %reduce_min3A_110 = arith.constant dense<2147483647> : vector<1024xi32>
    %reduce_min3A_111 = vector.multi_reduction <minsi>, %select_n3A_109, %reduce_min3A_110 [0] : vector<136x1024xi32> to vector<1024xi32>
    %broadcast_in_dim3A_112 = vector.shape_cast %reduce_min3A_111 : vector<1024xi32> to vector<1x1024xi32>
    %iota3A_113 = tpu.iota {dimensions = array<i32: 0>} : vector<8x1xi32>
    %broadcast_in_dim3A_114 = arith.constant 0xFF800000 : f32
    %broadcast_in_dim3A_115 = vector.broadcast %broadcast_in_dim3A_114 : f32 to vector<8x1024xf32>
    %broadcast_in_dim3A_116 = arith.constant 0 : i32
    %broadcast_in_dim3A_117 = vector.broadcast %broadcast_in_dim3A_116 : i32 to vector<8x1024xi32>
    %eq3A_118 = arith.constant 0 : i32
    %eq3A_119 = vector.broadcast %eq3A_118 : i32 to vector<8x1xi32>
    %eq3A_120 = arith.cmpi eq, %iota3A_113, %eq3A_119 : vector<8x1xi32>
    %broadcast_in_dim3A_121 = vector.shape_cast %eq3A_120 : vector<8x1xi1> to vector<8x1xi1>
    %broadcast_in_dim3A_122 = vector.broadcast %broadcast_in_dim3A_121 : vector<8x1xi1> to vector<8x1024xi1>
    %broadcast_in_dim3A_123 = vector.shape_cast %broadcast_in_dim3A_41 : vector<1x1024xf32> to vector<1x1024xf32>
    %broadcast_in_dim3A_124 = vector.broadcast %broadcast_in_dim3A_123 : vector<1x1024xf32> to vector<8x1024xf32>
    %select_n3A_125 = arith.select %broadcast_in_dim3A_122, %broadcast_in_dim3A_124, %broadcast_in_dim3A_115 : vector<8x1024xi1>, vector<8x1024xf32>
    %broadcast_in_dim3A_126 = vector.shape_cast %eq3A_120 : vector<8x1xi1> to vector<8x1xi1>
    %broadcast_in_dim3A_127 = vector.broadcast %broadcast_in_dim3A_126 : vector<8x1xi1> to vector<8x1024xi1>
    %broadcast_in_dim3A_128 = vector.shape_cast %broadcast_in_dim3A_48 : vector<1x1024xi32> to vector<1x1024xi32>
    %broadcast_in_dim3A_129 = vector.broadcast %broadcast_in_dim3A_128 : vector<1x1024xi32> to vector<8x1024xi32>
    %select_n3A_130 = arith.select %broadcast_in_dim3A_127, %broadcast_in_dim3A_129, %broadcast_in_dim3A_117 : vector<8x1024xi1>, vector<8x1024xi32>
    %eq3A_131 = arith.constant 1 : i32
    %eq3A_132 = vector.broadcast %eq3A_131 : i32 to vector<8x1xi32>
    %eq3A_133 = arith.cmpi eq, %iota3A_113, %eq3A_132 : vector<8x1xi32>
    %broadcast_in_dim3A_134 = vector.shape_cast %eq3A_133 : vector<8x1xi1> to vector<8x1xi1>
    %broadcast_in_dim3A_135 = vector.broadcast %broadcast_in_dim3A_134 : vector<8x1xi1> to vector<8x1024xi1>
    %broadcast_in_dim3A_136 = vector.shape_cast %broadcast_in_dim3A_56 : vector<1x1024xf32> to vector<1x1024xf32>
    %broadcast_in_dim3A_137 = vector.broadcast %broadcast_in_dim3A_136 : vector<1x1024xf32> to vector<8x1024xf32>
    %select_n3A_138 = arith.select %broadcast_in_dim3A_135, %broadcast_in_dim3A_137, %select_n3A_125 : vector<8x1024xi1>, vector<8x1024xf32>
    %broadcast_in_dim3A_139 = vector.shape_cast %eq3A_133 : vector<8x1xi1> to vector<8x1xi1>
    %broadcast_in_dim3A_140 = vector.broadcast %broadcast_in_dim3A_139 : vector<8x1xi1> to vector<8x1024xi1>
    %broadcast_in_dim3A_141 = vector.shape_cast %broadcast_in_dim3A_64 : vector<1x1024xi32> to vector<1x1024xi32>
    %broadcast_in_dim3A_142 = vector.broadcast %broadcast_in_dim3A_141 : vector<1x1024xi32> to vector<8x1024xi32>
    %select_n3A_143 = arith.select %broadcast_in_dim3A_140, %broadcast_in_dim3A_142, %select_n3A_130 : vector<8x1024xi1>, vector<8x1024xi32>
    %eq3A_144 = arith.constant 2 : i32
    %eq3A_145 = vector.broadcast %eq3A_144 : i32 to vector<8x1xi32>
    %eq3A_146 = arith.cmpi eq, %iota3A_113, %eq3A_145 : vector<8x1xi32>
    %broadcast_in_dim3A_147 = vector.shape_cast %eq3A_146 : vector<8x1xi1> to vector<8x1xi1>
    %broadcast_in_dim3A_148 = vector.broadcast %broadcast_in_dim3A_147 : vector<8x1xi1> to vector<8x1024xi1>
    %broadcast_in_dim3A_149 = vector.shape_cast %broadcast_in_dim3A_72 : vector<1x1024xf32> to vector<1x1024xf32>
    %broadcast_in_dim3A_150 = vector.broadcast %broadcast_in_dim3A_149 : vector<1x1024xf32> to vector<8x1024xf32>
    %select_n3A_151 = arith.select %broadcast_in_dim3A_148, %broadcast_in_dim3A_150, %select_n3A_138 : vector<8x1024xi1>, vector<8x1024xf32>
    %broadcast_in_dim3A_152 = vector.shape_cast %eq3A_146 : vector<8x1xi1> to vector<8x1xi1>
    %broadcast_in_dim3A_153 = vector.broadcast %broadcast_in_dim3A_152 : vector<8x1xi1> to vector<8x1024xi1>
    %broadcast_in_dim3A_154 = vector.shape_cast %broadcast_in_dim3A_80 : vector<1x1024xi32> to vector<1x1024xi32>
    %broadcast_in_dim3A_155 = vector.broadcast %broadcast_in_dim3A_154 : vector<1x1024xi32> to vector<8x1024xi32>
    %select_n3A_156 = arith.select %broadcast_in_dim3A_153, %broadcast_in_dim3A_155, %select_n3A_143 : vector<8x1024xi1>, vector<8x1024xi32>
    %eq3A_157 = arith.constant 3 : i32
    %eq3A_158 = vector.broadcast %eq3A_157 : i32 to vector<8x1xi32>
    %eq3A_159 = arith.cmpi eq, %iota3A_113, %eq3A_158 : vector<8x1xi32>
    %broadcast_in_dim3A_160 = vector.shape_cast %eq3A_159 : vector<8x1xi1> to vector<8x1xi1>
    %broadcast_in_dim3A_161 = vector.broadcast %broadcast_in_dim3A_160 : vector<8x1xi1> to vector<8x1024xi1>
    %broadcast_in_dim3A_162 = vector.shape_cast %broadcast_in_dim3A_88 : vector<1x1024xf32> to vector<1x1024xf32>
    %broadcast_in_dim3A_163 = vector.broadcast %broadcast_in_dim3A_162 : vector<1x1024xf32> to vector<8x1024xf32>
    %select_n3A_164 = arith.select %broadcast_in_dim3A_161, %broadcast_in_dim3A_163, %select_n3A_151 : vector<8x1024xi1>, vector<8x1024xf32>
    %broadcast_in_dim3A_165 = vector.shape_cast %eq3A_159 : vector<8x1xi1> to vector<8x1xi1>
    %broadcast_in_dim3A_166 = vector.broadcast %broadcast_in_dim3A_165 : vector<8x1xi1> to vector<8x1024xi1>
    %broadcast_in_dim3A_167 = vector.shape_cast %broadcast_in_dim3A_96 : vector<1x1024xi32> to vector<1x1024xi32>
    %broadcast_in_dim3A_168 = vector.broadcast %broadcast_in_dim3A_167 : vector<1x1024xi32> to vector<8x1024xi32>
    %select_n3A_169 = arith.select %broadcast_in_dim3A_166, %broadcast_in_dim3A_168, %select_n3A_156 : vector<8x1024xi1>, vector<8x1024xi32>
    %eq3A_170 = arith.constant 4 : i32
    %eq3A_171 = vector.broadcast %eq3A_170 : i32 to vector<8x1xi32>
    %eq3A_172 = arith.cmpi eq, %iota3A_113, %eq3A_171 : vector<8x1xi32>
    %broadcast_in_dim3A_173 = vector.shape_cast %eq3A_172 : vector<8x1xi1> to vector<8x1xi1>
    %broadcast_in_dim3A_174 = vector.broadcast %broadcast_in_dim3A_173 : vector<8x1xi1> to vector<8x1024xi1>
    %broadcast_in_dim3A_175 = vector.shape_cast %broadcast_in_dim3A_104 : vector<1x1024xf32> to vector<1x1024xf32>
    %broadcast_in_dim3A_176 = vector.broadcast %broadcast_in_dim3A_175 : vector<1x1024xf32> to vector<8x1024xf32>
    %select_n3A_177 = arith.select %broadcast_in_dim3A_174, %broadcast_in_dim3A_176, %select_n3A_164 : vector<8x1024xi1>, vector<8x1024xf32>
    %broadcast_in_dim3A_178 = vector.shape_cast %eq3A_172 : vector<8x1xi1> to vector<8x1xi1>
    %broadcast_in_dim3A_179 = vector.broadcast %broadcast_in_dim3A_178 : vector<8x1xi1> to vector<8x1024xi1>
    %broadcast_in_dim3A_180 = vector.shape_cast %broadcast_in_dim3A_112 : vector<1x1024xi32> to vector<1x1024xi32>
    %broadcast_in_dim3A_181 = vector.broadcast %broadcast_in_dim3A_180 : vector<1x1024xi32> to vector<8x1024xi32>
    %select_n3A_182 = arith.select %broadcast_in_dim3A_179, %broadcast_in_dim3A_181, %select_n3A_169 : vector<8x1024xi1>, vector<8x1024xi32>
    %swap3A_183 = arith.constant 0 : index
    %swap3A_184 = arith.constant 0 : index
    %swap3A_185 = vector.load %arg15[%swap3A_183, %swap3A_184] : memref<8x1024xf32, #tpu.memory_space<vmem>>, vector<8x1024xf32>
    tpu.vector_store %arg15[%swap3A_183, %swap3A_184], %select_n3A_177 {strides = array<i32>} : memref<8x1024xf32, #tpu.memory_space<vmem>>, vector<8x1024xf32>,
    %swap3A_186 = arith.constant 0 : index
    %swap3A_187 = arith.constant 0 : index
    %swap3A_188 = vector.load %arg16[%swap3A_186, %swap3A_187] : memref<8x1024xi32, #tpu.memory_space<vmem>>, vector<8x1024xi32>
    tpu.vector_store %arg16[%swap3A_186, %swap3A_187], %select_n3A_182 {strides = array<i32>} : memref<8x1024xi32, #tpu.memory_space<vmem>>, vector<8x1024xi32>,
    %eq3A_189 = arith.constant 48 : i32
    %eq3A_190 = arith.cmpi eq, %arg0, %eq3A_189 : i32
    %convert_element_type3A_191 = arith.extui %eq3A_190 : i1 to i32
    %cond3A_192 = arith.constant 0 : i32
    %cond3A_193 = arith.cmpi ne, %convert_element_type3A_191, %cond3A_192 : i32
    scf.if %cond3A_193 {
      %iota3A_194 = tpu.iota {dimensions = array<i32: 0>} : vector<80x1xi32>
      %jit3A_195 = arith.constant 16 : i32
      %div3A_196 = vector.broadcast %jit3A_195 : i32 to vector<80x1xi32>
      %div3A_197 = arith.divsi %iota3A_194, %div3A_196 : vector<80x1xi32>
      %sign3A = arith.constant 0 : i32
      %sign3A_198 = vector.broadcast %sign3A : i32 to vector<80x1xi32>
      %sign3A_199 = arith.cmpi sgt, %iota3A_194, %sign3A_198 : vector<80x1xi32>
      %sign3A_200 = arith.extui %sign3A_199 : vector<80x1xi1> to vector<80x1xi32>
      %sign3A_201 = arith.constant 0 : i32
      %sign3A_202 = vector.broadcast %sign3A_201 : i32 to vector<80x1xi32>
      %sign3A_203 = arith.cmpi slt, %iota3A_194, %sign3A_202 : vector<80x1xi32>
      %sign3A_204 = arith.extui %sign3A_203 : vector<80x1xi1> to vector<80x1xi32>
      %sign3A_205 = arith.subi %sign3A_200, %sign3A_204 : vector<80x1xi32>
      %sign3A_206 = arith.constant 0 : i32
      %sign3A_207 = arith.cmpi sgt, %jit3A_195, %sign3A_206 : i32
      %sign3A_208 = arith.extui %sign3A_207 : i1 to i32
      %sign3A_209 = arith.constant 0 : i32
      %sign3A_210 = arith.cmpi slt, %jit3A_195, %sign3A_209 : i32
      %sign3A_211 = arith.extui %sign3A_210 : i1 to i32
      %sign3A_212 = arith.subi %sign3A_208, %sign3A_211 : i32
      %ne3A = vector.broadcast %sign3A_212 : i32 to vector<80x1xi32>
      %ne3A_213 = arith.cmpi ne, %sign3A_205, %ne3A : vector<80x1xi32>
      %rem3A = vector.broadcast %jit3A_195 : i32 to vector<80x1xi32>
      %rem3A_214 = arith.remsi %iota3A_194, %rem3A : vector<80x1xi32>
      %ne3A_215 = arith.constant 0 : i32
      %ne3A_216 = vector.broadcast %ne3A_215 : i32 to vector<80x1xi32>
      %ne3A_217 = arith.cmpi ne, %rem3A_214, %ne3A_216 : vector<80x1xi32>
      %and3A = arith.andi %ne3A_213, %ne3A_217 : vector<80x1xi1>
      %sub3A = arith.constant 1 : i32
      %sub3A_218 = vector.broadcast %sub3A : i32 to vector<80x1xi32>
      %sub3A_219 = arith.subi %div3A_197, %sub3A_218 : vector<80x1xi32>
      %select_n3A_220 = arith.select %and3A, %sub3A_219, %div3A_197 : vector<80x1xi1>, vector<80x1xi32>
      %broadcast_in_dim3A_221 = arith.constant 0 : i32
      %broadcast_in_dim3A_222 = vector.broadcast %broadcast_in_dim3A_221 : i32 to vector<80x1024xi32>
      %eq3A_223 = arith.constant 0 : i32
      %eq3A_224 = vector.broadcast %eq3A_223 : i32 to vector<80x1xi32>
      %eq3A_225 = arith.cmpi eq, %select_n3A_220, %eq3A_224 : vector<80x1xi32>
      %broadcast_in_dim3A_226 = vector.shape_cast %eq3A_225 : vector<80x1xi1> to vector<80x1xi1>
      %broadcast_in_dim3A_227 = vector.broadcast %broadcast_in_dim3A_226 : vector<80x1xi1> to vector<80x1024xi1>
      %broadcast_in_dim3A_228 = vector.shape_cast %broadcast_in_dim3A_48 : vector<1x1024xi32> to vector<1x1024xi32>
      %broadcast_in_dim3A_229 = vector.broadcast %broadcast_in_dim3A_228 : vector<1x1024xi32> to vector<80x1024xi32>
      %select_n3A_230 = arith.select %broadcast_in_dim3A_227, %broadcast_in_dim3A_229, %broadcast_in_dim3A_222 : vector<80x1024xi1>, vector<80x1024xi32>
      %eq3A_231 = arith.constant 1 : i32
      %eq3A_232 = vector.broadcast %eq3A_231 : i32 to vector<80x1xi32>
      %eq3A_233 = arith.cmpi eq, %select_n3A_220, %eq3A_232 : vector<80x1xi32>
      %broadcast_in_dim3A_234 = vector.shape_cast %eq3A_233 : vector<80x1xi1> to vector<80x1xi1>
      %broadcast_in_dim3A_235 = vector.broadcast %broadcast_in_dim3A_234 : vector<80x1xi1> to vector<80x1024xi1>
      %broadcast_in_dim3A_236 = vector.shape_cast %broadcast_in_dim3A_64 : vector<1x1024xi32> to vector<1x1024xi32>
      %broadcast_in_dim3A_237 = vector.broadcast %broadcast_in_dim3A_236 : vector<1x1024xi32> to vector<80x1024xi32>
      %select_n3A_238 = arith.select %broadcast_in_dim3A_235, %broadcast_in_dim3A_237, %select_n3A_230 : vector<80x1024xi1>, vector<80x1024xi32>
      %eq3A_239 = arith.constant 2 : i32
      %eq3A_240 = vector.broadcast %eq3A_239 : i32 to vector<80x1xi32>
      %eq3A_241 = arith.cmpi eq, %select_n3A_220, %eq3A_240 : vector<80x1xi32>
      %broadcast_in_dim3A_242 = vector.shape_cast %eq3A_241 : vector<80x1xi1> to vector<80x1xi1>
      %broadcast_in_dim3A_243 = vector.broadcast %broadcast_in_dim3A_242 : vector<80x1xi1> to vector<80x1024xi1>
      %broadcast_in_dim3A_244 = vector.shape_cast %broadcast_in_dim3A_80 : vector<1x1024xi32> to vector<1x1024xi32>
      %broadcast_in_dim3A_245 = vector.broadcast %broadcast_in_dim3A_244 : vector<1x1024xi32> to vector<80x1024xi32>
      %select_n3A_246 = arith.select %broadcast_in_dim3A_243, %broadcast_in_dim3A_245, %select_n3A_238 : vector<80x1024xi1>, vector<80x1024xi32>
      %eq3A_247 = arith.constant 3 : i32
      %eq3A_248 = vector.broadcast %eq3A_247 : i32 to vector<80x1xi32>
      %eq3A_249 = arith.cmpi eq, %select_n3A_220, %eq3A_248 : vector<80x1xi32>
      %broadcast_in_dim3A_250 = vector.shape_cast %eq3A_249 : vector<80x1xi1> to vector<80x1xi1>
      %broadcast_in_dim3A_251 = vector.broadcast %broadcast_in_dim3A_250 : vector<80x1xi1> to vector<80x1024xi1>
      %broadcast_in_dim3A_252 = vector.shape_cast %broadcast_in_dim3A_96 : vector<1x1024xi32> to vector<1x1024xi32>
      %broadcast_in_dim3A_253 = vector.broadcast %broadcast_in_dim3A_252 : vector<1x1024xi32> to vector<80x1024xi32>
      %select_n3A_254 = arith.select %broadcast_in_dim3A_251, %broadcast_in_dim3A_253, %select_n3A_246 : vector<80x1024xi1>, vector<80x1024xi32>
      %eq3A_255 = arith.constant 4 : i32
      %eq3A_256 = vector.broadcast %eq3A_255 : i32 to vector<80x1xi32>
      %eq3A_257 = arith.cmpi eq, %select_n3A_220, %eq3A_256 : vector<80x1xi32>
      %broadcast_in_dim3A_258 = vector.shape_cast %eq3A_257 : vector<80x1xi1> to vector<80x1xi1>
      %broadcast_in_dim3A_259 = vector.broadcast %broadcast_in_dim3A_258 : vector<80x1xi1> to vector<80x1024xi1>
      %broadcast_in_dim3A_260 = vector.shape_cast %broadcast_in_dim3A_112 : vector<1x1024xi32> to vector<1x1024xi32>
      %broadcast_in_dim3A_261 = vector.broadcast %broadcast_in_dim3A_260 : vector<1x1024xi32> to vector<80x1024xi32>
      %select_n3A_262 = arith.select %broadcast_in_dim3A_259, %broadcast_in_dim3A_261, %select_n3A_254 : vector<80x1024xi1>, vector<80x1024xi32>
      %mul3A_263 = arith.constant 16 : i32
      %mul3A_264 = vector.broadcast %mul3A_263 : i32 to vector<80x1024xi32>
      %mul3A_265 = arith.muli %select_n3A_262, %mul3A_264 : vector<80x1024xi32>
      %jit3A_266 = arith.constant 16 : i32
      %eq3A_267 = arith.constant 0 : i32
      %eq3A_268 = arith.cmpi eq, %jit3A_266, %eq3A_267 : i32
      %jit3A_269 = arith.constant 1 : i32
      %select_n3A_270 = arith.select %eq3A_268, %jit3A_269, %jit3A_266 : i32
      %rem3A_271 = vector.broadcast %select_n3A_270 : i32 to vector<80x1xi32>
      %rem3A_272 = arith.remsi %iota3A_194, %rem3A_271 : vector<80x1xi32>
      %ne3A_273 = arith.constant 0 : i32
      %ne3A_274 = vector.broadcast %ne3A_273 : i32 to vector<80x1xi32>
      %ne3A_275 = arith.cmpi ne, %rem3A_272, %ne3A_274 : vector<80x1xi32>
      %lt3A_276 = arith.constant 0 : i32
      %lt3A_277 = vector.broadcast %lt3A_276 : i32 to vector<80x1xi32>
      %lt3A_278 = arith.cmpi slt, %rem3A_272, %lt3A_277 : vector<80x1xi32>
      %lt3A_279 = arith.constant 0 : i32
      %lt3A_280 = arith.cmpi slt, %select_n3A_270, %lt3A_279 : i32
      %ne3A_281 = vector.broadcast %lt3A_280 : i1 to vector<80x1xi1>
      %ne3A_282 = vector.broadcast %ne3A_281 : vector<80x1xi1> to vector<80x1xi1>
      %ne3A_283 = arith.xori %lt3A_278, %ne3A_282 : vector<80x1xi1>
      %and3A_284 = arith.andi %ne3A_283, %ne3A_275 : vector<80x1xi1>
      %add3A_285 = vector.broadcast %select_n3A_270 : i32 to vector<80x1xi32>
      %add3A_286 = arith.addi %rem3A_272, %add3A_285 : vector<80x1xi32>
      %select_n3A_287 = arith.select %and3A_284, %add3A_286, %rem3A_272 : vector<80x1xi1>, vector<80x1xi32>
      %add3A_288 = vector.broadcast %select_n3A_287 : vector<80x1xi32> to vector<80x1024xi32>
      %add3A_289 = arith.addi %mul3A_265, %add3A_288 : vector<80x1024xi32>
      %swap3A_290 = arith.constant 0 : index
      %swap3A_291 = arith.constant 0 : index
      %swap3A_292 = vector.load %arg10[%swap3A_290, %swap3A_291] : memref<80x1024xi32, #tpu.memory_space<vmem>>, vector<80x1024xi32>
      tpu.vector_store %arg10[%swap3A_290, %swap3A_291], %add3A_289 {strides = array<i32>} : memref<80x1024xi32, #tpu.memory_space<vmem>>, vector<80x1024xi32>,
    } else {
    }
    return
  }
  func.func @transform_0(%arg0: i32) -> (i32, i32) {
    %c0_i32 = arith.constant 0 : i32
    %c0_i32_0 = arith.constant 0 : i32
    %c0_i32_1 = arith.constant 0 : i32
    return %c0_i32, %c0_i32_0 : i32, i32
  }
  func.func @transform_1(%arg0: i32) -> (i32, i32) {
    %c0_i32 = arith.constant 0 : i32
    %c0_i32_0 = arith.constant 0 : i32
    %c0_i32_1 = arith.constant 0 : i32
    return %c0_i32, %c0_i32_0 : i32, i32
  }
  func.func @transform_2(%arg0: i32) -> (i32, i32) {
    %c0_i32 = arith.constant 0 : i32
    %c0_i32_0 = arith.constant 0 : i32
    %c0_i32_1 = arith.constant 0 : i32
    return %c0_i32, %c0_i32_0 : i32, i32
  }
  func.func @transform_3(%arg0: i32) -> (i32, i32) {
    %c0_i32 = arith.constant 0 : i32
    %c0_i32_0 = arith.constant 0 : i32
    %c0_i32_1 = arith.constant 0 : i32
    return %c0_i32, %c0_i32_0 : i32, i32
  }
  func.func @transform_4(%arg0: i32) -> (i32, i32) {
    %c0_i32 = arith.constant 0 : i32
    %c0_i32_0 = arith.constant 0 : i32
    %c0_i32_1 = arith.constant 0 : i32
    return %c0_i32, %c0_i32_0 : i32, i32
  }
  func.func @transform_5(%arg0: i32) -> (i32, i32) {
    %c0_i32 = arith.constant 0 : i32
    %c0_i32_0 = arith.constant 0 : i32
    %c0_i32_1 = arith.constant 0 : i32
    return %c0_i32, %c0_i32_0 : i32, i32
  }
  func.func @transform_6(%arg0: i32) -> (i32, i32) {
    %c0_i32 = arith.constant 0 : i32
    %c0_i32_0 = arith.constant 0 : i32
    %c0_i32_1 = arith.constant 0 : i32
    return %c0_i32, %c0_i32_0 : i32, i32
  }
  func.func @transform_7(%arg0: i32) -> (i32, i32) {
    %c0_i32 = arith.constant 0 : i32
    %c0_i32_0 = arith.constant 0 : i32
    return %arg0, %c0_i32 : i32, i32
  }
  func.func @transform_8(%arg0: i32) -> (i32, i32) {
    %c0_i32 = arith.constant 0 : i32
    %c0_i32_0 = arith.constant 0 : i32
    return %arg0, %c0_i32 : i32, i32
  }
  func.func @transform_9(%arg0: i32) -> (i32, i32) {
    %c0_i32 = arith.constant 0 : i32
    %c0_i32_0 = arith.constant 0 : i32
    %c0_i32_1 = arith.constant 0 : i32
    return %c0_i32, %c0_i32_0 : i32, i32
  }
  func.func @transform_10(%arg0: i32) -> (i32, i32) {
    %c0_i32 = arith.constant 0 : i32
    %c0_i32_0 = arith.constant 0 : i32
    return %arg0, %c0_i32 : i32, i32
  }
  func.func @transform_11(%arg0: i32) -> (i32, i32) {
    %c0_i32 = arith.constant 0 : i32
    %c0_i32_0 = arith.constant 0 : i32
    %c0_i32_1 = arith.constant 0 : i32
    return %c0_i32, %c0_i32_0 : i32, i32
  }
  func.func @transform_12(%arg0: i32) -> (i32, i32) {
    %c0_i32 = arith.constant 0 : i32
    %c0_i32_0 = arith.constant 0 : i32
    %c0_i32_1 = arith.constant 0 : i32
    return %c0_i32, %c0_i32_0 : i32, i32
  }
}

module attributes {stable_mosaic.version = 14 : i64} {
  func.func @_resolve_body(%arg0: i32, %arg1: memref<256x64xf32, #tpu.memory_space<vmem>>, %arg2: memref<80x256x128xf32, #tpu.memory_space<vmem>>, %arg3: memref<80x256xi32, #tpu.memory_space<vmem>>, %arg4: memref<256x5xi32, #tpu.memory_space<vmem>>) attributes {dimension_semantics = [#tpu.dimension_semantics<parallel>], iteration_bounds = array<i64: 4>, scalar_prefetch = 0 : i64, scratch_operands = 0 : i64, tpu.core_type = #tpu.core_type<tc>, window_params = [{transform_indices = @transform_0, window_bounds = array<i64: 256, 64>}, {transform_indices = @transform_1, window_bounds = array<i64: 80, 256, 128>}, {transform_indices = @transform_2, window_bounds = array<i64: 80, 256>}, {transform_indices = @transform_3, window_bounds = array<i64: 256, 5>}]} {
    %get3A = arith.constant 0 : index
    %get3A_0 = arith.constant 0 : index
    %get3A_1 = vector.load %arg1[%get3A, %get3A_0] : memref<256x64xf32, #tpu.memory_space<vmem>>, vector<256x64xf32>
    %get3A_2 = arith.constant 0 : index
    %get3A_3 = arith.constant 0 : index
    %get3A_4 = arith.constant 0 : index
    %get3A_5 = vector.load %arg2[%get3A_2, %get3A_3, %get3A_4] : memref<80x256x128xf32, #tpu.memory_space<vmem>>, vector<1x256x128xf32>
    %get3A_6 = vector.shape_cast %get3A_5 : vector<1x256x128xf32> to vector<256x128xf32>
    %slice3A = vector.extract_strided_slice %get3A_6 {offsets = [0, 0], sizes = [256, 64], strides = [1, 1]} : vector<256x128xf32> to vector<256x64xf32>
    %mul3A = arith.mulf %slice3A, %get3A_1 : vector<256x64xf32>
    %reduce_sum3A = arith.constant dense<0.000000e+00> : vector<256xf32>
    %reduce_sum3A_7 = vector.multi_reduction <add>, %mul3A, %reduce_sum3A [1] : vector<256x64xf32> to vector<256xf32>
    %broadcast_in_dim3A = vector.shape_cast %reduce_sum3A_7 : vector<256xf32> to vector<256x1xf32>
    %get3A_8 = arith.constant 1 : index
    %get3A_9 = arith.constant 0 : index
    %get3A_10 = arith.constant 0 : index
    %get3A_11 = vector.load %arg2[%get3A_8, %get3A_9, %get3A_10] : memref<80x256x128xf32, #tpu.memory_space<vmem>>, vector<1x256x128xf32>
    %get3A_12 = vector.shape_cast %get3A_11 : vector<1x256x128xf32> to vector<256x128xf32>
    %slice3A_13 = vector.extract_strided_slice %get3A_12 {offsets = [0, 0], sizes = [256, 64], strides = [1, 1]} : vector<256x128xf32> to vector<256x64xf32>
    %mul3A_14 = arith.mulf %slice3A_13, %get3A_1 : vector<256x64xf32>
    %reduce_sum3A_15 = arith.constant dense<0.000000e+00> : vector<256xf32>
    %reduce_sum3A_16 = vector.multi_reduction <add>, %mul3A_14, %reduce_sum3A_15 [1] : vector<256x64xf32> to vector<256xf32>
    %broadcast_in_dim3A_17 = vector.shape_cast %reduce_sum3A_16 : vector<256xf32> to vector<256x1xf32>
    %get3A_18 = arith.constant 2 : index
    %get3A_19 = arith.constant 0 : index
    %get3A_20 = arith.constant 0 : index
    %get3A_21 = vector.load %arg2[%get3A_18, %get3A_19, %get3A_20] : memref<80x256x128xf32, #tpu.memory_space<vmem>>, vector<1x256x128xf32>
    %get3A_22 = vector.shape_cast %get3A_21 : vector<1x256x128xf32> to vector<256x128xf32>
    %slice3A_23 = vector.extract_strided_slice %get3A_22 {offsets = [0, 0], sizes = [256, 64], strides = [1, 1]} : vector<256x128xf32> to vector<256x64xf32>
    %mul3A_24 = arith.mulf %slice3A_23, %get3A_1 : vector<256x64xf32>
    %reduce_sum3A_25 = arith.constant dense<0.000000e+00> : vector<256xf32>
    %reduce_sum3A_26 = vector.multi_reduction <add>, %mul3A_24, %reduce_sum3A_25 [1] : vector<256x64xf32> to vector<256xf32>
    %broadcast_in_dim3A_27 = vector.shape_cast %reduce_sum3A_26 : vector<256xf32> to vector<256x1xf32>
    %get3A_28 = arith.constant 3 : index
    %get3A_29 = arith.constant 0 : index
    %get3A_30 = arith.constant 0 : index
    %get3A_31 = vector.load %arg2[%get3A_28, %get3A_29, %get3A_30] : memref<80x256x128xf32, #tpu.memory_space<vmem>>, vector<1x256x128xf32>
    %get3A_32 = vector.shape_cast %get3A_31 : vector<1x256x128xf32> to vector<256x128xf32>
    %slice3A_33 = vector.extract_strided_slice %get3A_32 {offsets = [0, 0], sizes = [256, 64], strides = [1, 1]} : vector<256x128xf32> to vector<256x64xf32>
    %mul3A_34 = arith.mulf %slice3A_33, %get3A_1 : vector<256x64xf32>
    %reduce_sum3A_35 = arith.constant dense<0.000000e+00> : vector<256xf32>
    %reduce_sum3A_36 = vector.multi_reduction <add>, %mul3A_34, %reduce_sum3A_35 [1] : vector<256x64xf32> to vector<256xf32>
    %broadcast_in_dim3A_37 = vector.shape_cast %reduce_sum3A_36 : vector<256xf32> to vector<256x1xf32>
    %get3A_38 = arith.constant 4 : index
    %get3A_39 = arith.constant 0 : index
    %get3A_40 = arith.constant 0 : index
    %get3A_41 = vector.load %arg2[%get3A_38, %get3A_39, %get3A_40] : memref<80x256x128xf32, #tpu.memory_space<vmem>>, vector<1x256x128xf32>
    %get3A_42 = vector.shape_cast %get3A_41 : vector<1x256x128xf32> to vector<256x128xf32>
    %slice3A_43 = vector.extract_strided_slice %get3A_42 {offsets = [0, 0], sizes = [256, 64], strides = [1, 1]} : vector<256x128xf32> to vector<256x64xf32>
    %mul3A_44 = arith.mulf %slice3A_43, %get3A_1 : vector<256x64xf32>
    %reduce_sum3A_45 = arith.constant dense<0.000000e+00> : vector<256xf32>
    %reduce_sum3A_46 = vector.multi_reduction <add>, %mul3A_44, %reduce_sum3A_45 [1] : vector<256x64xf32> to vector<256xf32>
    %broadcast_in_dim3A_47 = vector.shape_cast %reduce_sum3A_46 : vector<256xf32> to vector<256x1xf32>
    %get3A_48 = arith.constant 5 : index
    %get3A_49 = arith.constant 0 : index
    %get3A_50 = arith.constant 0 : index
    %get3A_51 = vector.load %arg2[%get3A_48, %get3A_49, %get3A_50] : memref<80x256x128xf32, #tpu.memory_space<vmem>>, vector<1x256x128xf32>
    %get3A_52 = vector.shape_cast %get3A_51 : vector<1x256x128xf32> to vector<256x128xf32>
    %slice3A_53 = vector.extract_strided_slice %get3A_52 {offsets = [0, 0], sizes = [256, 64], strides = [1, 1]} : vector<256x128xf32> to vector<256x64xf32>
    %mul3A_54 = arith.mulf %slice3A_53, %get3A_1 : vector<256x64xf32>
    %reduce_sum3A_55 = arith.constant dense<0.000000e+00> : vector<256xf32>
    %reduce_sum3A_56 = vector.multi_reduction <add>, %mul3A_54, %reduce_sum3A_55 [1] : vector<256x64xf32> to vector<256xf32>
    %broadcast_in_dim3A_57 = vector.shape_cast %reduce_sum3A_56 : vector<256xf32> to vector<256x1xf32>
    %get3A_58 = arith.constant 6 : index
    %get3A_59 = arith.constant 0 : index
    %get3A_60 = arith.constant 0 : index
    %get3A_61 = vector.load %arg2[%get3A_58, %get3A_59, %get3A_60] : memref<80x256x128xf32, #tpu.memory_space<vmem>>, vector<1x256x128xf32>
    %get3A_62 = vector.shape_cast %get3A_61 : vector<1x256x128xf32> to vector<256x128xf32>
    %slice3A_63 = vector.extract_strided_slice %get3A_62 {offsets = [0, 0], sizes = [256, 64], strides = [1, 1]} : vector<256x128xf32> to vector<256x64xf32>
    %mul3A_64 = arith.mulf %slice3A_63, %get3A_1 : vector<256x64xf32>
    %reduce_sum3A_65 = arith.constant dense<0.000000e+00> : vector<256xf32>
    %reduce_sum3A_66 = vector.multi_reduction <add>, %mul3A_64, %reduce_sum3A_65 [1] : vector<256x64xf32> to vector<256xf32>
    %broadcast_in_dim3A_67 = vector.shape_cast %reduce_sum3A_66 : vector<256xf32> to vector<256x1xf32>
    %get3A_68 = arith.constant 7 : index
    %get3A_69 = arith.constant 0 : index
    %get3A_70 = arith.constant 0 : index
    %get3A_71 = vector.load %arg2[%get3A_68, %get3A_69, %get3A_70] : memref<80x256x128xf32, #tpu.memory_space<vmem>>, vector<1x256x128xf32>
    %get3A_72 = vector.shape_cast %get3A_71 : vector<1x256x128xf32> to vector<256x128xf32>
    %slice3A_73 = vector.extract_strided_slice %get3A_72 {offsets = [0, 0], sizes = [256, 64], strides = [1, 1]} : vector<256x128xf32> to vector<256x64xf32>
    %mul3A_74 = arith.mulf %slice3A_73, %get3A_1 : vector<256x64xf32>
    %reduce_sum3A_75 = arith.constant dense<0.000000e+00> : vector<256xf32>
    %reduce_sum3A_76 = vector.multi_reduction <add>, %mul3A_74, %reduce_sum3A_75 [1] : vector<256x64xf32> to vector<256xf32>
    %broadcast_in_dim3A_77 = vector.shape_cast %reduce_sum3A_76 : vector<256xf32> to vector<256x1xf32>
    %get3A_78 = arith.constant 8 : index
    %get3A_79 = arith.constant 0 : index
    %get3A_80 = arith.constant 0 : index
    %get3A_81 = vector.load %arg2[%get3A_78, %get3A_79, %get3A_80] : memref<80x256x128xf32, #tpu.memory_space<vmem>>, vector<1x256x128xf32>
    %get3A_82 = vector.shape_cast %get3A_81 : vector<1x256x128xf32> to vector<256x128xf32>
    %slice3A_83 = vector.extract_strided_slice %get3A_82 {offsets = [0, 0], sizes = [256, 64], strides = [1, 1]} : vector<256x128xf32> to vector<256x64xf32>
    %mul3A_84 = arith.mulf %slice3A_83, %get3A_1 : vector<256x64xf32>
    %reduce_sum3A_85 = arith.constant dense<0.000000e+00> : vector<256xf32>
    %reduce_sum3A_86 = vector.multi_reduction <add>, %mul3A_84, %reduce_sum3A_85 [1] : vector<256x64xf32> to vector<256xf32>
    %broadcast_in_dim3A_87 = vector.shape_cast %reduce_sum3A_86 : vector<256xf32> to vector<256x1xf32>
    %get3A_88 = arith.constant 9 : index
    %get3A_89 = arith.constant 0 : index
    %get3A_90 = arith.constant 0 : index
    %get3A_91 = vector.load %arg2[%get3A_88, %get3A_89, %get3A_90] : memref<80x256x128xf32, #tpu.memory_space<vmem>>, vector<1x256x128xf32>
    %get3A_92 = vector.shape_cast %get3A_91 : vector<1x256x128xf32> to vector<256x128xf32>
    %slice3A_93 = vector.extract_strided_slice %get3A_92 {offsets = [0, 0], sizes = [256, 64], strides = [1, 1]} : vector<256x128xf32> to vector<256x64xf32>
    %mul3A_94 = arith.mulf %slice3A_93, %get3A_1 : vector<256x64xf32>
    %reduce_sum3A_95 = arith.constant dense<0.000000e+00> : vector<256xf32>
    %reduce_sum3A_96 = vector.multi_reduction <add>, %mul3A_94, %reduce_sum3A_95 [1] : vector<256x64xf32> to vector<256xf32>
    %broadcast_in_dim3A_97 = vector.shape_cast %reduce_sum3A_96 : vector<256xf32> to vector<256x1xf32>
    %get3A_98 = arith.constant 10 : index
    %get3A_99 = arith.constant 0 : index
    %get3A_100 = arith.constant 0 : index
    %get3A_101 = vector.load %arg2[%get3A_98, %get3A_99, %get3A_100] : memref<80x256x128xf32, #tpu.memory_space<vmem>>, vector<1x256x128xf32>
    %get3A_102 = vector.shape_cast %get3A_101 : vector<1x256x128xf32> to vector<256x128xf32>
    %slice3A_103 = vector.extract_strided_slice %get3A_102 {offsets = [0, 0], sizes = [256, 64], strides = [1, 1]} : vector<256x128xf32> to vector<256x64xf32>
    %mul3A_104 = arith.mulf %slice3A_103, %get3A_1 : vector<256x64xf32>
    %reduce_sum3A_105 = arith.constant dense<0.000000e+00> : vector<256xf32>
    %reduce_sum3A_106 = vector.multi_reduction <add>, %mul3A_104, %reduce_sum3A_105 [1] : vector<256x64xf32> to vector<256xf32>
    %broadcast_in_dim3A_107 = vector.shape_cast %reduce_sum3A_106 : vector<256xf32> to vector<256x1xf32>
    %get3A_108 = arith.constant 11 : index
    %get3A_109 = arith.constant 0 : index
    %get3A_110 = arith.constant 0 : index
    %get3A_111 = vector.load %arg2[%get3A_108, %get3A_109, %get3A_110] : memref<80x256x128xf32, #tpu.memory_space<vmem>>, vector<1x256x128xf32>
    %get3A_112 = vector.shape_cast %get3A_111 : vector<1x256x128xf32> to vector<256x128xf32>
    %slice3A_113 = vector.extract_strided_slice %get3A_112 {offsets = [0, 0], sizes = [256, 64], strides = [1, 1]} : vector<256x128xf32> to vector<256x64xf32>
    %mul3A_114 = arith.mulf %slice3A_113, %get3A_1 : vector<256x64xf32>
    %reduce_sum3A_115 = arith.constant dense<0.000000e+00> : vector<256xf32>
    %reduce_sum3A_116 = vector.multi_reduction <add>, %mul3A_114, %reduce_sum3A_115 [1] : vector<256x64xf32> to vector<256xf32>
    %broadcast_in_dim3A_117 = vector.shape_cast %reduce_sum3A_116 : vector<256xf32> to vector<256x1xf32>
    %get3A_118 = arith.constant 12 : index
    %get3A_119 = arith.constant 0 : index
    %get3A_120 = arith.constant 0 : index
    %get3A_121 = vector.load %arg2[%get3A_118, %get3A_119, %get3A_120] : memref<80x256x128xf32, #tpu.memory_space<vmem>>, vector<1x256x128xf32>
    %get3A_122 = vector.shape_cast %get3A_121 : vector<1x256x128xf32> to vector<256x128xf32>
    %slice3A_123 = vector.extract_strided_slice %get3A_122 {offsets = [0, 0], sizes = [256, 64], strides = [1, 1]} : vector<256x128xf32> to vector<256x64xf32>
    %mul3A_124 = arith.mulf %slice3A_123, %get3A_1 : vector<256x64xf32>
    %reduce_sum3A_125 = arith.constant dense<0.000000e+00> : vector<256xf32>
    %reduce_sum3A_126 = vector.multi_reduction <add>, %mul3A_124, %reduce_sum3A_125 [1] : vector<256x64xf32> to vector<256xf32>
    %broadcast_in_dim3A_127 = vector.shape_cast %reduce_sum3A_126 : vector<256xf32> to vector<256x1xf32>
    %get3A_128 = arith.constant 13 : index
    %get3A_129 = arith.constant 0 : index
    %get3A_130 = arith.constant 0 : index
    %get3A_131 = vector.load %arg2[%get3A_128, %get3A_129, %get3A_130] : memref<80x256x128xf32, #tpu.memory_space<vmem>>, vector<1x256x128xf32>
    %get3A_132 = vector.shape_cast %get3A_131 : vector<1x256x128xf32> to vector<256x128xf32>
    %slice3A_133 = vector.extract_strided_slice %get3A_132 {offsets = [0, 0], sizes = [256, 64], strides = [1, 1]} : vector<256x128xf32> to vector<256x64xf32>
    %mul3A_134 = arith.mulf %slice3A_133, %get3A_1 : vector<256x64xf32>
    %reduce_sum3A_135 = arith.constant dense<0.000000e+00> : vector<256xf32>
    %reduce_sum3A_136 = vector.multi_reduction <add>, %mul3A_134, %reduce_sum3A_135 [1] : vector<256x64xf32> to vector<256xf32>
    %broadcast_in_dim3A_137 = vector.shape_cast %reduce_sum3A_136 : vector<256xf32> to vector<256x1xf32>
    %get3A_138 = arith.constant 14 : index
    %get3A_139 = arith.constant 0 : index
    %get3A_140 = arith.constant 0 : index
    %get3A_141 = vector.load %arg2[%get3A_138, %get3A_139, %get3A_140] : memref<80x256x128xf32, #tpu.memory_space<vmem>>, vector<1x256x128xf32>
    %get3A_142 = vector.shape_cast %get3A_141 : vector<1x256x128xf32> to vector<256x128xf32>
    %slice3A_143 = vector.extract_strided_slice %get3A_142 {offsets = [0, 0], sizes = [256, 64], strides = [1, 1]} : vector<256x128xf32> to vector<256x64xf32>
    %mul3A_144 = arith.mulf %slice3A_143, %get3A_1 : vector<256x64xf32>
    %reduce_sum3A_145 = arith.constant dense<0.000000e+00> : vector<256xf32>
    %reduce_sum3A_146 = vector.multi_reduction <add>, %mul3A_144, %reduce_sum3A_145 [1] : vector<256x64xf32> to vector<256xf32>
    %broadcast_in_dim3A_147 = vector.shape_cast %reduce_sum3A_146 : vector<256xf32> to vector<256x1xf32>
    %get3A_148 = arith.constant 15 : index
    %get3A_149 = arith.constant 0 : index
    %get3A_150 = arith.constant 0 : index
    %get3A_151 = vector.load %arg2[%get3A_148, %get3A_149, %get3A_150] : memref<80x256x128xf32, #tpu.memory_space<vmem>>, vector<1x256x128xf32>
    %get3A_152 = vector.shape_cast %get3A_151 : vector<1x256x128xf32> to vector<256x128xf32>
    %slice3A_153 = vector.extract_strided_slice %get3A_152 {offsets = [0, 0], sizes = [256, 64], strides = [1, 1]} : vector<256x128xf32> to vector<256x64xf32>
    %mul3A_154 = arith.mulf %slice3A_153, %get3A_1 : vector<256x64xf32>
    %reduce_sum3A_155 = arith.constant dense<0.000000e+00> : vector<256xf32>
    %reduce_sum3A_156 = vector.multi_reduction <add>, %mul3A_154, %reduce_sum3A_155 [1] : vector<256x64xf32> to vector<256xf32>
    %broadcast_in_dim3A_157 = vector.shape_cast %reduce_sum3A_156 : vector<256xf32> to vector<256x1xf32>
    %get3A_158 = arith.constant 16 : index
    %get3A_159 = arith.constant 0 : index
    %get3A_160 = arith.constant 0 : index
    %get3A_161 = vector.load %arg2[%get3A_158, %get3A_159, %get3A_160] : memref<80x256x128xf32, #tpu.memory_space<vmem>>, vector<1x256x128xf32>
    %get3A_162 = vector.shape_cast %get3A_161 : vector<1x256x128xf32> to vector<256x128xf32>
    %slice3A_163 = vector.extract_strided_slice %get3A_162 {offsets = [0, 0], sizes = [256, 64], strides = [1, 1]} : vector<256x128xf32> to vector<256x64xf32>
    %mul3A_164 = arith.mulf %slice3A_163, %get3A_1 : vector<256x64xf32>
    %reduce_sum3A_165 = arith.constant dense<0.000000e+00> : vector<256xf32>
    %reduce_sum3A_166 = vector.multi_reduction <add>, %mul3A_164, %reduce_sum3A_165 [1] : vector<256x64xf32> to vector<256xf32>
    %broadcast_in_dim3A_167 = vector.shape_cast %reduce_sum3A_166 : vector<256xf32> to vector<256x1xf32>
    %get3A_168 = arith.constant 17 : index
    %get3A_169 = arith.constant 0 : index
    %get3A_170 = arith.constant 0 : index
    %get3A_171 = vector.load %arg2[%get3A_168, %get3A_169, %get3A_170] : memref<80x256x128xf32, #tpu.memory_space<vmem>>, vector<1x256x128xf32>
    %get3A_172 = vector.shape_cast %get3A_171 : vector<1x256x128xf32> to vector<256x128xf32>
    %slice3A_173 = vector.extract_strided_slice %get3A_172 {offsets = [0, 0], sizes = [256, 64], strides = [1, 1]} : vector<256x128xf32> to vector<256x64xf32>
    %mul3A_174 = arith.mulf %slice3A_173, %get3A_1 : vector<256x64xf32>
    %reduce_sum3A_175 = arith.constant dense<0.000000e+00> : vector<256xf32>
    %reduce_sum3A_176 = vector.multi_reduction <add>, %mul3A_174, %reduce_sum3A_175 [1] : vector<256x64xf32> to vector<256xf32>
    %broadcast_in_dim3A_177 = vector.shape_cast %reduce_sum3A_176 : vector<256xf32> to vector<256x1xf32>
    %get3A_178 = arith.constant 18 : index
    %get3A_179 = arith.constant 0 : index
    %get3A_180 = arith.constant 0 : index
    %get3A_181 = vector.load %arg2[%get3A_178, %get3A_179, %get3A_180] : memref<80x256x128xf32, #tpu.memory_space<vmem>>, vector<1x256x128xf32>
    %get3A_182 = vector.shape_cast %get3A_181 : vector<1x256x128xf32> to vector<256x128xf32>
    %slice3A_183 = vector.extract_strided_slice %get3A_182 {offsets = [0, 0], sizes = [256, 64], strides = [1, 1]} : vector<256x128xf32> to vector<256x64xf32>
    %mul3A_184 = arith.mulf %slice3A_183, %get3A_1 : vector<256x64xf32>
    %reduce_sum3A_185 = arith.constant dense<0.000000e+00> : vector<256xf32>
    %reduce_sum3A_186 = vector.multi_reduction <add>, %mul3A_184, %reduce_sum3A_185 [1] : vector<256x64xf32> to vector<256xf32>
    %broadcast_in_dim3A_187 = vector.shape_cast %reduce_sum3A_186 : vector<256xf32> to vector<256x1xf32>
    %get3A_188 = arith.constant 19 : index
    %get3A_189 = arith.constant 0 : index
    %get3A_190 = arith.constant 0 : index
    %get3A_191 = vector.load %arg2[%get3A_188, %get3A_189, %get3A_190] : memref<80x256x128xf32, #tpu.memory_space<vmem>>, vector<1x256x128xf32>
    %get3A_192 = vector.shape_cast %get3A_191 : vector<1x256x128xf32> to vector<256x128xf32>
    %slice3A_193 = vector.extract_strided_slice %get3A_192 {offsets = [0, 0], sizes = [256, 64], strides = [1, 1]} : vector<256x128xf32> to vector<256x64xf32>
    %mul3A_194 = arith.mulf %slice3A_193, %get3A_1 : vector<256x64xf32>
    %reduce_sum3A_195 = arith.constant dense<0.000000e+00> : vector<256xf32>
    %reduce_sum3A_196 = vector.multi_reduction <add>, %mul3A_194, %reduce_sum3A_195 [1] : vector<256x64xf32> to vector<256xf32>
    %broadcast_in_dim3A_197 = vector.shape_cast %reduce_sum3A_196 : vector<256xf32> to vector<256x1xf32>
    %get3A_198 = arith.constant 20 : index
    %get3A_199 = arith.constant 0 : index
    %get3A_200 = arith.constant 0 : index
    %get3A_201 = vector.load %arg2[%get3A_198, %get3A_199, %get3A_200] : memref<80x256x128xf32, #tpu.memory_space<vmem>>, vector<1x256x128xf32>
    %get3A_202 = vector.shape_cast %get3A_201 : vector<1x256x128xf32> to vector<256x128xf32>
    %slice3A_203 = vector.extract_strided_slice %get3A_202 {offsets = [0, 0], sizes = [256, 64], strides = [1, 1]} : vector<256x128xf32> to vector<256x64xf32>
    %mul3A_204 = arith.mulf %slice3A_203, %get3A_1 : vector<256x64xf32>
    %reduce_sum3A_205 = arith.constant dense<0.000000e+00> : vector<256xf32>
    %reduce_sum3A_206 = vector.multi_reduction <add>, %mul3A_204, %reduce_sum3A_205 [1] : vector<256x64xf32> to vector<256xf32>
    %broadcast_in_dim3A_207 = vector.shape_cast %reduce_sum3A_206 : vector<256xf32> to vector<256x1xf32>
    %get3A_208 = arith.constant 21 : index
    %get3A_209 = arith.constant 0 : index
    %get3A_210 = arith.constant 0 : index
    %get3A_211 = vector.load %arg2[%get3A_208, %get3A_209, %get3A_210] : memref<80x256x128xf32, #tpu.memory_space<vmem>>, vector<1x256x128xf32>
    %get3A_212 = vector.shape_cast %get3A_211 : vector<1x256x128xf32> to vector<256x128xf32>
    %slice3A_213 = vector.extract_strided_slice %get3A_212 {offsets = [0, 0], sizes = [256, 64], strides = [1, 1]} : vector<256x128xf32> to vector<256x64xf32>
    %mul3A_214 = arith.mulf %slice3A_213, %get3A_1 : vector<256x64xf32>
    %reduce_sum3A_215 = arith.constant dense<0.000000e+00> : vector<256xf32>
    %reduce_sum3A_216 = vector.multi_reduction <add>, %mul3A_214, %reduce_sum3A_215 [1] : vector<256x64xf32> to vector<256xf32>
    %broadcast_in_dim3A_217 = vector.shape_cast %reduce_sum3A_216 : vector<256xf32> to vector<256x1xf32>
    %get3A_218 = arith.constant 22 : index
    %get3A_219 = arith.constant 0 : index
    %get3A_220 = arith.constant 0 : index
    %get3A_221 = vector.load %arg2[%get3A_218, %get3A_219, %get3A_220] : memref<80x256x128xf32, #tpu.memory_space<vmem>>, vector<1x256x128xf32>
    %get3A_222 = vector.shape_cast %get3A_221 : vector<1x256x128xf32> to vector<256x128xf32>
    %slice3A_223 = vector.extract_strided_slice %get3A_222 {offsets = [0, 0], sizes = [256, 64], strides = [1, 1]} : vector<256x128xf32> to vector<256x64xf32>
    %mul3A_224 = arith.mulf %slice3A_223, %get3A_1 : vector<256x64xf32>
    %reduce_sum3A_225 = arith.constant dense<0.000000e+00> : vector<256xf32>
    %reduce_sum3A_226 = vector.multi_reduction <add>, %mul3A_224, %reduce_sum3A_225 [1] : vector<256x64xf32> to vector<256xf32>
    %broadcast_in_dim3A_227 = vector.shape_cast %reduce_sum3A_226 : vector<256xf32> to vector<256x1xf32>
    %get3A_228 = arith.constant 23 : index
    %get3A_229 = arith.constant 0 : index
    %get3A_230 = arith.constant 0 : index
    %get3A_231 = vector.load %arg2[%get3A_228, %get3A_229, %get3A_230] : memref<80x256x128xf32, #tpu.memory_space<vmem>>, vector<1x256x128xf32>
    %get3A_232 = vector.shape_cast %get3A_231 : vector<1x256x128xf32> to vector<256x128xf32>
    %slice3A_233 = vector.extract_strided_slice %get3A_232 {offsets = [0, 0], sizes = [256, 64], strides = [1, 1]} : vector<256x128xf32> to vector<256x64xf32>
    %mul3A_234 = arith.mulf %slice3A_233, %get3A_1 : vector<256x64xf32>
    %reduce_sum3A_235 = arith.constant dense<0.000000e+00> : vector<256xf32>
    %reduce_sum3A_236 = vector.multi_reduction <add>, %mul3A_234, %reduce_sum3A_235 [1] : vector<256x64xf32> to vector<256xf32>
    %broadcast_in_dim3A_237 = vector.shape_cast %reduce_sum3A_236 : vector<256xf32> to vector<256x1xf32>
    %get3A_238 = arith.constant 24 : index
    %get3A_239 = arith.constant 0 : index
    %get3A_240 = arith.constant 0 : index
    %get3A_241 = vector.load %arg2[%get3A_238, %get3A_239, %get3A_240] : memref<80x256x128xf32, #tpu.memory_space<vmem>>, vector<1x256x128xf32>
    %get3A_242 = vector.shape_cast %get3A_241 : vector<1x256x128xf32> to vector<256x128xf32>
    %slice3A_243 = vector.extract_strided_slice %get3A_242 {offsets = [0, 0], sizes = [256, 64], strides = [1, 1]} : vector<256x128xf32> to vector<256x64xf32>
    %mul3A_244 = arith.mulf %slice3A_243, %get3A_1 : vector<256x64xf32>
    %reduce_sum3A_245 = arith.constant dense<0.000000e+00> : vector<256xf32>
    %reduce_sum3A_246 = vector.multi_reduction <add>, %mul3A_244, %reduce_sum3A_245 [1] : vector<256x64xf32> to vector<256xf32>
    %broadcast_in_dim3A_247 = vector.shape_cast %reduce_sum3A_246 : vector<256xf32> to vector<256x1xf32>
    %get3A_248 = arith.constant 25 : index
    %get3A_249 = arith.constant 0 : index
    %get3A_250 = arith.constant 0 : index
    %get3A_251 = vector.load %arg2[%get3A_248, %get3A_249, %get3A_250] : memref<80x256x128xf32, #tpu.memory_space<vmem>>, vector<1x256x128xf32>
    %get3A_252 = vector.shape_cast %get3A_251 : vector<1x256x128xf32> to vector<256x128xf32>
    %slice3A_253 = vector.extract_strided_slice %get3A_252 {offsets = [0, 0], sizes = [256, 64], strides = [1, 1]} : vector<256x128xf32> to vector<256x64xf32>
    %mul3A_254 = arith.mulf %slice3A_253, %get3A_1 : vector<256x64xf32>
    %reduce_sum3A_255 = arith.constant dense<0.000000e+00> : vector<256xf32>
    %reduce_sum3A_256 = vector.multi_reduction <add>, %mul3A_254, %reduce_sum3A_255 [1] : vector<256x64xf32> to vector<256xf32>
    %broadcast_in_dim3A_257 = vector.shape_cast %reduce_sum3A_256 : vector<256xf32> to vector<256x1xf32>
    %get3A_258 = arith.constant 26 : index
    %get3A_259 = arith.constant 0 : index
    %get3A_260 = arith.constant 0 : index
    %get3A_261 = vector.load %arg2[%get3A_258, %get3A_259, %get3A_260] : memref<80x256x128xf32, #tpu.memory_space<vmem>>, vector<1x256x128xf32>
    %get3A_262 = vector.shape_cast %get3A_261 : vector<1x256x128xf32> to vector<256x128xf32>
    %slice3A_263 = vector.extract_strided_slice %get3A_262 {offsets = [0, 0], sizes = [256, 64], strides = [1, 1]} : vector<256x128xf32> to vector<256x64xf32>
    %mul3A_264 = arith.mulf %slice3A_263, %get3A_1 : vector<256x64xf32>
    %reduce_sum3A_265 = arith.constant dense<0.000000e+00> : vector<256xf32>
    %reduce_sum3A_266 = vector.multi_reduction <add>, %mul3A_264, %reduce_sum3A_265 [1] : vector<256x64xf32> to vector<256xf32>
    %broadcast_in_dim3A_267 = vector.shape_cast %reduce_sum3A_266 : vector<256xf32> to vector<256x1xf32>
    %get3A_268 = arith.constant 27 : index
    %get3A_269 = arith.constant 0 : index
    %get3A_270 = arith.constant 0 : index
    %get3A_271 = vector.load %arg2[%get3A_268, %get3A_269, %get3A_270] : memref<80x256x128xf32, #tpu.memory_space<vmem>>, vector<1x256x128xf32>
    %get3A_272 = vector.shape_cast %get3A_271 : vector<1x256x128xf32> to vector<256x128xf32>
    %slice3A_273 = vector.extract_strided_slice %get3A_272 {offsets = [0, 0], sizes = [256, 64], strides = [1, 1]} : vector<256x128xf32> to vector<256x64xf32>
    %mul3A_274 = arith.mulf %slice3A_273, %get3A_1 : vector<256x64xf32>
    %reduce_sum3A_275 = arith.constant dense<0.000000e+00> : vector<256xf32>
    %reduce_sum3A_276 = vector.multi_reduction <add>, %mul3A_274, %reduce_sum3A_275 [1] : vector<256x64xf32> to vector<256xf32>
    %broadcast_in_dim3A_277 = vector.shape_cast %reduce_sum3A_276 : vector<256xf32> to vector<256x1xf32>
    %get3A_278 = arith.constant 28 : index
    %get3A_279 = arith.constant 0 : index
    %get3A_280 = arith.constant 0 : index
    %get3A_281 = vector.load %arg2[%get3A_278, %get3A_279, %get3A_280] : memref<80x256x128xf32, #tpu.memory_space<vmem>>, vector<1x256x128xf32>
    %get3A_282 = vector.shape_cast %get3A_281 : vector<1x256x128xf32> to vector<256x128xf32>
    %slice3A_283 = vector.extract_strided_slice %get3A_282 {offsets = [0, 0], sizes = [256, 64], strides = [1, 1]} : vector<256x128xf32> to vector<256x64xf32>
    %mul3A_284 = arith.mulf %slice3A_283, %get3A_1 : vector<256x64xf32>
    %reduce_sum3A_285 = arith.constant dense<0.000000e+00> : vector<256xf32>
    %reduce_sum3A_286 = vector.multi_reduction <add>, %mul3A_284, %reduce_sum3A_285 [1] : vector<256x64xf32> to vector<256xf32>
    %broadcast_in_dim3A_287 = vector.shape_cast %reduce_sum3A_286 : vector<256xf32> to vector<256x1xf32>
    %get3A_288 = arith.constant 29 : index
    %get3A_289 = arith.constant 0 : index
    %get3A_290 = arith.constant 0 : index
    %get3A_291 = vector.load %arg2[%get3A_288, %get3A_289, %get3A_290] : memref<80x256x128xf32, #tpu.memory_space<vmem>>, vector<1x256x128xf32>
    %get3A_292 = vector.shape_cast %get3A_291 : vector<1x256x128xf32> to vector<256x128xf32>
    %slice3A_293 = vector.extract_strided_slice %get3A_292 {offsets = [0, 0], sizes = [256, 64], strides = [1, 1]} : vector<256x128xf32> to vector<256x64xf32>
    %mul3A_294 = arith.mulf %slice3A_293, %get3A_1 : vector<256x64xf32>
    %reduce_sum3A_295 = arith.constant dense<0.000000e+00> : vector<256xf32>
    %reduce_sum3A_296 = vector.multi_reduction <add>, %mul3A_294, %reduce_sum3A_295 [1] : vector<256x64xf32> to vector<256xf32>
    %broadcast_in_dim3A_297 = vector.shape_cast %reduce_sum3A_296 : vector<256xf32> to vector<256x1xf32>
    %get3A_298 = arith.constant 30 : index
    %get3A_299 = arith.constant 0 : index
    %get3A_300 = arith.constant 0 : index
    %get3A_301 = vector.load %arg2[%get3A_298, %get3A_299, %get3A_300] : memref<80x256x128xf32, #tpu.memory_space<vmem>>, vector<1x256x128xf32>
    %get3A_302 = vector.shape_cast %get3A_301 : vector<1x256x128xf32> to vector<256x128xf32>
    %slice3A_303 = vector.extract_strided_slice %get3A_302 {offsets = [0, 0], sizes = [256, 64], strides = [1, 1]} : vector<256x128xf32> to vector<256x64xf32>
    %mul3A_304 = arith.mulf %slice3A_303, %get3A_1 : vector<256x64xf32>
    %reduce_sum3A_305 = arith.constant dense<0.000000e+00> : vector<256xf32>
    %reduce_sum3A_306 = vector.multi_reduction <add>, %mul3A_304, %reduce_sum3A_305 [1] : vector<256x64xf32> to vector<256xf32>
    %broadcast_in_dim3A_307 = vector.shape_cast %reduce_sum3A_306 : vector<256xf32> to vector<256x1xf32>
    %get3A_308 = arith.constant 31 : index
    %get3A_309 = arith.constant 0 : index
    %get3A_310 = arith.constant 0 : index
    %get3A_311 = vector.load %arg2[%get3A_308, %get3A_309, %get3A_310] : memref<80x256x128xf32, #tpu.memory_space<vmem>>, vector<1x256x128xf32>
    %get3A_312 = vector.shape_cast %get3A_311 : vector<1x256x128xf32> to vector<256x128xf32>
    %slice3A_313 = vector.extract_strided_slice %get3A_312 {offsets = [0, 0], sizes = [256, 64], strides = [1, 1]} : vector<256x128xf32> to vector<256x64xf32>
    %mul3A_314 = arith.mulf %slice3A_313, %get3A_1 : vector<256x64xf32>
    %reduce_sum3A_315 = arith.constant dense<0.000000e+00> : vector<256xf32>
    %reduce_sum3A_316 = vector.multi_reduction <add>, %mul3A_314, %reduce_sum3A_315 [1] : vector<256x64xf32> to vector<256xf32>
    %broadcast_in_dim3A_317 = vector.shape_cast %reduce_sum3A_316 : vector<256xf32> to vector<256x1xf32>
    %get3A_318 = arith.constant 32 : index
    %get3A_319 = arith.constant 0 : index
    %get3A_320 = arith.constant 0 : index
    %get3A_321 = vector.load %arg2[%get3A_318, %get3A_319, %get3A_320] : memref<80x256x128xf32, #tpu.memory_space<vmem>>, vector<1x256x128xf32>
    %get3A_322 = vector.shape_cast %get3A_321 : vector<1x256x128xf32> to vector<256x128xf32>
    %slice3A_323 = vector.extract_strided_slice %get3A_322 {offsets = [0, 0], sizes = [256, 64], strides = [1, 1]} : vector<256x128xf32> to vector<256x64xf32>
    %mul3A_324 = arith.mulf %slice3A_323, %get3A_1 : vector<256x64xf32>
    %reduce_sum3A_325 = arith.constant dense<0.000000e+00> : vector<256xf32>
    %reduce_sum3A_326 = vector.multi_reduction <add>, %mul3A_324, %reduce_sum3A_325 [1] : vector<256x64xf32> to vector<256xf32>
    %broadcast_in_dim3A_327 = vector.shape_cast %reduce_sum3A_326 : vector<256xf32> to vector<256x1xf32>
    %get3A_328 = arith.constant 33 : index
    %get3A_329 = arith.constant 0 : index
    %get3A_330 = arith.constant 0 : index
    %get3A_331 = vector.load %arg2[%get3A_328, %get3A_329, %get3A_330] : memref<80x256x128xf32, #tpu.memory_space<vmem>>, vector<1x256x128xf32>
    %get3A_332 = vector.shape_cast %get3A_331 : vector<1x256x128xf32> to vector<256x128xf32>
    %slice3A_333 = vector.extract_strided_slice %get3A_332 {offsets = [0, 0], sizes = [256, 64], strides = [1, 1]} : vector<256x128xf32> to vector<256x64xf32>
    %mul3A_334 = arith.mulf %slice3A_333, %get3A_1 : vector<256x64xf32>
    %reduce_sum3A_335 = arith.constant dense<0.000000e+00> : vector<256xf32>
    %reduce_sum3A_336 = vector.multi_reduction <add>, %mul3A_334, %reduce_sum3A_335 [1] : vector<256x64xf32> to vector<256xf32>
    %broadcast_in_dim3A_337 = vector.shape_cast %reduce_sum3A_336 : vector<256xf32> to vector<256x1xf32>
    %get3A_338 = arith.constant 34 : index
    %get3A_339 = arith.constant 0 : index
    %get3A_340 = arith.constant 0 : index
    %get3A_341 = vector.load %arg2[%get3A_338, %get3A_339, %get3A_340] : memref<80x256x128xf32, #tpu.memory_space<vmem>>, vector<1x256x128xf32>
    %get3A_342 = vector.shape_cast %get3A_341 : vector<1x256x128xf32> to vector<256x128xf32>
    %slice3A_343 = vector.extract_strided_slice %get3A_342 {offsets = [0, 0], sizes = [256, 64], strides = [1, 1]} : vector<256x128xf32> to vector<256x64xf32>
    %mul3A_344 = arith.mulf %slice3A_343, %get3A_1 : vector<256x64xf32>
    %reduce_sum3A_345 = arith.constant dense<0.000000e+00> : vector<256xf32>
    %reduce_sum3A_346 = vector.multi_reduction <add>, %mul3A_344, %reduce_sum3A_345 [1] : vector<256x64xf32> to vector<256xf32>
    %broadcast_in_dim3A_347 = vector.shape_cast %reduce_sum3A_346 : vector<256xf32> to vector<256x1xf32>
    %get3A_348 = arith.constant 35 : index
    %get3A_349 = arith.constant 0 : index
    %get3A_350 = arith.constant 0 : index
    %get3A_351 = vector.load %arg2[%get3A_348, %get3A_349, %get3A_350] : memref<80x256x128xf32, #tpu.memory_space<vmem>>, vector<1x256x128xf32>
    %get3A_352 = vector.shape_cast %get3A_351 : vector<1x256x128xf32> to vector<256x128xf32>
    %slice3A_353 = vector.extract_strided_slice %get3A_352 {offsets = [0, 0], sizes = [256, 64], strides = [1, 1]} : vector<256x128xf32> to vector<256x64xf32>
    %mul3A_354 = arith.mulf %slice3A_353, %get3A_1 : vector<256x64xf32>
    %reduce_sum3A_355 = arith.constant dense<0.000000e+00> : vector<256xf32>
    %reduce_sum3A_356 = vector.multi_reduction <add>, %mul3A_354, %reduce_sum3A_355 [1] : vector<256x64xf32> to vector<256xf32>
    %broadcast_in_dim3A_357 = vector.shape_cast %reduce_sum3A_356 : vector<256xf32> to vector<256x1xf32>
    %get3A_358 = arith.constant 36 : index
    %get3A_359 = arith.constant 0 : index
    %get3A_360 = arith.constant 0 : index
    %get3A_361 = vector.load %arg2[%get3A_358, %get3A_359, %get3A_360] : memref<80x256x128xf32, #tpu.memory_space<vmem>>, vector<1x256x128xf32>
    %get3A_362 = vector.shape_cast %get3A_361 : vector<1x256x128xf32> to vector<256x128xf32>
    %slice3A_363 = vector.extract_strided_slice %get3A_362 {offsets = [0, 0], sizes = [256, 64], strides = [1, 1]} : vector<256x128xf32> to vector<256x64xf32>
    %mul3A_364 = arith.mulf %slice3A_363, %get3A_1 : vector<256x64xf32>
    %reduce_sum3A_365 = arith.constant dense<0.000000e+00> : vector<256xf32>
    %reduce_sum3A_366 = vector.multi_reduction <add>, %mul3A_364, %reduce_sum3A_365 [1] : vector<256x64xf32> to vector<256xf32>
    %broadcast_in_dim3A_367 = vector.shape_cast %reduce_sum3A_366 : vector<256xf32> to vector<256x1xf32>
    %get3A_368 = arith.constant 37 : index
    %get3A_369 = arith.constant 0 : index
    %get3A_370 = arith.constant 0 : index
    %get3A_371 = vector.load %arg2[%get3A_368, %get3A_369, %get3A_370] : memref<80x256x128xf32, #tpu.memory_space<vmem>>, vector<1x256x128xf32>
    %get3A_372 = vector.shape_cast %get3A_371 : vector<1x256x128xf32> to vector<256x128xf32>
    %slice3A_373 = vector.extract_strided_slice %get3A_372 {offsets = [0, 0], sizes = [256, 64], strides = [1, 1]} : vector<256x128xf32> to vector<256x64xf32>
    %mul3A_374 = arith.mulf %slice3A_373, %get3A_1 : vector<256x64xf32>
    %reduce_sum3A_375 = arith.constant dense<0.000000e+00> : vector<256xf32>
    %reduce_sum3A_376 = vector.multi_reduction <add>, %mul3A_374, %reduce_sum3A_375 [1] : vector<256x64xf32> to vector<256xf32>
    %broadcast_in_dim3A_377 = vector.shape_cast %reduce_sum3A_376 : vector<256xf32> to vector<256x1xf32>
    %get3A_378 = arith.constant 38 : index
    %get3A_379 = arith.constant 0 : index
    %get3A_380 = arith.constant 0 : index
    %get3A_381 = vector.load %arg2[%get3A_378, %get3A_379, %get3A_380] : memref<80x256x128xf32, #tpu.memory_space<vmem>>, vector<1x256x128xf32>
    %get3A_382 = vector.shape_cast %get3A_381 : vector<1x256x128xf32> to vector<256x128xf32>
    %slice3A_383 = vector.extract_strided_slice %get3A_382 {offsets = [0, 0], sizes = [256, 64], strides = [1, 1]} : vector<256x128xf32> to vector<256x64xf32>
    %mul3A_384 = arith.mulf %slice3A_383, %get3A_1 : vector<256x64xf32>
    %reduce_sum3A_385 = arith.constant dense<0.000000e+00> : vector<256xf32>
    %reduce_sum3A_386 = vector.multi_reduction <add>, %mul3A_384, %reduce_sum3A_385 [1] : vector<256x64xf32> to vector<256xf32>
    %broadcast_in_dim3A_387 = vector.shape_cast %reduce_sum3A_386 : vector<256xf32> to vector<256x1xf32>
    %get3A_388 = arith.constant 39 : index
    %get3A_389 = arith.constant 0 : index
    %get3A_390 = arith.constant 0 : index
    %get3A_391 = vector.load %arg2[%get3A_388, %get3A_389, %get3A_390] : memref<80x256x128xf32, #tpu.memory_space<vmem>>, vector<1x256x128xf32>
    %get3A_392 = vector.shape_cast %get3A_391 : vector<1x256x128xf32> to vector<256x128xf32>
    %slice3A_393 = vector.extract_strided_slice %get3A_392 {offsets = [0, 0], sizes = [256, 64], strides = [1, 1]} : vector<256x128xf32> to vector<256x64xf32>
    %mul3A_394 = arith.mulf %slice3A_393, %get3A_1 : vector<256x64xf32>
    %reduce_sum3A_395 = arith.constant dense<0.000000e+00> : vector<256xf32>
    %reduce_sum3A_396 = vector.multi_reduction <add>, %mul3A_394, %reduce_sum3A_395 [1] : vector<256x64xf32> to vector<256xf32>
    %broadcast_in_dim3A_397 = vector.shape_cast %reduce_sum3A_396 : vector<256xf32> to vector<256x1xf32>
    %get3A_398 = arith.constant 40 : index
    %get3A_399 = arith.constant 0 : index
    %get3A_400 = arith.constant 0 : index
    %get3A_401 = vector.load %arg2[%get3A_398, %get3A_399, %get3A_400] : memref<80x256x128xf32, #tpu.memory_space<vmem>>, vector<1x256x128xf32>
    %get3A_402 = vector.shape_cast %get3A_401 : vector<1x256x128xf32> to vector<256x128xf32>
    %slice3A_403 = vector.extract_strided_slice %get3A_402 {offsets = [0, 0], sizes = [256, 64], strides = [1, 1]} : vector<256x128xf32> to vector<256x64xf32>
    %mul3A_404 = arith.mulf %slice3A_403, %get3A_1 : vector<256x64xf32>
    %reduce_sum3A_405 = arith.constant dense<0.000000e+00> : vector<256xf32>
    %reduce_sum3A_406 = vector.multi_reduction <add>, %mul3A_404, %reduce_sum3A_405 [1] : vector<256x64xf32> to vector<256xf32>
    %broadcast_in_dim3A_407 = vector.shape_cast %reduce_sum3A_406 : vector<256xf32> to vector<256x1xf32>
    %get3A_408 = arith.constant 41 : index
    %get3A_409 = arith.constant 0 : index
    %get3A_410 = arith.constant 0 : index
    %get3A_411 = vector.load %arg2[%get3A_408, %get3A_409, %get3A_410] : memref<80x256x128xf32, #tpu.memory_space<vmem>>, vector<1x256x128xf32>
    %get3A_412 = vector.shape_cast %get3A_411 : vector<1x256x128xf32> to vector<256x128xf32>
    %slice3A_413 = vector.extract_strided_slice %get3A_412 {offsets = [0, 0], sizes = [256, 64], strides = [1, 1]} : vector<256x128xf32> to vector<256x64xf32>
    %mul3A_414 = arith.mulf %slice3A_413, %get3A_1 : vector<256x64xf32>
    %reduce_sum3A_415 = arith.constant dense<0.000000e+00> : vector<256xf32>
    %reduce_sum3A_416 = vector.multi_reduction <add>, %mul3A_414, %reduce_sum3A_415 [1] : vector<256x64xf32> to vector<256xf32>
    %broadcast_in_dim3A_417 = vector.shape_cast %reduce_sum3A_416 : vector<256xf32> to vector<256x1xf32>
    %get3A_418 = arith.constant 42 : index
    %get3A_419 = arith.constant 0 : index
    %get3A_420 = arith.constant 0 : index
    %get3A_421 = vector.load %arg2[%get3A_418, %get3A_419, %get3A_420] : memref<80x256x128xf32, #tpu.memory_space<vmem>>, vector<1x256x128xf32>
    %get3A_422 = vector.shape_cast %get3A_421 : vector<1x256x128xf32> to vector<256x128xf32>
    %slice3A_423 = vector.extract_strided_slice %get3A_422 {offsets = [0, 0], sizes = [256, 64], strides = [1, 1]} : vector<256x128xf32> to vector<256x64xf32>
    %mul3A_424 = arith.mulf %slice3A_423, %get3A_1 : vector<256x64xf32>
    %reduce_sum3A_425 = arith.constant dense<0.000000e+00> : vector<256xf32>
    %reduce_sum3A_426 = vector.multi_reduction <add>, %mul3A_424, %reduce_sum3A_425 [1] : vector<256x64xf32> to vector<256xf32>
    %broadcast_in_dim3A_427 = vector.shape_cast %reduce_sum3A_426 : vector<256xf32> to vector<256x1xf32>
    %get3A_428 = arith.constant 43 : index
    %get3A_429 = arith.constant 0 : index
    %get3A_430 = arith.constant 0 : index
    %get3A_431 = vector.load %arg2[%get3A_428, %get3A_429, %get3A_430] : memref<80x256x128xf32, #tpu.memory_space<vmem>>, vector<1x256x128xf32>
    %get3A_432 = vector.shape_cast %get3A_431 : vector<1x256x128xf32> to vector<256x128xf32>
    %slice3A_433 = vector.extract_strided_slice %get3A_432 {offsets = [0, 0], sizes = [256, 64], strides = [1, 1]} : vector<256x128xf32> to vector<256x64xf32>
    %mul3A_434 = arith.mulf %slice3A_433, %get3A_1 : vector<256x64xf32>
    %reduce_sum3A_435 = arith.constant dense<0.000000e+00> : vector<256xf32>
    %reduce_sum3A_436 = vector.multi_reduction <add>, %mul3A_434, %reduce_sum3A_435 [1] : vector<256x64xf32> to vector<256xf32>
    %broadcast_in_dim3A_437 = vector.shape_cast %reduce_sum3A_436 : vector<256xf32> to vector<256x1xf32>
    %get3A_438 = arith.constant 44 : index
    %get3A_439 = arith.constant 0 : index
    %get3A_440 = arith.constant 0 : index
    %get3A_441 = vector.load %arg2[%get3A_438, %get3A_439, %get3A_440] : memref<80x256x128xf32, #tpu.memory_space<vmem>>, vector<1x256x128xf32>
    %get3A_442 = vector.shape_cast %get3A_441 : vector<1x256x128xf32> to vector<256x128xf32>
    %slice3A_443 = vector.extract_strided_slice %get3A_442 {offsets = [0, 0], sizes = [256, 64], strides = [1, 1]} : vector<256x128xf32> to vector<256x64xf32>
    %mul3A_444 = arith.mulf %slice3A_443, %get3A_1 : vector<256x64xf32>
    %reduce_sum3A_445 = arith.constant dense<0.000000e+00> : vector<256xf32>
    %reduce_sum3A_446 = vector.multi_reduction <add>, %mul3A_444, %reduce_sum3A_445 [1] : vector<256x64xf32> to vector<256xf32>
    %broadcast_in_dim3A_447 = vector.shape_cast %reduce_sum3A_446 : vector<256xf32> to vector<256x1xf32>
    %get3A_448 = arith.constant 45 : index
    %get3A_449 = arith.constant 0 : index
    %get3A_450 = arith.constant 0 : index
    %get3A_451 = vector.load %arg2[%get3A_448, %get3A_449, %get3A_450] : memref<80x256x128xf32, #tpu.memory_space<vmem>>, vector<1x256x128xf32>
    %get3A_452 = vector.shape_cast %get3A_451 : vector<1x256x128xf32> to vector<256x128xf32>
    %slice3A_453 = vector.extract_strided_slice %get3A_452 {offsets = [0, 0], sizes = [256, 64], strides = [1, 1]} : vector<256x128xf32> to vector<256x64xf32>
    %mul3A_454 = arith.mulf %slice3A_453, %get3A_1 : vector<256x64xf32>
    %reduce_sum3A_455 = arith.constant dense<0.000000e+00> : vector<256xf32>
    %reduce_sum3A_456 = vector.multi_reduction <add>, %mul3A_454, %reduce_sum3A_455 [1] : vector<256x64xf32> to vector<256xf32>
    %broadcast_in_dim3A_457 = vector.shape_cast %reduce_sum3A_456 : vector<256xf32> to vector<256x1xf32>
    %get3A_458 = arith.constant 46 : index
    %get3A_459 = arith.constant 0 : index
    %get3A_460 = arith.constant 0 : index
    %get3A_461 = vector.load %arg2[%get3A_458, %get3A_459, %get3A_460] : memref<80x256x128xf32, #tpu.memory_space<vmem>>, vector<1x256x128xf32>
    %get3A_462 = vector.shape_cast %get3A_461 : vector<1x256x128xf32> to vector<256x128xf32>
    %slice3A_463 = vector.extract_strided_slice %get3A_462 {offsets = [0, 0], sizes = [256, 64], strides = [1, 1]} : vector<256x128xf32> to vector<256x64xf32>
    %mul3A_464 = arith.mulf %slice3A_463, %get3A_1 : vector<256x64xf32>
    %reduce_sum3A_465 = arith.constant dense<0.000000e+00> : vector<256xf32>
    %reduce_sum3A_466 = vector.multi_reduction <add>, %mul3A_464, %reduce_sum3A_465 [1] : vector<256x64xf32> to vector<256xf32>
    %broadcast_in_dim3A_467 = vector.shape_cast %reduce_sum3A_466 : vector<256xf32> to vector<256x1xf32>
    %get3A_468 = arith.constant 47 : index
    %get3A_469 = arith.constant 0 : index
    %get3A_470 = arith.constant 0 : index
    %get3A_471 = vector.load %arg2[%get3A_468, %get3A_469, %get3A_470] : memref<80x256x128xf32, #tpu.memory_space<vmem>>, vector<1x256x128xf32>
    %get3A_472 = vector.shape_cast %get3A_471 : vector<1x256x128xf32> to vector<256x128xf32>
    %slice3A_473 = vector.extract_strided_slice %get3A_472 {offsets = [0, 0], sizes = [256, 64], strides = [1, 1]} : vector<256x128xf32> to vector<256x64xf32>
    %mul3A_474 = arith.mulf %slice3A_473, %get3A_1 : vector<256x64xf32>
    %reduce_sum3A_475 = arith.constant dense<0.000000e+00> : vector<256xf32>
    %reduce_sum3A_476 = vector.multi_reduction <add>, %mul3A_474, %reduce_sum3A_475 [1] : vector<256x64xf32> to vector<256xf32>
    %broadcast_in_dim3A_477 = vector.shape_cast %reduce_sum3A_476 : vector<256xf32> to vector<256x1xf32>
    %get3A_478 = arith.constant 48 : index
    %get3A_479 = arith.constant 0 : index
    %get3A_480 = arith.constant 0 : index
    %get3A_481 = vector.load %arg2[%get3A_478, %get3A_479, %get3A_480] : memref<80x256x128xf32, #tpu.memory_space<vmem>>, vector<1x256x128xf32>
    %get3A_482 = vector.shape_cast %get3A_481 : vector<1x256x128xf32> to vector<256x128xf32>
    %slice3A_483 = vector.extract_strided_slice %get3A_482 {offsets = [0, 0], sizes = [256, 64], strides = [1, 1]} : vector<256x128xf32> to vector<256x64xf32>
    %mul3A_484 = arith.mulf %slice3A_483, %get3A_1 : vector<256x64xf32>
    %reduce_sum3A_485 = arith.constant dense<0.000000e+00> : vector<256xf32>
    %reduce_sum3A_486 = vector.multi_reduction <add>, %mul3A_484, %reduce_sum3A_485 [1] : vector<256x64xf32> to vector<256xf32>
    %broadcast_in_dim3A_487 = vector.shape_cast %reduce_sum3A_486 : vector<256xf32> to vector<256x1xf32>
    %get3A_488 = arith.constant 49 : index
    %get3A_489 = arith.constant 0 : index
    %get3A_490 = arith.constant 0 : index
    %get3A_491 = vector.load %arg2[%get3A_488, %get3A_489, %get3A_490] : memref<80x256x128xf32, #tpu.memory_space<vmem>>, vector<1x256x128xf32>
    %get3A_492 = vector.shape_cast %get3A_491 : vector<1x256x128xf32> to vector<256x128xf32>
    %slice3A_493 = vector.extract_strided_slice %get3A_492 {offsets = [0, 0], sizes = [256, 64], strides = [1, 1]} : vector<256x128xf32> to vector<256x64xf32>
    %mul3A_494 = arith.mulf %slice3A_493, %get3A_1 : vector<256x64xf32>
    %reduce_sum3A_495 = arith.constant dense<0.000000e+00> : vector<256xf32>
    %reduce_sum3A_496 = vector.multi_reduction <add>, %mul3A_494, %reduce_sum3A_495 [1] : vector<256x64xf32> to vector<256xf32>
    %broadcast_in_dim3A_497 = vector.shape_cast %reduce_sum3A_496 : vector<256xf32> to vector<256x1xf32>
    %get3A_498 = arith.constant 50 : index
    %get3A_499 = arith.constant 0 : index
    %get3A_500 = arith.constant 0 : index
    %get3A_501 = vector.load %arg2[%get3A_498, %get3A_499, %get3A_500] : memref<80x256x128xf32, #tpu.memory_space<vmem>>, vector<1x256x128xf32>
    %get3A_502 = vector.shape_cast %get3A_501 : vector<1x256x128xf32> to vector<256x128xf32>
    %slice3A_503 = vector.extract_strided_slice %get3A_502 {offsets = [0, 0], sizes = [256, 64], strides = [1, 1]} : vector<256x128xf32> to vector<256x64xf32>
    %mul3A_504 = arith.mulf %slice3A_503, %get3A_1 : vector<256x64xf32>
    %reduce_sum3A_505 = arith.constant dense<0.000000e+00> : vector<256xf32>
    %reduce_sum3A_506 = vector.multi_reduction <add>, %mul3A_504, %reduce_sum3A_505 [1] : vector<256x64xf32> to vector<256xf32>
    %broadcast_in_dim3A_507 = vector.shape_cast %reduce_sum3A_506 : vector<256xf32> to vector<256x1xf32>
    %get3A_508 = arith.constant 51 : index
    %get3A_509 = arith.constant 0 : index
    %get3A_510 = arith.constant 0 : index
    %get3A_511 = vector.load %arg2[%get3A_508, %get3A_509, %get3A_510] : memref<80x256x128xf32, #tpu.memory_space<vmem>>, vector<1x256x128xf32>
    %get3A_512 = vector.shape_cast %get3A_511 : vector<1x256x128xf32> to vector<256x128xf32>
    %slice3A_513 = vector.extract_strided_slice %get3A_512 {offsets = [0, 0], sizes = [256, 64], strides = [1, 1]} : vector<256x128xf32> to vector<256x64xf32>
    %mul3A_514 = arith.mulf %slice3A_513, %get3A_1 : vector<256x64xf32>
    %reduce_sum3A_515 = arith.constant dense<0.000000e+00> : vector<256xf32>
    %reduce_sum3A_516 = vector.multi_reduction <add>, %mul3A_514, %reduce_sum3A_515 [1] : vector<256x64xf32> to vector<256xf32>
    %broadcast_in_dim3A_517 = vector.shape_cast %reduce_sum3A_516 : vector<256xf32> to vector<256x1xf32>
    %get3A_518 = arith.constant 52 : index
    %get3A_519 = arith.constant 0 : index
    %get3A_520 = arith.constant 0 : index
    %get3A_521 = vector.load %arg2[%get3A_518, %get3A_519, %get3A_520] : memref<80x256x128xf32, #tpu.memory_space<vmem>>, vector<1x256x128xf32>
    %get3A_522 = vector.shape_cast %get3A_521 : vector<1x256x128xf32> to vector<256x128xf32>
    %slice3A_523 = vector.extract_strided_slice %get3A_522 {offsets = [0, 0], sizes = [256, 64], strides = [1, 1]} : vector<256x128xf32> to vector<256x64xf32>
    %mul3A_524 = arith.mulf %slice3A_523, %get3A_1 : vector<256x64xf32>
    %reduce_sum3A_525 = arith.constant dense<0.000000e+00> : vector<256xf32>
    %reduce_sum3A_526 = vector.multi_reduction <add>, %mul3A_524, %reduce_sum3A_525 [1] : vector<256x64xf32> to vector<256xf32>
    %broadcast_in_dim3A_527 = vector.shape_cast %reduce_sum3A_526 : vector<256xf32> to vector<256x1xf32>
    %get3A_528 = arith.constant 53 : index
    %get3A_529 = arith.constant 0 : index
    %get3A_530 = arith.constant 0 : index
    %get3A_531 = vector.load %arg2[%get3A_528, %get3A_529, %get3A_530] : memref<80x256x128xf32, #tpu.memory_space<vmem>>, vector<1x256x128xf32>
    %get3A_532 = vector.shape_cast %get3A_531 : vector<1x256x128xf32> to vector<256x128xf32>
    %slice3A_533 = vector.extract_strided_slice %get3A_532 {offsets = [0, 0], sizes = [256, 64], strides = [1, 1]} : vector<256x128xf32> to vector<256x64xf32>
    %mul3A_534 = arith.mulf %slice3A_533, %get3A_1 : vector<256x64xf32>
    %reduce_sum3A_535 = arith.constant dense<0.000000e+00> : vector<256xf32>
    %reduce_sum3A_536 = vector.multi_reduction <add>, %mul3A_534, %reduce_sum3A_535 [1] : vector<256x64xf32> to vector<256xf32>
    %broadcast_in_dim3A_537 = vector.shape_cast %reduce_sum3A_536 : vector<256xf32> to vector<256x1xf32>
    %get3A_538 = arith.constant 54 : index
    %get3A_539 = arith.constant 0 : index
    %get3A_540 = arith.constant 0 : index
    %get3A_541 = vector.load %arg2[%get3A_538, %get3A_539, %get3A_540] : memref<80x256x128xf32, #tpu.memory_space<vmem>>, vector<1x256x128xf32>
    %get3A_542 = vector.shape_cast %get3A_541 : vector<1x256x128xf32> to vector<256x128xf32>
    %slice3A_543 = vector.extract_strided_slice %get3A_542 {offsets = [0, 0], sizes = [256, 64], strides = [1, 1]} : vector<256x128xf32> to vector<256x64xf32>
    %mul3A_544 = arith.mulf %slice3A_543, %get3A_1 : vector<256x64xf32>
    %reduce_sum3A_545 = arith.constant dense<0.000000e+00> : vector<256xf32>
    %reduce_sum3A_546 = vector.multi_reduction <add>, %mul3A_544, %reduce_sum3A_545 [1] : vector<256x64xf32> to vector<256xf32>
    %broadcast_in_dim3A_547 = vector.shape_cast %reduce_sum3A_546 : vector<256xf32> to vector<256x1xf32>
    %get3A_548 = arith.constant 55 : index
    %get3A_549 = arith.constant 0 : index
    %get3A_550 = arith.constant 0 : index
    %get3A_551 = vector.load %arg2[%get3A_548, %get3A_549, %get3A_550] : memref<80x256x128xf32, #tpu.memory_space<vmem>>, vector<1x256x128xf32>
    %get3A_552 = vector.shape_cast %get3A_551 : vector<1x256x128xf32> to vector<256x128xf32>
    %slice3A_553 = vector.extract_strided_slice %get3A_552 {offsets = [0, 0], sizes = [256, 64], strides = [1, 1]} : vector<256x128xf32> to vector<256x64xf32>
    %mul3A_554 = arith.mulf %slice3A_553, %get3A_1 : vector<256x64xf32>
    %reduce_sum3A_555 = arith.constant dense<0.000000e+00> : vector<256xf32>
    %reduce_sum3A_556 = vector.multi_reduction <add>, %mul3A_554, %reduce_sum3A_555 [1] : vector<256x64xf32> to vector<256xf32>
    %broadcast_in_dim3A_557 = vector.shape_cast %reduce_sum3A_556 : vector<256xf32> to vector<256x1xf32>
    %get3A_558 = arith.constant 56 : index
    %get3A_559 = arith.constant 0 : index
    %get3A_560 = arith.constant 0 : index
    %get3A_561 = vector.load %arg2[%get3A_558, %get3A_559, %get3A_560] : memref<80x256x128xf32, #tpu.memory_space<vmem>>, vector<1x256x128xf32>
    %get3A_562 = vector.shape_cast %get3A_561 : vector<1x256x128xf32> to vector<256x128xf32>
    %slice3A_563 = vector.extract_strided_slice %get3A_562 {offsets = [0, 0], sizes = [256, 64], strides = [1, 1]} : vector<256x128xf32> to vector<256x64xf32>
    %mul3A_564 = arith.mulf %slice3A_563, %get3A_1 : vector<256x64xf32>
    %reduce_sum3A_565 = arith.constant dense<0.000000e+00> : vector<256xf32>
    %reduce_sum3A_566 = vector.multi_reduction <add>, %mul3A_564, %reduce_sum3A_565 [1] : vector<256x64xf32> to vector<256xf32>
    %broadcast_in_dim3A_567 = vector.shape_cast %reduce_sum3A_566 : vector<256xf32> to vector<256x1xf32>
    %get3A_568 = arith.constant 57 : index
    %get3A_569 = arith.constant 0 : index
    %get3A_570 = arith.constant 0 : index
    %get3A_571 = vector.load %arg2[%get3A_568, %get3A_569, %get3A_570] : memref<80x256x128xf32, #tpu.memory_space<vmem>>, vector<1x256x128xf32>
    %get3A_572 = vector.shape_cast %get3A_571 : vector<1x256x128xf32> to vector<256x128xf32>
    %slice3A_573 = vector.extract_strided_slice %get3A_572 {offsets = [0, 0], sizes = [256, 64], strides = [1, 1]} : vector<256x128xf32> to vector<256x64xf32>
    %mul3A_574 = arith.mulf %slice3A_573, %get3A_1 : vector<256x64xf32>
    %reduce_sum3A_575 = arith.constant dense<0.000000e+00> : vector<256xf32>
    %reduce_sum3A_576 = vector.multi_reduction <add>, %mul3A_574, %reduce_sum3A_575 [1] : vector<256x64xf32> to vector<256xf32>
    %broadcast_in_dim3A_577 = vector.shape_cast %reduce_sum3A_576 : vector<256xf32> to vector<256x1xf32>
    %get3A_578 = arith.constant 58 : index
    %get3A_579 = arith.constant 0 : index
    %get3A_580 = arith.constant 0 : index
    %get3A_581 = vector.load %arg2[%get3A_578, %get3A_579, %get3A_580] : memref<80x256x128xf32, #tpu.memory_space<vmem>>, vector<1x256x128xf32>
    %get3A_582 = vector.shape_cast %get3A_581 : vector<1x256x128xf32> to vector<256x128xf32>
    %slice3A_583 = vector.extract_strided_slice %get3A_582 {offsets = [0, 0], sizes = [256, 64], strides = [1, 1]} : vector<256x128xf32> to vector<256x64xf32>
    %mul3A_584 = arith.mulf %slice3A_583, %get3A_1 : vector<256x64xf32>
    %reduce_sum3A_585 = arith.constant dense<0.000000e+00> : vector<256xf32>
    %reduce_sum3A_586 = vector.multi_reduction <add>, %mul3A_584, %reduce_sum3A_585 [1] : vector<256x64xf32> to vector<256xf32>
    %broadcast_in_dim3A_587 = vector.shape_cast %reduce_sum3A_586 : vector<256xf32> to vector<256x1xf32>
    %get3A_588 = arith.constant 59 : index
    %get3A_589 = arith.constant 0 : index
    %get3A_590 = arith.constant 0 : index
    %get3A_591 = vector.load %arg2[%get3A_588, %get3A_589, %get3A_590] : memref<80x256x128xf32, #tpu.memory_space<vmem>>, vector<1x256x128xf32>
    %get3A_592 = vector.shape_cast %get3A_591 : vector<1x256x128xf32> to vector<256x128xf32>
    %slice3A_593 = vector.extract_strided_slice %get3A_592 {offsets = [0, 0], sizes = [256, 64], strides = [1, 1]} : vector<256x128xf32> to vector<256x64xf32>
    %mul3A_594 = arith.mulf %slice3A_593, %get3A_1 : vector<256x64xf32>
    %reduce_sum3A_595 = arith.constant dense<0.000000e+00> : vector<256xf32>
    %reduce_sum3A_596 = vector.multi_reduction <add>, %mul3A_594, %reduce_sum3A_595 [1] : vector<256x64xf32> to vector<256xf32>
    %broadcast_in_dim3A_597 = vector.shape_cast %reduce_sum3A_596 : vector<256xf32> to vector<256x1xf32>
    %get3A_598 = arith.constant 60 : index
    %get3A_599 = arith.constant 0 : index
    %get3A_600 = arith.constant 0 : index
    %get3A_601 = vector.load %arg2[%get3A_598, %get3A_599, %get3A_600] : memref<80x256x128xf32, #tpu.memory_space<vmem>>, vector<1x256x128xf32>
    %get3A_602 = vector.shape_cast %get3A_601 : vector<1x256x128xf32> to vector<256x128xf32>
    %slice3A_603 = vector.extract_strided_slice %get3A_602 {offsets = [0, 0], sizes = [256, 64], strides = [1, 1]} : vector<256x128xf32> to vector<256x64xf32>
    %mul3A_604 = arith.mulf %slice3A_603, %get3A_1 : vector<256x64xf32>
    %reduce_sum3A_605 = arith.constant dense<0.000000e+00> : vector<256xf32>
    %reduce_sum3A_606 = vector.multi_reduction <add>, %mul3A_604, %reduce_sum3A_605 [1] : vector<256x64xf32> to vector<256xf32>
    %broadcast_in_dim3A_607 = vector.shape_cast %reduce_sum3A_606 : vector<256xf32> to vector<256x1xf32>
    %get3A_608 = arith.constant 61 : index
    %get3A_609 = arith.constant 0 : index
    %get3A_610 = arith.constant 0 : index
    %get3A_611 = vector.load %arg2[%get3A_608, %get3A_609, %get3A_610] : memref<80x256x128xf32, #tpu.memory_space<vmem>>, vector<1x256x128xf32>
    %get3A_612 = vector.shape_cast %get3A_611 : vector<1x256x128xf32> to vector<256x128xf32>
    %slice3A_613 = vector.extract_strided_slice %get3A_612 {offsets = [0, 0], sizes = [256, 64], strides = [1, 1]} : vector<256x128xf32> to vector<256x64xf32>
    %mul3A_614 = arith.mulf %slice3A_613, %get3A_1 : vector<256x64xf32>
    %reduce_sum3A_615 = arith.constant dense<0.000000e+00> : vector<256xf32>
    %reduce_sum3A_616 = vector.multi_reduction <add>, %mul3A_614, %reduce_sum3A_615 [1] : vector<256x64xf32> to vector<256xf32>
    %broadcast_in_dim3A_617 = vector.shape_cast %reduce_sum3A_616 : vector<256xf32> to vector<256x1xf32>
    %get3A_618 = arith.constant 62 : index
    %get3A_619 = arith.constant 0 : index
    %get3A_620 = arith.constant 0 : index
    %get3A_621 = vector.load %arg2[%get3A_618, %get3A_619, %get3A_620] : memref<80x256x128xf32, #tpu.memory_space<vmem>>, vector<1x256x128xf32>
    %get3A_622 = vector.shape_cast %get3A_621 : vector<1x256x128xf32> to vector<256x128xf32>
    %slice3A_623 = vector.extract_strided_slice %get3A_622 {offsets = [0, 0], sizes = [256, 64], strides = [1, 1]} : vector<256x128xf32> to vector<256x64xf32>
    %mul3A_624 = arith.mulf %slice3A_623, %get3A_1 : vector<256x64xf32>
    %reduce_sum3A_625 = arith.constant dense<0.000000e+00> : vector<256xf32>
    %reduce_sum3A_626 = vector.multi_reduction <add>, %mul3A_624, %reduce_sum3A_625 [1] : vector<256x64xf32> to vector<256xf32>
    %broadcast_in_dim3A_627 = vector.shape_cast %reduce_sum3A_626 : vector<256xf32> to vector<256x1xf32>
    %get3A_628 = arith.constant 63 : index
    %get3A_629 = arith.constant 0 : index
    %get3A_630 = arith.constant 0 : index
    %get3A_631 = vector.load %arg2[%get3A_628, %get3A_629, %get3A_630] : memref<80x256x128xf32, #tpu.memory_space<vmem>>, vector<1x256x128xf32>
    %get3A_632 = vector.shape_cast %get3A_631 : vector<1x256x128xf32> to vector<256x128xf32>
    %slice3A_633 = vector.extract_strided_slice %get3A_632 {offsets = [0, 0], sizes = [256, 64], strides = [1, 1]} : vector<256x128xf32> to vector<256x64xf32>
    %mul3A_634 = arith.mulf %slice3A_633, %get3A_1 : vector<256x64xf32>
    %reduce_sum3A_635 = arith.constant dense<0.000000e+00> : vector<256xf32>
    %reduce_sum3A_636 = vector.multi_reduction <add>, %mul3A_634, %reduce_sum3A_635 [1] : vector<256x64xf32> to vector<256xf32>
    %broadcast_in_dim3A_637 = vector.shape_cast %reduce_sum3A_636 : vector<256xf32> to vector<256x1xf32>
    %get3A_638 = arith.constant 64 : index
    %get3A_639 = arith.constant 0 : index
    %get3A_640 = arith.constant 0 : index
    %get3A_641 = vector.load %arg2[%get3A_638, %get3A_639, %get3A_640] : memref<80x256x128xf32, #tpu.memory_space<vmem>>, vector<1x256x128xf32>
    %get3A_642 = vector.shape_cast %get3A_641 : vector<1x256x128xf32> to vector<256x128xf32>
    %slice3A_643 = vector.extract_strided_slice %get3A_642 {offsets = [0, 0], sizes = [256, 64], strides = [1, 1]} : vector<256x128xf32> to vector<256x64xf32>
    %mul3A_644 = arith.mulf %slice3A_643, %get3A_1 : vector<256x64xf32>
    %reduce_sum3A_645 = arith.constant dense<0.000000e+00> : vector<256xf32>
    %reduce_sum3A_646 = vector.multi_reduction <add>, %mul3A_644, %reduce_sum3A_645 [1] : vector<256x64xf32> to vector<256xf32>
    %broadcast_in_dim3A_647 = vector.shape_cast %reduce_sum3A_646 : vector<256xf32> to vector<256x1xf32>
    %get3A_648 = arith.constant 65 : index
    %get3A_649 = arith.constant 0 : index
    %get3A_650 = arith.constant 0 : index
    %get3A_651 = vector.load %arg2[%get3A_648, %get3A_649, %get3A_650] : memref<80x256x128xf32, #tpu.memory_space<vmem>>, vector<1x256x128xf32>
    %get3A_652 = vector.shape_cast %get3A_651 : vector<1x256x128xf32> to vector<256x128xf32>
    %slice3A_653 = vector.extract_strided_slice %get3A_652 {offsets = [0, 0], sizes = [256, 64], strides = [1, 1]} : vector<256x128xf32> to vector<256x64xf32>
    %mul3A_654 = arith.mulf %slice3A_653, %get3A_1 : vector<256x64xf32>
    %reduce_sum3A_655 = arith.constant dense<0.000000e+00> : vector<256xf32>
    %reduce_sum3A_656 = vector.multi_reduction <add>, %mul3A_654, %reduce_sum3A_655 [1] : vector<256x64xf32> to vector<256xf32>
    %broadcast_in_dim3A_657 = vector.shape_cast %reduce_sum3A_656 : vector<256xf32> to vector<256x1xf32>
    %get3A_658 = arith.constant 66 : index
    %get3A_659 = arith.constant 0 : index
    %get3A_660 = arith.constant 0 : index
    %get3A_661 = vector.load %arg2[%get3A_658, %get3A_659, %get3A_660] : memref<80x256x128xf32, #tpu.memory_space<vmem>>, vector<1x256x128xf32>
    %get3A_662 = vector.shape_cast %get3A_661 : vector<1x256x128xf32> to vector<256x128xf32>
    %slice3A_663 = vector.extract_strided_slice %get3A_662 {offsets = [0, 0], sizes = [256, 64], strides = [1, 1]} : vector<256x128xf32> to vector<256x64xf32>
    %mul3A_664 = arith.mulf %slice3A_663, %get3A_1 : vector<256x64xf32>
    %reduce_sum3A_665 = arith.constant dense<0.000000e+00> : vector<256xf32>
    %reduce_sum3A_666 = vector.multi_reduction <add>, %mul3A_664, %reduce_sum3A_665 [1] : vector<256x64xf32> to vector<256xf32>
    %broadcast_in_dim3A_667 = vector.shape_cast %reduce_sum3A_666 : vector<256xf32> to vector<256x1xf32>
    %get3A_668 = arith.constant 67 : index
    %get3A_669 = arith.constant 0 : index
    %get3A_670 = arith.constant 0 : index
    %get3A_671 = vector.load %arg2[%get3A_668, %get3A_669, %get3A_670] : memref<80x256x128xf32, #tpu.memory_space<vmem>>, vector<1x256x128xf32>
    %get3A_672 = vector.shape_cast %get3A_671 : vector<1x256x128xf32> to vector<256x128xf32>
    %slice3A_673 = vector.extract_strided_slice %get3A_672 {offsets = [0, 0], sizes = [256, 64], strides = [1, 1]} : vector<256x128xf32> to vector<256x64xf32>
    %mul3A_674 = arith.mulf %slice3A_673, %get3A_1 : vector<256x64xf32>
    %reduce_sum3A_675 = arith.constant dense<0.000000e+00> : vector<256xf32>
    %reduce_sum3A_676 = vector.multi_reduction <add>, %mul3A_674, %reduce_sum3A_675 [1] : vector<256x64xf32> to vector<256xf32>
    %broadcast_in_dim3A_677 = vector.shape_cast %reduce_sum3A_676 : vector<256xf32> to vector<256x1xf32>
    %get3A_678 = arith.constant 68 : index
    %get3A_679 = arith.constant 0 : index
    %get3A_680 = arith.constant 0 : index
    %get3A_681 = vector.load %arg2[%get3A_678, %get3A_679, %get3A_680] : memref<80x256x128xf32, #tpu.memory_space<vmem>>, vector<1x256x128xf32>
    %get3A_682 = vector.shape_cast %get3A_681 : vector<1x256x128xf32> to vector<256x128xf32>
    %slice3A_683 = vector.extract_strided_slice %get3A_682 {offsets = [0, 0], sizes = [256, 64], strides = [1, 1]} : vector<256x128xf32> to vector<256x64xf32>
    %mul3A_684 = arith.mulf %slice3A_683, %get3A_1 : vector<256x64xf32>
    %reduce_sum3A_685 = arith.constant dense<0.000000e+00> : vector<256xf32>
    %reduce_sum3A_686 = vector.multi_reduction <add>, %mul3A_684, %reduce_sum3A_685 [1] : vector<256x64xf32> to vector<256xf32>
    %broadcast_in_dim3A_687 = vector.shape_cast %reduce_sum3A_686 : vector<256xf32> to vector<256x1xf32>
    %get3A_688 = arith.constant 69 : index
    %get3A_689 = arith.constant 0 : index
    %get3A_690 = arith.constant 0 : index
    %get3A_691 = vector.load %arg2[%get3A_688, %get3A_689, %get3A_690] : memref<80x256x128xf32, #tpu.memory_space<vmem>>, vector<1x256x128xf32>
    %get3A_692 = vector.shape_cast %get3A_691 : vector<1x256x128xf32> to vector<256x128xf32>
    %slice3A_693 = vector.extract_strided_slice %get3A_692 {offsets = [0, 0], sizes = [256, 64], strides = [1, 1]} : vector<256x128xf32> to vector<256x64xf32>
    %mul3A_694 = arith.mulf %slice3A_693, %get3A_1 : vector<256x64xf32>
    %reduce_sum3A_695 = arith.constant dense<0.000000e+00> : vector<256xf32>
    %reduce_sum3A_696 = vector.multi_reduction <add>, %mul3A_694, %reduce_sum3A_695 [1] : vector<256x64xf32> to vector<256xf32>
    %broadcast_in_dim3A_697 = vector.shape_cast %reduce_sum3A_696 : vector<256xf32> to vector<256x1xf32>
    %get3A_698 = arith.constant 70 : index
    %get3A_699 = arith.constant 0 : index
    %get3A_700 = arith.constant 0 : index
    %get3A_701 = vector.load %arg2[%get3A_698, %get3A_699, %get3A_700] : memref<80x256x128xf32, #tpu.memory_space<vmem>>, vector<1x256x128xf32>
    %get3A_702 = vector.shape_cast %get3A_701 : vector<1x256x128xf32> to vector<256x128xf32>
    %slice3A_703 = vector.extract_strided_slice %get3A_702 {offsets = [0, 0], sizes = [256, 64], strides = [1, 1]} : vector<256x128xf32> to vector<256x64xf32>
    %mul3A_704 = arith.mulf %slice3A_703, %get3A_1 : vector<256x64xf32>
    %reduce_sum3A_705 = arith.constant dense<0.000000e+00> : vector<256xf32>
    %reduce_sum3A_706 = vector.multi_reduction <add>, %mul3A_704, %reduce_sum3A_705 [1] : vector<256x64xf32> to vector<256xf32>
    %broadcast_in_dim3A_707 = vector.shape_cast %reduce_sum3A_706 : vector<256xf32> to vector<256x1xf32>
    %get3A_708 = arith.constant 71 : index
    %get3A_709 = arith.constant 0 : index
    %get3A_710 = arith.constant 0 : index
    %get3A_711 = vector.load %arg2[%get3A_708, %get3A_709, %get3A_710] : memref<80x256x128xf32, #tpu.memory_space<vmem>>, vector<1x256x128xf32>
    %get3A_712 = vector.shape_cast %get3A_711 : vector<1x256x128xf32> to vector<256x128xf32>
    %slice3A_713 = vector.extract_strided_slice %get3A_712 {offsets = [0, 0], sizes = [256, 64], strides = [1, 1]} : vector<256x128xf32> to vector<256x64xf32>
    %mul3A_714 = arith.mulf %slice3A_713, %get3A_1 : vector<256x64xf32>
    %reduce_sum3A_715 = arith.constant dense<0.000000e+00> : vector<256xf32>
    %reduce_sum3A_716 = vector.multi_reduction <add>, %mul3A_714, %reduce_sum3A_715 [1] : vector<256x64xf32> to vector<256xf32>
    %broadcast_in_dim3A_717 = vector.shape_cast %reduce_sum3A_716 : vector<256xf32> to vector<256x1xf32>
    %get3A_718 = arith.constant 72 : index
    %get3A_719 = arith.constant 0 : index
    %get3A_720 = arith.constant 0 : index
    %get3A_721 = vector.load %arg2[%get3A_718, %get3A_719, %get3A_720] : memref<80x256x128xf32, #tpu.memory_space<vmem>>, vector<1x256x128xf32>
    %get3A_722 = vector.shape_cast %get3A_721 : vector<1x256x128xf32> to vector<256x128xf32>
    %slice3A_723 = vector.extract_strided_slice %get3A_722 {offsets = [0, 0], sizes = [256, 64], strides = [1, 1]} : vector<256x128xf32> to vector<256x64xf32>
    %mul3A_724 = arith.mulf %slice3A_723, %get3A_1 : vector<256x64xf32>
    %reduce_sum3A_725 = arith.constant dense<0.000000e+00> : vector<256xf32>
    %reduce_sum3A_726 = vector.multi_reduction <add>, %mul3A_724, %reduce_sum3A_725 [1] : vector<256x64xf32> to vector<256xf32>
    %broadcast_in_dim3A_727 = vector.shape_cast %reduce_sum3A_726 : vector<256xf32> to vector<256x1xf32>
    %get3A_728 = arith.constant 73 : index
    %get3A_729 = arith.constant 0 : index
    %get3A_730 = arith.constant 0 : index
    %get3A_731 = vector.load %arg2[%get3A_728, %get3A_729, %get3A_730] : memref<80x256x128xf32, #tpu.memory_space<vmem>>, vector<1x256x128xf32>
    %get3A_732 = vector.shape_cast %get3A_731 : vector<1x256x128xf32> to vector<256x128xf32>
    %slice3A_733 = vector.extract_strided_slice %get3A_732 {offsets = [0, 0], sizes = [256, 64], strides = [1, 1]} : vector<256x128xf32> to vector<256x64xf32>
    %mul3A_734 = arith.mulf %slice3A_733, %get3A_1 : vector<256x64xf32>
    %reduce_sum3A_735 = arith.constant dense<0.000000e+00> : vector<256xf32>
    %reduce_sum3A_736 = vector.multi_reduction <add>, %mul3A_734, %reduce_sum3A_735 [1] : vector<256x64xf32> to vector<256xf32>
    %broadcast_in_dim3A_737 = vector.shape_cast %reduce_sum3A_736 : vector<256xf32> to vector<256x1xf32>
    %get3A_738 = arith.constant 74 : index
    %get3A_739 = arith.constant 0 : index
    %get3A_740 = arith.constant 0 : index
    %get3A_741 = vector.load %arg2[%get3A_738, %get3A_739, %get3A_740] : memref<80x256x128xf32, #tpu.memory_space<vmem>>, vector<1x256x128xf32>
    %get3A_742 = vector.shape_cast %get3A_741 : vector<1x256x128xf32> to vector<256x128xf32>
    %slice3A_743 = vector.extract_strided_slice %get3A_742 {offsets = [0, 0], sizes = [256, 64], strides = [1, 1]} : vector<256x128xf32> to vector<256x64xf32>
    %mul3A_744 = arith.mulf %slice3A_743, %get3A_1 : vector<256x64xf32>
    %reduce_sum3A_745 = arith.constant dense<0.000000e+00> : vector<256xf32>
    %reduce_sum3A_746 = vector.multi_reduction <add>, %mul3A_744, %reduce_sum3A_745 [1] : vector<256x64xf32> to vector<256xf32>
    %broadcast_in_dim3A_747 = vector.shape_cast %reduce_sum3A_746 : vector<256xf32> to vector<256x1xf32>
    %get3A_748 = arith.constant 75 : index
    %get3A_749 = arith.constant 0 : index
    %get3A_750 = arith.constant 0 : index
    %get3A_751 = vector.load %arg2[%get3A_748, %get3A_749, %get3A_750] : memref<80x256x128xf32, #tpu.memory_space<vmem>>, vector<1x256x128xf32>
    %get3A_752 = vector.shape_cast %get3A_751 : vector<1x256x128xf32> to vector<256x128xf32>
    %slice3A_753 = vector.extract_strided_slice %get3A_752 {offsets = [0, 0], sizes = [256, 64], strides = [1, 1]} : vector<256x128xf32> to vector<256x64xf32>
    %mul3A_754 = arith.mulf %slice3A_753, %get3A_1 : vector<256x64xf32>
    %reduce_sum3A_755 = arith.constant dense<0.000000e+00> : vector<256xf32>
    %reduce_sum3A_756 = vector.multi_reduction <add>, %mul3A_754, %reduce_sum3A_755 [1] : vector<256x64xf32> to vector<256xf32>
    %broadcast_in_dim3A_757 = vector.shape_cast %reduce_sum3A_756 : vector<256xf32> to vector<256x1xf32>
    %get3A_758 = arith.constant 76 : index
    %get3A_759 = arith.constant 0 : index
    %get3A_760 = arith.constant 0 : index
    %get3A_761 = vector.load %arg2[%get3A_758, %get3A_759, %get3A_760] : memref<80x256x128xf32, #tpu.memory_space<vmem>>, vector<1x256x128xf32>
    %get3A_762 = vector.shape_cast %get3A_761 : vector<1x256x128xf32> to vector<256x128xf32>
    %slice3A_763 = vector.extract_strided_slice %get3A_762 {offsets = [0, 0], sizes = [256, 64], strides = [1, 1]} : vector<256x128xf32> to vector<256x64xf32>
    %mul3A_764 = arith.mulf %slice3A_763, %get3A_1 : vector<256x64xf32>
    %reduce_sum3A_765 = arith.constant dense<0.000000e+00> : vector<256xf32>
    %reduce_sum3A_766 = vector.multi_reduction <add>, %mul3A_764, %reduce_sum3A_765 [1] : vector<256x64xf32> to vector<256xf32>
    %broadcast_in_dim3A_767 = vector.shape_cast %reduce_sum3A_766 : vector<256xf32> to vector<256x1xf32>
    %get3A_768 = arith.constant 77 : index
    %get3A_769 = arith.constant 0 : index
    %get3A_770 = arith.constant 0 : index
    %get3A_771 = vector.load %arg2[%get3A_768, %get3A_769, %get3A_770] : memref<80x256x128xf32, #tpu.memory_space<vmem>>, vector<1x256x128xf32>
    %get3A_772 = vector.shape_cast %get3A_771 : vector<1x256x128xf32> to vector<256x128xf32>
    %slice3A_773 = vector.extract_strided_slice %get3A_772 {offsets = [0, 0], sizes = [256, 64], strides = [1, 1]} : vector<256x128xf32> to vector<256x64xf32>
    %mul3A_774 = arith.mulf %slice3A_773, %get3A_1 : vector<256x64xf32>
    %reduce_sum3A_775 = arith.constant dense<0.000000e+00> : vector<256xf32>
    %reduce_sum3A_776 = vector.multi_reduction <add>, %mul3A_774, %reduce_sum3A_775 [1] : vector<256x64xf32> to vector<256xf32>
    %broadcast_in_dim3A_777 = vector.shape_cast %reduce_sum3A_776 : vector<256xf32> to vector<256x1xf32>
    %get3A_778 = arith.constant 78 : index
    %get3A_779 = arith.constant 0 : index
    %get3A_780 = arith.constant 0 : index
    %get3A_781 = vector.load %arg2[%get3A_778, %get3A_779, %get3A_780] : memref<80x256x128xf32, #tpu.memory_space<vmem>>, vector<1x256x128xf32>
    %get3A_782 = vector.shape_cast %get3A_781 : vector<1x256x128xf32> to vector<256x128xf32>
    %slice3A_783 = vector.extract_strided_slice %get3A_782 {offsets = [0, 0], sizes = [256, 64], strides = [1, 1]} : vector<256x128xf32> to vector<256x64xf32>
    %mul3A_784 = arith.mulf %slice3A_783, %get3A_1 : vector<256x64xf32>
    %reduce_sum3A_785 = arith.constant dense<0.000000e+00> : vector<256xf32>
    %reduce_sum3A_786 = vector.multi_reduction <add>, %mul3A_784, %reduce_sum3A_785 [1] : vector<256x64xf32> to vector<256xf32>
    %broadcast_in_dim3A_787 = vector.shape_cast %reduce_sum3A_786 : vector<256xf32> to vector<256x1xf32>
    %get3A_788 = arith.constant 79 : index
    %get3A_789 = arith.constant 0 : index
    %get3A_790 = arith.constant 0 : index
    %get3A_791 = vector.load %arg2[%get3A_788, %get3A_789, %get3A_790] : memref<80x256x128xf32, #tpu.memory_space<vmem>>, vector<1x256x128xf32>
    %get3A_792 = vector.shape_cast %get3A_791 : vector<1x256x128xf32> to vector<256x128xf32>
    %slice3A_793 = vector.extract_strided_slice %get3A_792 {offsets = [0, 0], sizes = [256, 64], strides = [1, 1]} : vector<256x128xf32> to vector<256x64xf32>
    %mul3A_794 = arith.mulf %slice3A_793, %get3A_1 : vector<256x64xf32>
    %reduce_sum3A_795 = arith.constant dense<0.000000e+00> : vector<256xf32>
    %reduce_sum3A_796 = vector.multi_reduction <add>, %mul3A_794, %reduce_sum3A_795 [1] : vector<256x64xf32> to vector<256xf32>
    %broadcast_in_dim3A_797 = vector.shape_cast %reduce_sum3A_796 : vector<256xf32> to vector<256x1xf32>
    %concatenate3A = tpu.concatenate %broadcast_in_dim3A, %broadcast_in_dim3A_17, %broadcast_in_dim3A_27, %broadcast_in_dim3A_37, %broadcast_in_dim3A_47, %broadcast_in_dim3A_57, %broadcast_in_dim3A_67, %broadcast_in_dim3A_77, %broadcast_in_dim3A_87, %broadcast_in_dim3A_97, %broadcast_in_dim3A_107, %broadcast_in_dim3A_117, %broadcast_in_dim3A_127, %broadcast_in_dim3A_137, %broadcast_in_dim3A_147, %broadcast_in_dim3A_157, %broadcast_in_dim3A_167, %broadcast_in_dim3A_177, %broadcast_in_dim3A_187, %broadcast_in_dim3A_197, %broadcast_in_dim3A_207, %broadcast_in_dim3A_217, %broadcast_in_dim3A_227, %broadcast_in_dim3A_237, %broadcast_in_dim3A_247, %broadcast_in_dim3A_257, %broadcast_in_dim3A_267, %broadcast_in_dim3A_277, %broadcast_in_dim3A_287, %broadcast_in_dim3A_297, %broadcast_in_dim3A_307, %broadcast_in_dim3A_317, %broadcast_in_dim3A_327, %broadcast_in_dim3A_337, %broadcast_in_dim3A_347, %broadcast_in_dim3A_357, %broadcast_in_dim3A_367, %broadcast_in_dim3A_377, %broadcast_in_dim3A_387, %broadcast_in_dim3A_397, %broadcast_in_dim3A_407, %broadcast_in_dim3A_417, %broadcast_in_dim3A_427, %broadcast_in_dim3A_437, %broadcast_in_dim3A_447, %broadcast_in_dim3A_457, %broadcast_in_dim3A_467, %broadcast_in_dim3A_477, %broadcast_in_dim3A_487, %broadcast_in_dim3A_497, %broadcast_in_dim3A_507, %broadcast_in_dim3A_517, %broadcast_in_dim3A_527, %broadcast_in_dim3A_537, %broadcast_in_dim3A_547, %broadcast_in_dim3A_557, %broadcast_in_dim3A_567, %broadcast_in_dim3A_577, %broadcast_in_dim3A_587, %broadcast_in_dim3A_597, %broadcast_in_dim3A_607, %broadcast_in_dim3A_617, %broadcast_in_dim3A_627, %broadcast_in_dim3A_637, %broadcast_in_dim3A_647, %broadcast_in_dim3A_657, %broadcast_in_dim3A_667, %broadcast_in_dim3A_677, %broadcast_in_dim3A_687, %broadcast_in_dim3A_697, %broadcast_in_dim3A_707, %broadcast_in_dim3A_717, %broadcast_in_dim3A_727, %broadcast_in_dim3A_737, %broadcast_in_dim3A_747, %broadcast_in_dim3A_757, %broadcast_in_dim3A_767, %broadcast_in_dim3A_777, %broadcast_in_dim3A_787, %broadcast_in_dim3A_797 in 1 : vector<256x1xf32>, vector<256x1xf32>, vector<256x1xf32>, vector<256x1xf32>, vector<256x1xf32>, vector<256x1xf32>, vector<256x1xf32>, vector<256x1xf32>, vector<256x1xf32>, vector<256x1xf32>, vector<256x1xf32>, vector<256x1xf32>, vector<256x1xf32>, vector<256x1xf32>, vector<256x1xf32>, vector<256x1xf32>, vector<256x1xf32>, vector<256x1xf32>, vector<256x1xf32>, vector<256x1xf32>, vector<256x1xf32>, vector<256x1xf32>, vector<256x1xf32>, vector<256x1xf32>, vector<256x1xf32>, vector<256x1xf32>, vector<256x1xf32>, vector<256x1xf32>, vector<256x1xf32>, vector<256x1xf32>, vector<256x1xf32>, vector<256x1xf32>, vector<256x1xf32>, vector<256x1xf32>, vector<256x1xf32>, vector<256x1xf32>, vector<256x1xf32>, vector<256x1xf32>, vector<256x1xf32>, vector<256x1xf32>, vector<256x1xf32>, vector<256x1xf32>, vector<256x1xf32>, vector<256x1xf32>, vector<256x1xf32>, vector<256x1xf32>, vector<256x1xf32>, vector<256x1xf32>, vector<256x1xf32>, vector<256x1xf32>, vector<256x1xf32>, vector<256x1xf32>, vector<256x1xf32>, vector<256x1xf32>, vector<256x1xf32>, vector<256x1xf32>, vector<256x1xf32>, vector<256x1xf32>, vector<256x1xf32>, vector<256x1xf32>, vector<256x1xf32>, vector<256x1xf32>, vector<256x1xf32>, vector<256x1xf32>, vector<256x1xf32>, vector<256x1xf32>, vector<256x1xf32>, vector<256x1xf32>, vector<256x1xf32>, vector<256x1xf32>, vector<256x1xf32>, vector<256x1xf32>, vector<256x1xf32>, vector<256x1xf32>, vector<256x1xf32>, vector<256x1xf32>, vector<256x1xf32>, vector<256x1xf32>, vector<256x1xf32>, vector<256x1xf32> -> vector<256x80xf32>
    %get3A_798 = arith.constant 0 : index
    %get3A_799 = arith.constant 0 : index
    %get3A_800 = vector.load %arg3[%get3A_798, %get3A_799] : memref<80x256xi32, #tpu.memory_space<vmem>>, vector<80x256xi32>
    %transpose3A = tpu.transpose %get3A_800, [1, 0] : vector<80x256xi32> -> vector<256x80xi32>
    %reduce_max3A = arith.constant dense<0xFF800000> : vector<256xf32>
    %reduce_max3A_801 = vector.multi_reduction <maximumf>, %concatenate3A, %reduce_max3A [1] : vector<256x80xf32> to vector<256xf32>
    %broadcast_in_dim3A_802 = vector.shape_cast %reduce_max3A_801 : vector<256xf32> to vector<256x1xf32>
    %eq3A = vector.broadcast %broadcast_in_dim3A_802 : vector<256x1xf32> to vector<256x80xf32>
    %eq3A_803 = arith.cmpf oeq, %concatenate3A, %eq3A : vector<256x80xf32>
    %jit3A = arith.constant 1073741824 : i32
    %broadcast_in_dim3A_804 = vector.broadcast %jit3A : i32 to vector<256x80xi32>
    %select_n3A = arith.select %eq3A_803, %transpose3A, %broadcast_in_dim3A_804 : vector<256x80xi1>, vector<256x80xi32>
    %reduce_min3A = arith.constant dense<2147483647> : vector<256xi32>
    %reduce_min3A_805 = vector.multi_reduction <minsi>, %select_n3A, %reduce_min3A [1] : vector<256x80xi32> to vector<256xi32>
    %broadcast_in_dim3A_806 = vector.shape_cast %reduce_min3A_805 : vector<256xi32> to vector<256x1xi32>
    %eq3A_807 = vector.broadcast %broadcast_in_dim3A_806 : vector<256x1xi32> to vector<256x80xi32>
    %eq3A_808 = arith.cmpi eq, %transpose3A, %eq3A_807 : vector<256x80xi32>
    %jit3A_809 = arith.constant 0xFF800000 : f32
    %broadcast_in_dim3A_810 = vector.broadcast %jit3A_809 : f32 to vector<256x80xf32>
    %select_n3A_811 = arith.select %eq3A_808, %broadcast_in_dim3A_810, %concatenate3A : vector<256x80xi1>, vector<256x80xf32>
    %reduce_max3A_812 = arith.constant dense<0xFF800000> : vector<256xf32>
    %reduce_max3A_813 = vector.multi_reduction <maximumf>, %select_n3A_811, %reduce_max3A_812 [1] : vector<256x80xf32> to vector<256xf32>
    %broadcast_in_dim3A_814 = vector.shape_cast %reduce_max3A_813 : vector<256xf32> to vector<256x1xf32>
    %eq3A_815 = vector.broadcast %broadcast_in_dim3A_814 : vector<256x1xf32> to vector<256x80xf32>
    %eq3A_816 = arith.cmpf oeq, %select_n3A_811, %eq3A_815 : vector<256x80xf32>
    %jit3A_817 = arith.constant 1073741824 : i32
    %broadcast_in_dim3A_818 = vector.broadcast %jit3A_817 : i32 to vector<256x80xi32>
    %select_n3A_819 = arith.select %eq3A_816, %transpose3A, %broadcast_in_dim3A_818 : vector<256x80xi1>, vector<256x80xi32>
    %reduce_min3A_820 = arith.constant dense<2147483647> : vector<256xi32>
    %reduce_min3A_821 = vector.multi_reduction <minsi>, %select_n3A_819, %reduce_min3A_820 [1] : vector<256x80xi32> to vector<256xi32>
    %broadcast_in_dim3A_822 = vector.shape_cast %reduce_min3A_821 : vector<256xi32> to vector<256x1xi32>
    %eq3A_823 = vector.broadcast %broadcast_in_dim3A_822 : vector<256x1xi32> to vector<256x80xi32>
    %eq3A_824 = arith.cmpi eq, %transpose3A, %eq3A_823 : vector<256x80xi32>
    %jit3A_825 = arith.constant 0xFF800000 : f32
    %broadcast_in_dim3A_826 = vector.broadcast %jit3A_825 : f32 to vector<256x80xf32>
    %select_n3A_827 = arith.select %eq3A_824, %broadcast_in_dim3A_826, %select_n3A_811 : vector<256x80xi1>, vector<256x80xf32>
    %reduce_max3A_828 = arith.constant dense<0xFF800000> : vector<256xf32>
    %reduce_max3A_829 = vector.multi_reduction <maximumf>, %select_n3A_827, %reduce_max3A_828 [1] : vector<256x80xf32> to vector<256xf32>
    %broadcast_in_dim3A_830 = vector.shape_cast %reduce_max3A_829 : vector<256xf32> to vector<256x1xf32>
    %eq3A_831 = vector.broadcast %broadcast_in_dim3A_830 : vector<256x1xf32> to vector<256x80xf32>
    %eq3A_832 = arith.cmpf oeq, %select_n3A_827, %eq3A_831 : vector<256x80xf32>
    %jit3A_833 = arith.constant 1073741824 : i32
    %broadcast_in_dim3A_834 = vector.broadcast %jit3A_833 : i32 to vector<256x80xi32>
    %select_n3A_835 = arith.select %eq3A_832, %transpose3A, %broadcast_in_dim3A_834 : vector<256x80xi1>, vector<256x80xi32>
    %reduce_min3A_836 = arith.constant dense<2147483647> : vector<256xi32>
    %reduce_min3A_837 = vector.multi_reduction <minsi>, %select_n3A_835, %reduce_min3A_836 [1] : vector<256x80xi32> to vector<256xi32>
    %broadcast_in_dim3A_838 = vector.shape_cast %reduce_min3A_837 : vector<256xi32> to vector<256x1xi32>
    %eq3A_839 = vector.broadcast %broadcast_in_dim3A_838 : vector<256x1xi32> to vector<256x80xi32>
    %eq3A_840 = arith.cmpi eq, %transpose3A, %eq3A_839 : vector<256x80xi32>
    %jit3A_841 = arith.constant 0xFF800000 : f32
    %broadcast_in_dim3A_842 = vector.broadcast %jit3A_841 : f32 to vector<256x80xf32>
    %select_n3A_843 = arith.select %eq3A_840, %broadcast_in_dim3A_842, %select_n3A_827 : vector<256x80xi1>, vector<256x80xf32>
    %reduce_max3A_844 = arith.constant dense<0xFF800000> : vector<256xf32>
    %reduce_max3A_845 = vector.multi_reduction <maximumf>, %select_n3A_843, %reduce_max3A_844 [1] : vector<256x80xf32> to vector<256xf32>
    %broadcast_in_dim3A_846 = vector.shape_cast %reduce_max3A_845 : vector<256xf32> to vector<256x1xf32>
    %eq3A_847 = vector.broadcast %broadcast_in_dim3A_846 : vector<256x1xf32> to vector<256x80xf32>
    %eq3A_848 = arith.cmpf oeq, %select_n3A_843, %eq3A_847 : vector<256x80xf32>
    %jit3A_849 = arith.constant 1073741824 : i32
    %broadcast_in_dim3A_850 = vector.broadcast %jit3A_849 : i32 to vector<256x80xi32>
    %select_n3A_851 = arith.select %eq3A_848, %transpose3A, %broadcast_in_dim3A_850 : vector<256x80xi1>, vector<256x80xi32>
    %reduce_min3A_852 = arith.constant dense<2147483647> : vector<256xi32>
    %reduce_min3A_853 = vector.multi_reduction <minsi>, %select_n3A_851, %reduce_min3A_852 [1] : vector<256x80xi32> to vector<256xi32>
    %broadcast_in_dim3A_854 = vector.shape_cast %reduce_min3A_853 : vector<256xi32> to vector<256x1xi32>
    %eq3A_855 = vector.broadcast %broadcast_in_dim3A_854 : vector<256x1xi32> to vector<256x80xi32>
    %eq3A_856 = arith.cmpi eq, %transpose3A, %eq3A_855 : vector<256x80xi32>
    %jit3A_857 = arith.constant 0xFF800000 : f32
    %broadcast_in_dim3A_858 = vector.broadcast %jit3A_857 : f32 to vector<256x80xf32>
    %select_n3A_859 = arith.select %eq3A_856, %broadcast_in_dim3A_858, %select_n3A_843 : vector<256x80xi1>, vector<256x80xf32>
    %reduce_max3A_860 = arith.constant dense<0xFF800000> : vector<256xf32>
    %reduce_max3A_861 = vector.multi_reduction <maximumf>, %select_n3A_859, %reduce_max3A_860 [1] : vector<256x80xf32> to vector<256xf32>
    %broadcast_in_dim3A_862 = vector.shape_cast %reduce_max3A_861 : vector<256xf32> to vector<256x1xf32>
    %eq3A_863 = vector.broadcast %broadcast_in_dim3A_862 : vector<256x1xf32> to vector<256x80xf32>
    %eq3A_864 = arith.cmpf oeq, %select_n3A_859, %eq3A_863 : vector<256x80xf32>
    %jit3A_865 = arith.constant 1073741824 : i32
    %broadcast_in_dim3A_866 = vector.broadcast %jit3A_865 : i32 to vector<256x80xi32>
    %select_n3A_867 = arith.select %eq3A_864, %transpose3A, %broadcast_in_dim3A_866 : vector<256x80xi1>, vector<256x80xi32>
    %reduce_min3A_868 = arith.constant dense<2147483647> : vector<256xi32>
    %reduce_min3A_869 = vector.multi_reduction <minsi>, %select_n3A_867, %reduce_min3A_868 [1] : vector<256x80xi32> to vector<256xi32>
    %broadcast_in_dim3A_870 = vector.shape_cast %reduce_min3A_869 : vector<256xi32> to vector<256x1xi32>
    %iota3A = tpu.iota {dimensions = array<i32: 1>} : vector<1x5xi32>
    %broadcast_in_dim3A_871 = arith.constant 0 : i32
    %broadcast_in_dim3A_872 = vector.broadcast %broadcast_in_dim3A_871 : i32 to vector<256x5xi32>
    %eq3A_873 = arith.constant 0 : i32
    %eq3A_874 = vector.broadcast %eq3A_873 : i32 to vector<1x5xi32>
    %eq3A_875 = arith.cmpi eq, %iota3A, %eq3A_874 : vector<1x5xi32>
    %broadcast_in_dim3A_876 = vector.shape_cast %eq3A_875 : vector<1x5xi1> to vector<1x5xi1>
    %broadcast_in_dim3A_877 = vector.broadcast %broadcast_in_dim3A_876 : vector<1x5xi1> to vector<256x5xi1>
    %broadcast_in_dim3A_878 = vector.shape_cast %broadcast_in_dim3A_806 : vector<256x1xi32> to vector<256x1xi32>
    %broadcast_in_dim3A_879 = vector.broadcast %broadcast_in_dim3A_878 : vector<256x1xi32> to vector<256x5xi32>
    %select_n3A_880 = arith.select %broadcast_in_dim3A_877, %broadcast_in_dim3A_879, %broadcast_in_dim3A_872 : vector<256x5xi1>, vector<256x5xi32>
    %eq3A_881 = arith.constant 1 : i32
    %eq3A_882 = vector.broadcast %eq3A_881 : i32 to vector<1x5xi32>
    %eq3A_883 = arith.cmpi eq, %iota3A, %eq3A_882 : vector<1x5xi32>
    %broadcast_in_dim3A_884 = vector.shape_cast %eq3A_883 : vector<1x5xi1> to vector<1x5xi1>
    %broadcast_in_dim3A_885 = vector.broadcast %broadcast_in_dim3A_884 : vector<1x5xi1> to vector<256x5xi1>
    %broadcast_in_dim3A_886 = vector.shape_cast %broadcast_in_dim3A_822 : vector<256x1xi32> to vector<256x1xi32>
    %broadcast_in_dim3A_887 = vector.broadcast %broadcast_in_dim3A_886 : vector<256x1xi32> to vector<256x5xi32>
    %select_n3A_888 = arith.select %broadcast_in_dim3A_885, %broadcast_in_dim3A_887, %select_n3A_880 : vector<256x5xi1>, vector<256x5xi32>
    %eq3A_889 = arith.constant 2 : i32
    %eq3A_890 = vector.broadcast %eq3A_889 : i32 to vector<1x5xi32>
    %eq3A_891 = arith.cmpi eq, %iota3A, %eq3A_890 : vector<1x5xi32>
    %broadcast_in_dim3A_892 = vector.shape_cast %eq3A_891 : vector<1x5xi1> to vector<1x5xi1>
    %broadcast_in_dim3A_893 = vector.broadcast %broadcast_in_dim3A_892 : vector<1x5xi1> to vector<256x5xi1>
    %broadcast_in_dim3A_894 = vector.shape_cast %broadcast_in_dim3A_838 : vector<256x1xi32> to vector<256x1xi32>
    %broadcast_in_dim3A_895 = vector.broadcast %broadcast_in_dim3A_894 : vector<256x1xi32> to vector<256x5xi32>
    %select_n3A_896 = arith.select %broadcast_in_dim3A_893, %broadcast_in_dim3A_895, %select_n3A_888 : vector<256x5xi1>, vector<256x5xi32>
    %eq3A_897 = arith.constant 3 : i32
    %eq3A_898 = vector.broadcast %eq3A_897 : i32 to vector<1x5xi32>
    %eq3A_899 = arith.cmpi eq, %iota3A, %eq3A_898 : vector<1x5xi32>
    %broadcast_in_dim3A_900 = vector.shape_cast %eq3A_899 : vector<1x5xi1> to vector<1x5xi1>
    %broadcast_in_dim3A_901 = vector.broadcast %broadcast_in_dim3A_900 : vector<1x5xi1> to vector<256x5xi1>
    %broadcast_in_dim3A_902 = vector.shape_cast %broadcast_in_dim3A_854 : vector<256x1xi32> to vector<256x1xi32>
    %broadcast_in_dim3A_903 = vector.broadcast %broadcast_in_dim3A_902 : vector<256x1xi32> to vector<256x5xi32>
    %select_n3A_904 = arith.select %broadcast_in_dim3A_901, %broadcast_in_dim3A_903, %select_n3A_896 : vector<256x5xi1>, vector<256x5xi32>
    %eq3A_905 = arith.constant 4 : i32
    %eq3A_906 = vector.broadcast %eq3A_905 : i32 to vector<1x5xi32>
    %eq3A_907 = arith.cmpi eq, %iota3A, %eq3A_906 : vector<1x5xi32>
    %broadcast_in_dim3A_908 = vector.shape_cast %eq3A_907 : vector<1x5xi1> to vector<1x5xi1>
    %broadcast_in_dim3A_909 = vector.broadcast %broadcast_in_dim3A_908 : vector<1x5xi1> to vector<256x5xi1>
    %broadcast_in_dim3A_910 = vector.shape_cast %broadcast_in_dim3A_870 : vector<256x1xi32> to vector<256x1xi32>
    %broadcast_in_dim3A_911 = vector.broadcast %broadcast_in_dim3A_910 : vector<256x1xi32> to vector<256x5xi32>
    %select_n3A_912 = arith.select %broadcast_in_dim3A_909, %broadcast_in_dim3A_911, %select_n3A_904 : vector<256x5xi1>, vector<256x5xi32>
    %swap3A = arith.constant 0 : index
    %swap3A_913 = arith.constant 0 : index
    %swap3A_914 = vector.load %arg4[%swap3A, %swap3A_913] : memref<256x5xi32, #tpu.memory_space<vmem>>, vector<256x5xi32>
    tpu.vector_store %arg4[%swap3A, %swap3A_913], %select_n3A_912 {strides = array<i32>} : memref<256x5xi32, #tpu.memory_space<vmem>>, vector<256x5xi32>,
    return
  }
  func.func @transform_0(%arg0: i32) -> (i32, i32) {
    %c0_i32 = arith.constant 0 : i32
    %c0_i32_0 = arith.constant 0 : i32
    return %arg0, %c0_i32 : i32, i32
  }
  func.func @transform_1(%arg0: i32) -> (i32, i32, i32) {
    %c0_i32 = arith.constant 0 : i32
    %c0_i32_0 = arith.constant 0 : i32
    %c0_i32_1 = arith.constant 0 : i32
    return %c0_i32, %arg0, %c0_i32_0 : i32, i32, i32
  }
  func.func @transform_2(%arg0: i32) -> (i32, i32) {
    %c0_i32 = arith.constant 0 : i32
    %c0_i32_0 = arith.constant 0 : i32
    return %c0_i32, %arg0 : i32, i32
  }
  func.func @transform_3(%arg0: i32) -> (i32, i32) {
    %c0_i32 = arith.constant 0 : i32
    %c0_i32_0 = arith.constant 0 : i32
    return %arg0, %c0_i32 : i32, i32
  }
}

module attributes {stable_mosaic.version = 14 : i64} {
  func.func @_post_body(%arg0: memref<1024x64xf32, #tpu.memory_space<vmem>>, %arg1: memref<1024x64xf32, #tpu.memory_space<vmem>>, %arg2: memref<1024x640xf32, #tpu.memory_space<vmem>>, %arg3: memref<64x64xf32, #tpu.memory_space<vmem>>, %arg4: memref<1x64xf32, #tpu.memory_space<vmem>>, %arg5: memref<64x64xf32, #tpu.memory_space<vmem>>, %arg6: memref<1x64xf32, #tpu.memory_space<vmem>>, %arg7: memref<64x64xf32, #tpu.memory_space<vmem>>, %arg8: memref<1x64xf32, #tpu.memory_space<vmem>>, %arg9: memref<64x64xf32, #tpu.memory_space<vmem>>, %arg10: memref<1x64xf32, #tpu.memory_space<vmem>>, %arg11: memref<128x64xf32, #tpu.memory_space<vmem>>, %arg12: memref<1x128xf32, #tpu.memory_space<vmem>>, %arg13: memref<64x128xf32, #tpu.memory_space<vmem>>, %arg14: memref<1x64xf32, #tpu.memory_space<vmem>>, %arg15: memref<4x64xf32, #tpu.memory_space<vmem>>, %arg16: memref<1024x64xf32, #tpu.memory_space<vmem>>) attributes {dimension_semantics = [], scalar_prefetch = 0 : i64, scratch_operands = 0 : i64, tpu.core_type = #tpu.core_type<tc>} {
    %get3A = arith.constant 0 : index
    %get3A_0 = arith.constant 0 : index
    %get3A_1 = vector.load %arg1[%get3A, %get3A_0] : memref<1024x64xf32, #tpu.memory_space<vmem>>, vector<1024x64xf32>
    %get3A_2 = arith.constant 0 : index
    %get3A_3 = arith.constant 0 : index
    %get3A_4 = vector.load %arg3[%get3A_2, %get3A_3] : memref<64x64xf32, #tpu.memory_space<vmem>>, vector<64x64xf32>
    %dot_general3A = arith.constant dense<0.000000e+00> : vector<1024x64xf32>
    %dot_general3A_5 = tpu.matmul %get3A_1, %get3A_4, %dot_general3A {dimension_numbers = #tpu.dot_dimension_numbers<[1], [1], [0], [0], [0, 0, 1, 0], [], []>, transpose_lhs_hint = false} : vector<1024x64xf32>, vector<64x64xf32>, vector<1024x64xf32> -> vector<1024x64xf32>
    %get3A_6 = arith.constant 0 : index
    %get3A_7 = arith.constant 0 : index
    %get3A_8 = vector.load %arg4[%get3A_6, %get3A_7] : memref<1x64xf32, #tpu.memory_space<vmem>>, vector<1x64xf32>
    %add3A = vector.broadcast %get3A_8 : vector<1x64xf32> to vector<1024x64xf32>
    %add3A_9 = arith.addf %dot_general3A_5, %add3A : vector<1024x64xf32>
    %get3A_10 = arith.constant 0 : index
    %get3A_11 = arith.constant 0 : index
    %get3A_12 = vector.load %arg15[%get3A_10, %get3A_11] : memref<4x64xf32, #tpu.memory_space<vmem>>, vector<4x64xf32>
    %get3A_13 = arith.constant 0 : index
    %get3A_14 = arith.constant 64 : index
    %get3A_15 = vector.load %arg2[%get3A_13, %get3A_14] : memref<1024x640xf32, #tpu.memory_space<vmem>>, vector<1024x64xf32>
    %get3A_16 = arith.constant 0 : index
    %get3A_17 = arith.constant 0 : index
    %get3A_18 = vector.load %arg5[%get3A_16, %get3A_17] : memref<64x64xf32, #tpu.memory_space<vmem>>, vector<64x64xf32>
    %dot_general3A_19 = arith.constant dense<0.000000e+00> : vector<1024x64xf32>
    %dot_general3A_20 = tpu.matmul %get3A_15, %get3A_18, %dot_general3A_19 {dimension_numbers = #tpu.dot_dimension_numbers<[1], [1], [0], [0], [0, 0, 1, 0], [], []>, transpose_lhs_hint = false} : vector<1024x64xf32>, vector<64x64xf32>, vector<1024x64xf32> -> vector<1024x64xf32>
    %get3A_21 = arith.constant 0 : index
    %get3A_22 = arith.constant 0 : index
    %get3A_23 = vector.load %arg6[%get3A_21, %get3A_22] : memref<1x64xf32, #tpu.memory_space<vmem>>, vector<1x64xf32>
    %add3A_24 = vector.broadcast %get3A_23 : vector<1x64xf32> to vector<1024x64xf32>
    %add3A_25 = arith.addf %dot_general3A_20, %add3A_24 : vector<1024x64xf32>
    %get3A_26 = arith.constant 0 : index
    %get3A_27 = arith.constant 0 : index
    %get3A_28 = vector.load %arg7[%get3A_26, %get3A_27] : memref<64x64xf32, #tpu.memory_space<vmem>>, vector<64x64xf32>
    %dot_general3A_29 = arith.constant dense<0.000000e+00> : vector<1024x64xf32>
    %dot_general3A_30 = tpu.matmul %get3A_15, %get3A_28, %dot_general3A_29 {dimension_numbers = #tpu.dot_dimension_numbers<[1], [1], [0], [0], [0, 0, 1, 0], [], []>, transpose_lhs_hint = false} : vector<1024x64xf32>, vector<64x64xf32>, vector<1024x64xf32> -> vector<1024x64xf32>
    %get3A_31 = arith.constant 0 : index
    %get3A_32 = arith.constant 0 : index
    %get3A_33 = vector.load %arg8[%get3A_31, %get3A_32] : memref<1x64xf32, #tpu.memory_space<vmem>>, vector<1x64xf32>
    %add3A_34 = vector.broadcast %get3A_33 : vector<1x64xf32> to vector<1024x64xf32>
    %add3A_35 = arith.addf %dot_general3A_30, %add3A_34 : vector<1024x64xf32>
    %mul3A = arith.mulf %add3A_9, %add3A_25 : vector<1024x64xf32>
    %dot_general3A_36 = arith.constant dense<0.000000e+00> : vector<1024x4xf32>
    %dot_general3A_37 = tpu.matmul %mul3A, %get3A_12, %dot_general3A_36 {dimension_numbers = #tpu.dot_dimension_numbers<[1], [1], [0], [0], [0, 0, 1, 0], [], []>, transpose_lhs_hint = false} : vector<1024x64xf32>, vector<4x64xf32>, vector<1024x4xf32> -> vector<1024x4xf32>
    %mul3A_38 = arith.constant 2.500000e-01 : f32
    %mul3A_39 = vector.broadcast %mul3A_38 : f32 to vector<1024x4xf32>
    %mul3A_40 = arith.mulf %dot_general3A_37, %mul3A_39 : vector<1024x4xf32>
    %get3A_41 = arith.constant 0 : index
    %get3A_42 = arith.constant 192 : index
    %get3A_43 = vector.load %arg2[%get3A_41, %get3A_42] : memref<1024x640xf32, #tpu.memory_space<vmem>>, vector<1024x64xf32>
    %get3A_44 = arith.constant 0 : index
    %get3A_45 = arith.constant 0 : index
    %get3A_46 = vector.load %arg5[%get3A_44, %get3A_45] : memref<64x64xf32, #tpu.memory_space<vmem>>, vector<64x64xf32>
    %dot_general3A_47 = arith.constant dense<0.000000e+00> : vector<1024x64xf32>
    %dot_general3A_48 = tpu.matmul %get3A_43, %get3A_46, %dot_general3A_47 {dimension_numbers = #tpu.dot_dimension_numbers<[1], [1], [0], [0], [0, 0, 1, 0], [], []>, transpose_lhs_hint = false} : vector<1024x64xf32>, vector<64x64xf32>, vector<1024x64xf32> -> vector<1024x64xf32>
    %get3A_49 = arith.constant 0 : index
    %get3A_50 = arith.constant 0 : index
    %get3A_51 = vector.load %arg6[%get3A_49, %get3A_50] : memref<1x64xf32, #tpu.memory_space<vmem>>, vector<1x64xf32>
    %add3A_52 = vector.broadcast %get3A_51 : vector<1x64xf32> to vector<1024x64xf32>
    %add3A_53 = arith.addf %dot_general3A_48, %add3A_52 : vector<1024x64xf32>
    %get3A_54 = arith.constant 0 : index
    %get3A_55 = arith.constant 0 : index
    %get3A_56 = vector.load %arg7[%get3A_54, %get3A_55] : memref<64x64xf32, #tpu.memory_space<vmem>>, vector<64x64xf32>
    %dot_general3A_57 = arith.constant dense<0.000000e+00> : vector<1024x64xf32>
    %dot_general3A_58 = tpu.matmul %get3A_43, %get3A_56, %dot_general3A_57 {dimension_numbers = #tpu.dot_dimension_numbers<[1], [1], [0], [0], [0, 0, 1, 0], [], []>, transpose_lhs_hint = false} : vector<1024x64xf32>, vector<64x64xf32>, vector<1024x64xf32> -> vector<1024x64xf32>
    %get3A_59 = arith.constant 0 : index
    %get3A_60 = arith.constant 0 : index
    %get3A_61 = vector.load %arg8[%get3A_59, %get3A_60] : memref<1x64xf32, #tpu.memory_space<vmem>>, vector<1x64xf32>
    %add3A_62 = vector.broadcast %get3A_61 : vector<1x64xf32> to vector<1024x64xf32>
    %add3A_63 = arith.addf %dot_general3A_58, %add3A_62 : vector<1024x64xf32>
    %mul3A_64 = arith.mulf %add3A_9, %add3A_53 : vector<1024x64xf32>
    %dot_general3A_65 = arith.constant dense<0.000000e+00> : vector<1024x4xf32>
    %dot_general3A_66 = tpu.matmul %mul3A_64, %get3A_12, %dot_general3A_65 {dimension_numbers = #tpu.dot_dimension_numbers<[1], [1], [0], [0], [0, 0, 1, 0], [], []>, transpose_lhs_hint = false} : vector<1024x64xf32>, vector<4x64xf32>, vector<1024x4xf32> -> vector<1024x4xf32>
    %mul3A_67 = arith.constant 2.500000e-01 : f32
    %mul3A_68 = vector.broadcast %mul3A_67 : f32 to vector<1024x4xf32>
    %mul3A_69 = arith.mulf %dot_general3A_66, %mul3A_68 : vector<1024x4xf32>
    %get3A_70 = arith.constant 0 : index
    %get3A_71 = arith.constant 320 : index
    %get3A_72 = vector.load %arg2[%get3A_70, %get3A_71] : memref<1024x640xf32, #tpu.memory_space<vmem>>, vector<1024x64xf32>
    %get3A_73 = arith.constant 0 : index
    %get3A_74 = arith.constant 0 : index
    %get3A_75 = vector.load %arg5[%get3A_73, %get3A_74] : memref<64x64xf32, #tpu.memory_space<vmem>>, vector<64x64xf32>
    %dot_general3A_76 = arith.constant dense<0.000000e+00> : vector<1024x64xf32>
    %dot_general3A_77 = tpu.matmul %get3A_72, %get3A_75, %dot_general3A_76 {dimension_numbers = #tpu.dot_dimension_numbers<[1], [1], [0], [0], [0, 0, 1, 0], [], []>, transpose_lhs_hint = false} : vector<1024x64xf32>, vector<64x64xf32>, vector<1024x64xf32> -> vector<1024x64xf32>
    %get3A_78 = arith.constant 0 : index
    %get3A_79 = arith.constant 0 : index
    %get3A_80 = vector.load %arg6[%get3A_78, %get3A_79] : memref<1x64xf32, #tpu.memory_space<vmem>>, vector<1x64xf32>
    %add3A_81 = vector.broadcast %get3A_80 : vector<1x64xf32> to vector<1024x64xf32>
    %add3A_82 = arith.addf %dot_general3A_77, %add3A_81 : vector<1024x64xf32>
    %get3A_83 = arith.constant 0 : index
    %get3A_84 = arith.constant 0 : index
    %get3A_85 = vector.load %arg7[%get3A_83, %get3A_84] : memref<64x64xf32, #tpu.memory_space<vmem>>, vector<64x64xf32>
    %dot_general3A_86 = arith.constant dense<0.000000e+00> : vector<1024x64xf32>
    %dot_general3A_87 = tpu.matmul %get3A_72, %get3A_85, %dot_general3A_86 {dimension_numbers = #tpu.dot_dimension_numbers<[1], [1], [0], [0], [0, 0, 1, 0], [], []>, transpose_lhs_hint = false} : vector<1024x64xf32>, vector<64x64xf32>, vector<1024x64xf32> -> vector<1024x64xf32>
    %get3A_88 = arith.constant 0 : index
    %get3A_89 = arith.constant 0 : index
    %get3A_90 = vector.load %arg8[%get3A_88, %get3A_89] : memref<1x64xf32, #tpu.memory_space<vmem>>, vector<1x64xf32>
    %add3A_91 = vector.broadcast %get3A_90 : vector<1x64xf32> to vector<1024x64xf32>
    %add3A_92 = arith.addf %dot_general3A_87, %add3A_91 : vector<1024x64xf32>
    %mul3A_93 = arith.mulf %add3A_9, %add3A_82 : vector<1024x64xf32>
    %dot_general3A_94 = arith.constant dense<0.000000e+00> : vector<1024x4xf32>
    %dot_general3A_95 = tpu.matmul %mul3A_93, %get3A_12, %dot_general3A_94 {dimension_numbers = #tpu.dot_dimension_numbers<[1], [1], [0], [0], [0, 0, 1, 0], [], []>, transpose_lhs_hint = false} : vector<1024x64xf32>, vector<4x64xf32>, vector<1024x4xf32> -> vector<1024x4xf32>
    %mul3A_96 = arith.constant 2.500000e-01 : f32
    %mul3A_97 = vector.broadcast %mul3A_96 : f32 to vector<1024x4xf32>
    %mul3A_98 = arith.mulf %dot_general3A_95, %mul3A_97 : vector<1024x4xf32>
    %get3A_99 = arith.constant 0 : index
    %get3A_100 = arith.constant 448 : index
    %get3A_101 = vector.load %arg2[%get3A_99, %get3A_100] : memref<1024x640xf32, #tpu.memory_space<vmem>>, vector<1024x64xf32>
    %get3A_102 = arith.constant 0 : index
    %get3A_103 = arith.constant 0 : index
    %get3A_104 = vector.load %arg5[%get3A_102, %get3A_103] : memref<64x64xf32, #tpu.memory_space<vmem>>, vector<64x64xf32>
    %dot_general3A_105 = arith.constant dense<0.000000e+00> : vector<1024x64xf32>
    %dot_general3A_106 = tpu.matmul %get3A_101, %get3A_104, %dot_general3A_105 {dimension_numbers = #tpu.dot_dimension_numbers<[1], [1], [0], [0], [0, 0, 1, 0], [], []>, transpose_lhs_hint = false} : vector<1024x64xf32>, vector<64x64xf32>, vector<1024x64xf32> -> vector<1024x64xf32>
    %get3A_107 = arith.constant 0 : index
    %get3A_108 = arith.constant 0 : index
    %get3A_109 = vector.load %arg6[%get3A_107, %get3A_108] : memref<1x64xf32, #tpu.memory_space<vmem>>, vector<1x64xf32>
    %add3A_110 = vector.broadcast %get3A_109 : vector<1x64xf32> to vector<1024x64xf32>
    %add3A_111 = arith.addf %dot_general3A_106, %add3A_110 : vector<1024x64xf32>
    %get3A_112 = arith.constant 0 : index
    %get3A_113 = arith.constant 0 : index
    %get3A_114 = vector.load %arg7[%get3A_112, %get3A_113] : memref<64x64xf32, #tpu.memory_space<vmem>>, vector<64x64xf32>
    %dot_general3A_115 = arith.constant dense<0.000000e+00> : vector<1024x64xf32>
    %dot_general3A_116 = tpu.matmul %get3A_101, %get3A_114, %dot_general3A_115 {dimension_numbers = #tpu.dot_dimension_numbers<[1], [1], [0], [0], [0, 0, 1, 0], [], []>, transpose_lhs_hint = false} : vector<1024x64xf32>, vector<64x64xf32>, vector<1024x64xf32> -> vector<1024x64xf32>
    %get3A_117 = arith.constant 0 : index
    %get3A_118 = arith.constant 0 : index
    %get3A_119 = vector.load %arg8[%get3A_117, %get3A_118] : memref<1x64xf32, #tpu.memory_space<vmem>>, vector<1x64xf32>
    %add3A_120 = vector.broadcast %get3A_119 : vector<1x64xf32> to vector<1024x64xf32>
    %add3A_121 = arith.addf %dot_general3A_116, %add3A_120 : vector<1024x64xf32>
    %mul3A_122 = arith.mulf %add3A_9, %add3A_111 : vector<1024x64xf32>
    %dot_general3A_123 = arith.constant dense<0.000000e+00> : vector<1024x4xf32>
    %dot_general3A_124 = tpu.matmul %mul3A_122, %get3A_12, %dot_general3A_123 {dimension_numbers = #tpu.dot_dimension_numbers<[1], [1], [0], [0], [0, 0, 1, 0], [], []>, transpose_lhs_hint = false} : vector<1024x64xf32>, vector<4x64xf32>, vector<1024x4xf32> -> vector<1024x4xf32>
    %mul3A_125 = arith.constant 2.500000e-01 : f32
    %mul3A_126 = vector.broadcast %mul3A_125 : f32 to vector<1024x4xf32>
    %mul3A_127 = arith.mulf %dot_general3A_124, %mul3A_126 : vector<1024x4xf32>
    %get3A_128 = arith.constant 0 : index
    %get3A_129 = arith.constant 576 : index
    %get3A_130 = vector.load %arg2[%get3A_128, %get3A_129] : memref<1024x640xf32, #tpu.memory_space<vmem>>, vector<1024x64xf32>
    %get3A_131 = arith.constant 0 : index
    %get3A_132 = arith.constant 0 : index
    %get3A_133 = vector.load %arg5[%get3A_131, %get3A_132] : memref<64x64xf32, #tpu.memory_space<vmem>>, vector<64x64xf32>
    %dot_general3A_134 = arith.constant dense<0.000000e+00> : vector<1024x64xf32>
    %dot_general3A_135 = tpu.matmul %get3A_130, %get3A_133, %dot_general3A_134 {dimension_numbers = #tpu.dot_dimension_numbers<[1], [1], [0], [0], [0, 0, 1, 0], [], []>, transpose_lhs_hint = false} : vector<1024x64xf32>, vector<64x64xf32>, vector<1024x64xf32> -> vector<1024x64xf32>
    %get3A_136 = arith.constant 0 : index
    %get3A_137 = arith.constant 0 : index
    %get3A_138 = vector.load %arg6[%get3A_136, %get3A_137] : memref<1x64xf32, #tpu.memory_space<vmem>>, vector<1x64xf32>
    %add3A_139 = vector.broadcast %get3A_138 : vector<1x64xf32> to vector<1024x64xf32>
    %add3A_140 = arith.addf %dot_general3A_135, %add3A_139 : vector<1024x64xf32>
    %get3A_141 = arith.constant 0 : index
    %get3A_142 = arith.constant 0 : index
    %get3A_143 = vector.load %arg7[%get3A_141, %get3A_142] : memref<64x64xf32, #tpu.memory_space<vmem>>, vector<64x64xf32>
    %dot_general3A_144 = arith.constant dense<0.000000e+00> : vector<1024x64xf32>
    %dot_general3A_145 = tpu.matmul %get3A_130, %get3A_143, %dot_general3A_144 {dimension_numbers = #tpu.dot_dimension_numbers<[1], [1], [0], [0], [0, 0, 1, 0], [], []>, transpose_lhs_hint = false} : vector<1024x64xf32>, vector<64x64xf32>, vector<1024x64xf32> -> vector<1024x64xf32>
    %get3A_146 = arith.constant 0 : index
    %get3A_147 = arith.constant 0 : index
    %get3A_148 = vector.load %arg8[%get3A_146, %get3A_147] : memref<1x64xf32, #tpu.memory_space<vmem>>, vector<1x64xf32>
    %add3A_149 = vector.broadcast %get3A_148 : vector<1x64xf32> to vector<1024x64xf32>
    %add3A_150 = arith.addf %dot_general3A_145, %add3A_149 : vector<1024x64xf32>
    %mul3A_151 = arith.mulf %add3A_9, %add3A_140 : vector<1024x64xf32>
    %dot_general3A_152 = arith.constant dense<0.000000e+00> : vector<1024x4xf32>
    %dot_general3A_153 = tpu.matmul %mul3A_151, %get3A_12, %dot_general3A_152 {dimension_numbers = #tpu.dot_dimension_numbers<[1], [1], [0], [0], [0, 0, 1, 0], [], []>, transpose_lhs_hint = false} : vector<1024x64xf32>, vector<4x64xf32>, vector<1024x4xf32> -> vector<1024x4xf32>
    %mul3A_154 = arith.constant 2.500000e-01 : f32
    %mul3A_155 = vector.broadcast %mul3A_154 : f32 to vector<1024x4xf32>
    %mul3A_156 = arith.mulf %dot_general3A_153, %mul3A_155 : vector<1024x4xf32>
    %max3A = arith.maximumf %mul3A_40, %mul3A_69 : vector<1024x4xf32>
    %max3A_157 = arith.maximumf %max3A, %mul3A_98 : vector<1024x4xf32>
    %max3A_158 = arith.maximumf %max3A_157, %mul3A_127 : vector<1024x4xf32>
    %max3A_159 = arith.maximumf %max3A_158, %mul3A_156 : vector<1024x4xf32>
    %sub3A = arith.subf %mul3A_40, %max3A_159 : vector<1024x4xf32>
    %exp3A = math.exp %sub3A : vector<1024x4xf32>
    %sub3A_160 = arith.subf %mul3A_69, %max3A_159 : vector<1024x4xf32>
    %exp3A_161 = math.exp %sub3A_160 : vector<1024x4xf32>
    %sub3A_162 = arith.subf %mul3A_98, %max3A_159 : vector<1024x4xf32>
    %exp3A_163 = math.exp %sub3A_162 : vector<1024x4xf32>
    %sub3A_164 = arith.subf %mul3A_127, %max3A_159 : vector<1024x4xf32>
    %exp3A_165 = math.exp %sub3A_164 : vector<1024x4xf32>
    %sub3A_166 = arith.subf %mul3A_156, %max3A_159 : vector<1024x4xf32>
    %exp3A_167 = math.exp %sub3A_166 : vector<1024x4xf32>
    %add3A_168 = arith.addf %exp3A, %exp3A_161 : vector<1024x4xf32>
    %add3A_169 = arith.addf %add3A_168, %exp3A_163 : vector<1024x4xf32>
    %add3A_170 = arith.addf %add3A_169, %exp3A_165 : vector<1024x4xf32>
    %add3A_171 = arith.addf %add3A_170, %exp3A_167 : vector<1024x4xf32>
    %broadcast_in_dim3A = arith.constant 0.000000e+00 : f32
    %broadcast_in_dim3A_172 = vector.broadcast %broadcast_in_dim3A : f32 to vector<1024x64xf32>
    %div3A = arith.divf %exp3A, %add3A_171 : vector<1024x4xf32>
    %dot_general3A_173 = arith.constant dense<0.000000e+00> : vector<1024x64xf32>
    %dot_general3A_174 = tpu.matmul %div3A, %get3A_12, %dot_general3A_173 {dimension_numbers = #tpu.dot_dimension_numbers<[1], [0], [0], [1], [0, 0, 1, 1], [], []>, transpose_lhs_hint = false} : vector<1024x4xf32>, vector<4x64xf32>, vector<1024x64xf32> -> vector<1024x64xf32>
    %mul3A_175 = arith.mulf %dot_general3A_174, %add3A_35 : vector<1024x64xf32>
    %add3A_176 = arith.addf %broadcast_in_dim3A_172, %mul3A_175 : vector<1024x64xf32>
    %div3A_177 = arith.divf %exp3A_161, %add3A_171 : vector<1024x4xf32>
    %dot_general3A_178 = arith.constant dense<0.000000e+00> : vector<1024x64xf32>
    %dot_general3A_179 = tpu.matmul %div3A_177, %get3A_12, %dot_general3A_178 {dimension_numbers = #tpu.dot_dimension_numbers<[1], [0], [0], [1], [0, 0, 1, 1], [], []>, transpose_lhs_hint = false} : vector<1024x4xf32>, vector<4x64xf32>, vector<1024x64xf32> -> vector<1024x64xf32>
    %mul3A_180 = arith.mulf %dot_general3A_179, %add3A_63 : vector<1024x64xf32>
    %add3A_181 = arith.addf %add3A_176, %mul3A_180 : vector<1024x64xf32>
    %div3A_182 = arith.divf %exp3A_163, %add3A_171 : vector<1024x4xf32>
    %dot_general3A_183 = arith.constant dense<0.000000e+00> : vector<1024x64xf32>
    %dot_general3A_184 = tpu.matmul %div3A_182, %get3A_12, %dot_general3A_183 {dimension_numbers = #tpu.dot_dimension_numbers<[1], [0], [0], [1], [0, 0, 1, 1], [], []>, transpose_lhs_hint = false} : vector<1024x4xf32>, vector<4x64xf32>, vector<1024x64xf32> -> vector<1024x64xf32>
    %mul3A_185 = arith.mulf %dot_general3A_184, %add3A_92 : vector<1024x64xf32>
    %add3A_186 = arith.addf %add3A_181, %mul3A_185 : vector<1024x64xf32>
    %div3A_187 = arith.divf %exp3A_165, %add3A_171 : vector<1024x4xf32>
    %dot_general3A_188 = arith.constant dense<0.000000e+00> : vector<1024x64xf32>
    %dot_general3A_189 = tpu.matmul %div3A_187, %get3A_12, %dot_general3A_188 {dimension_numbers = #tpu.dot_dimension_numbers<[1], [0], [0], [1], [0, 0, 1, 1], [], []>, transpose_lhs_hint = false} : vector<1024x4xf32>, vector<4x64xf32>, vector<1024x64xf32> -> vector<1024x64xf32>
    %mul3A_190 = arith.mulf %dot_general3A_189, %add3A_121 : vector<1024x64xf32>
    %add3A_191 = arith.addf %add3A_186, %mul3A_190 : vector<1024x64xf32>
    %div3A_192 = arith.divf %exp3A_167, %add3A_171 : vector<1024x4xf32>
    %dot_general3A_193 = arith.constant dense<0.000000e+00> : vector<1024x64xf32>
    %dot_general3A_194 = tpu.matmul %div3A_192, %get3A_12, %dot_general3A_193 {dimension_numbers = #tpu.dot_dimension_numbers<[1], [0], [0], [1], [0, 0, 1, 1], [], []>, transpose_lhs_hint = false} : vector<1024x4xf32>, vector<4x64xf32>, vector<1024x64xf32> -> vector<1024x64xf32>
    %mul3A_195 = arith.mulf %dot_general3A_194, %add3A_150 : vector<1024x64xf32>
    %add3A_196 = arith.addf %add3A_191, %mul3A_195 : vector<1024x64xf32>
    %get3A_197 = arith.constant 0 : index
    %get3A_198 = arith.constant 0 : index
    %get3A_199 = vector.load %arg9[%get3A_197, %get3A_198] : memref<64x64xf32, #tpu.memory_space<vmem>>, vector<64x64xf32>
    %dot_general3A_200 = arith.constant dense<0.000000e+00> : vector<1024x64xf32>
    %dot_general3A_201 = tpu.matmul %add3A_196, %get3A_199, %dot_general3A_200 {dimension_numbers = #tpu.dot_dimension_numbers<[1], [1], [0], [0], [0, 0, 1, 0], [], []>, transpose_lhs_hint = false} : vector<1024x64xf32>, vector<64x64xf32>, vector<1024x64xf32> -> vector<1024x64xf32>
    %get3A_202 = arith.constant 0 : index
    %get3A_203 = arith.constant 0 : index
    %get3A_204 = vector.load %arg10[%get3A_202, %get3A_203] : memref<1x64xf32, #tpu.memory_space<vmem>>, vector<1x64xf32>
    %add3A_205 = vector.broadcast %get3A_204 : vector<1x64xf32> to vector<1024x64xf32>
    %add3A_206 = arith.addf %dot_general3A_201, %add3A_205 : vector<1024x64xf32>
    %get3A_207 = arith.constant 0 : index
    %get3A_208 = arith.constant 0 : index
    %get3A_209 = vector.load %arg11[%get3A_207, %get3A_208] : memref<128x64xf32, #tpu.memory_space<vmem>>, vector<128x64xf32>
    %dot_general3A_210 = arith.constant dense<0.000000e+00> : vector<1024x128xf32>
    %dot_general3A_211 = tpu.matmul %add3A_206, %get3A_209, %dot_general3A_210 {dimension_numbers = #tpu.dot_dimension_numbers<[1], [1], [0], [0], [0, 0, 1, 0], [], []>, transpose_lhs_hint = false} : vector<1024x64xf32>, vector<128x64xf32>, vector<1024x128xf32> -> vector<1024x128xf32>
    %get3A_212 = arith.constant 0 : index
    %get3A_213 = arith.constant 0 : index
    %get3A_214 = vector.load %arg12[%get3A_212, %get3A_213] : memref<1x128xf32, #tpu.memory_space<vmem>>, vector<1x128xf32>
    %add3A_215 = vector.broadcast %get3A_214 : vector<1x128xf32> to vector<1024x128xf32>
    %add3A_216 = arith.addf %dot_general3A_211, %add3A_215 : vector<1024x128xf32>
    %mul3A_217 = arith.constant 5.000000e-01 : f32
    %mul3A_218 = vector.broadcast %mul3A_217 : f32 to vector<1024x128xf32>
    %mul3A_219 = arith.mulf %mul3A_218, %add3A_216 : vector<1024x128xf32>
    %mul3A_220 = arith.constant 0.707106769 : f32
    %mul3A_221 = vector.broadcast %mul3A_220 : f32 to vector<1024x128xf32>
    %mul3A_222 = arith.mulf %add3A_216, %mul3A_221 : vector<1024x128xf32>
    %erf3A = math.erf %mul3A_222 : vector<1024x128xf32>
    %add3A_223 = arith.constant 1.000000e+00 : f32
    %add3A_224 = vector.broadcast %add3A_223 : f32 to vector<1024x128xf32>
    %add3A_225 = arith.addf %add3A_224, %erf3A : vector<1024x128xf32>
    %mul3A_226 = arith.mulf %mul3A_219, %add3A_225 : vector<1024x128xf32>
    %get3A_227 = arith.constant 0 : index
    %get3A_228 = arith.constant 0 : index
    %get3A_229 = vector.load %arg13[%get3A_227, %get3A_228] : memref<64x128xf32, #tpu.memory_space<vmem>>, vector<64x128xf32>
    %dot_general3A_230 = arith.constant dense<0.000000e+00> : vector<1024x64xf32>
    %dot_general3A_231 = tpu.matmul %mul3A_226, %get3A_229, %dot_general3A_230 {dimension_numbers = #tpu.dot_dimension_numbers<[1], [1], [0], [0], [0, 0, 1, 0], [], []>, transpose_lhs_hint = false} : vector<1024x128xf32>, vector<64x128xf32>, vector<1024x64xf32> -> vector<1024x64xf32>
    %get3A_232 = arith.constant 0 : index
    %get3A_233 = arith.constant 0 : index
    %get3A_234 = vector.load %arg14[%get3A_232, %get3A_233] : memref<1x64xf32, #tpu.memory_space<vmem>>, vector<1x64xf32>
    %add3A_235 = vector.broadcast %get3A_234 : vector<1x64xf32> to vector<1024x64xf32>
    %add3A_236 = arith.addf %dot_general3A_231, %add3A_235 : vector<1024x64xf32>
    %get3A_237 = arith.constant 0 : index
    %get3A_238 = arith.constant 0 : index
    %get3A_239 = vector.load %arg0[%get3A_237, %get3A_238] : memref<1024x64xf32, #tpu.memory_space<vmem>>, vector<1024x64xf32>
    %mul3A_240 = arith.constant 5.000000e-01 : f32
    %mul3A_241 = vector.broadcast %mul3A_240 : f32 to vector<1024x64xf32>
    %mul3A_242 = arith.mulf %mul3A_241, %add3A_236 : vector<1024x64xf32>
    %add3A_243 = arith.addf %get3A_239, %mul3A_242 : vector<1024x64xf32>
    %swap3A = arith.constant 0 : index
    %swap3A_244 = arith.constant 0 : index
    %swap3A_245 = vector.load %arg16[%swap3A, %swap3A_244] : memref<1024x64xf32, #tpu.memory_space<vmem>>, vector<1024x64xf32>
    tpu.vector_store %arg16[%swap3A, %swap3A_244], %add3A_243 {strides = array<i32>} : memref<1024x64xf32, #tpu.memory_space<vmem>>, vector<1024x64xf32>,
    return
  }
}

</mosaic_0001>

<sc_bundles>
// kernel: kernel.10.cloned.1.call-start
scs
__scs_entry_jumppad:
0x0: {  	(pc) =	sbr.rel $0x88, $3  }
0x1: {  	(tag) =	ssettag $0x0;
	lr =	simm.s32 $0x1  }
0x2: {  	[smem:$0x3F90] =	sst lr;
	_ =	strace $0xD0000000  }
0x3: {  	_ = 	snop  }
0x4: {  	_ = 	snop  }
0x5: {  	_ = 	snop  }
0x6: {  	_ = 	snop  }
0x7: {  	_ = 	snop  }
__scs_overlays_trampoline_lowered:
0x8: {  	[smem:$0x3F9F] =	sst s0  }
0x9: {  	[smem:$0x3FA0] =	sst s1  }
0xa: {  	[smem:$0x3FA1] =	sst s2  }
0xb: {  	[smem:$0x3FA2] =	sst s3  }
0xc: {  	[smem:$0x3FA3] =	sst s4  }
0xd: {  	[smem:$0x3FA4] =	sst s5  }
0xe: {  	[smem:$0x3FA5] =	sst s6  }
0xf: {  	[smem:$0x3FA6] =	sst s7  }
0x10: {  	[smem:$0x3FA7] =	sst s8  }
0x11: {  	[smem:$0x3FA8] =	sst s9;
	s0 =	simm.s32 @!p0 $0x0  }
0x12: {  	s1 =	sld [smem:$0x3F8E];
	s0 =	simm.s32 @p0 $0x1  }
0x13: {  	[smem:$0x3FA9] =	sst s0;
	s0 =	simm.s32 @!p1 $0x0  }
0x14: {  	s2 =	sld [smem:$0x3F8D];
	s0 =	simm.s32 @p1 $0x1  }
0x15: {  	[smem:$0x3FAA] =	sst s0;
	s0 =	simm.s32 @!p2 $0x0  }
0x16: {  	s3 =	sld [smem:$0x3FDB];
	s0 =	simm.s32 @p2 $0x1  }
0x17: {  	s4 =	simm.s32 $0x1BF5;
	[smem:$0x3FAC] =	sst s0  }
0x18: {  	s0 =	sld [smem:$0x3F8F];
	_ =	swait.ge [sflag:s4], $0x0  }
0x19: {  	s7 =	sld [smem:$0x3F90]  }
0x1a: {  	s8 =	sadd.s32 $0xFFFFE003, lr  }
0x1b: {  	s9 =	sadd.s32 $0xFFFFFEF7, lr;
	s5 =	simm.s32 $0xFFFFFFFF;
	p2 =	slt.u32 s8, $0xFFFFF086  }
0x1c: {  	p1 =	slt.u32 s9, $0xF7A;
	s5 =	simm.s32 @!p2 $0x0  }
0x1d: {  	s5 =	simm.s32 @p1 $0x1;
	p0 =	seq.s32 s7, s2  }
0x1e: {  	s7 =	smul.u32 @!p0 $0xF7A, s2;
	p2 =	seq.s32 @!p0 s5, $0x0  }
0x1f: {  	s9 =	smul.u32 $0xF7A, s1;
	s8 =	simm.s32 @!p0 $0x1BF5;
	p2 =	por !p2, p0  }
0x20: {  	[sflag:s8] =	ssyncset.s32 @!p0 $0xFFFFF086;
	s6 =	sadd.s32 @!p0 s3, s7;
	s7 =	simm.s32 @!p0 $0x108  }
0x21: {  	s3 =	sadd.s32 s3, s9;
	s6 =	sadd.s32 @!p0 $0x88, s6;
	s7 =	simm.s32 @p2 $0x1082  }
0x22: {  	[simem:s7], [sflag:s8] =	dma.local @!p0 [hbm:s6], $0xF7A  }
0x23: {  	s9 =	sor.u32 $0xD0000000, s2;
	s6 =	simm.s32 $0x108;
	_ =	swait.ge @!p0 [sflag:s8], $0x0  }
0x24: {  	s3 =	sadd.s32 $0x88, s3;
	s6 =	simm.s32 @!p1 $0x1082;
	[sflag:s4] =	ssyncset.s32 $0xFFFFF086  }
0x25: {  	[simem:s6], [sflag:s4] =	dma.local [hbm:s3], $0xF7A  }
0x26: {  	[smem:$0x3F90] =	sst s1;
	(tag) =	ssettag s2;
	_ =	strace s9  }
0x27: {  	s1 =	sld [smem:$0x3FA0]  }
0x28: {  	s2 =	sld [smem:$0x3FA1]  }
0x29: {  	s4 =	sld [smem:$0x3FA3]  }
0x2a: {  	p0 =	seq.s32 s5, $0x0;
	s5 =	sld [smem:$0x3FA4]  }
0x2b: {  	s6 =	sld [smem:$0x3FA5]  }
0x2c: {  	s7 =	sld [smem:$0x3FA6]  }
0x2d: {  	s3 =	simm.s32 $0x108;
	s8 =	sld [smem:$0x3FA7]  }
0x2e: {  	s3 =	simm.s32 @!p0 $0x1082;
	s9 =	sld [smem:$0x3FA8]  }
0x2f: {  	lr =	sadd.s32 s0, s3;
	s0 =	sld [smem:$0x3F9F]  }
0x30: {  	s3 =	sld [smem:$0x3FA2]  }
0x31: {  	[smem:$0x3FAB] =	sst s10  }
0x32: {  	s10 =	sld [smem:$0x3FA9];
	_ =	sdelay $0x3  }
0x33: {  	p0 =	seq.s32 s10, $0x1;
	s10 =	sld [smem:$0x3FAB];
	_ =	sdelay $0x3  }
0x34: {  	[smem:$0x3FAB] =	sst s10  }
0x35: {  	s10 =	sld [smem:$0x3FAA];
	_ =	sdelay $0x3  }
0x36: {  	p1 =	seq.s32 s10, $0x1;
	s10 =	sld [smem:$0x3FAB];
	_ =	sdelay $0x3  }
0x37: {  	[smem:$0x3FAB] =	sst s10  }
0x38: {  	s10 =	sld [smem:$0x3FAC]  }
0x39: {  	_ = 	snop;
	(pc) =	sbr.ind lr, $3  }
0x3a: {  	_ = 	snop  }
0x3b: {  	_ = 	snop  }
0x3c: {  	p2 =	seq.s32 s10, $0x1;
	s10 =	sld [smem:$0x3FAB]  }
0x3d: {  	_ =	shalt  }
0x3e: {  	_ =	shalt  }
0x3f: {  	_ =	shalt  }
0x40: {  	_ =	shalt  }
0x41: {  	_ =	shalt  }
0x42: {  	_ =	shalt  }
0x43: {  	_ =	shalt  }
0x44: {  	_ =	shalt  }
0x45: {  	_ =	shalt  }
0x46: {  	_ =	shalt  }
0x47: {  	_ =	shalt  }
0x48: {  	_ =	shalt  }
0x49: {  	_ =	shalt  }
0x4a: {  	_ =	shalt  }
0x4b: {  	_ =	shalt  }
0x4c: {  	_ =	shalt  }
0x4d: {  	_ =	shalt  }
0x4e: {  	_ =	shalt  }
0x4f: {  	_ =	shalt  }
0x50: {  	_ =	shalt  }
0x51: {  	_ =	shalt  }
0x52: {  	_ =	shalt  }
0x53: {  	_ =	shalt  }
0x54: {  	_ =	shalt  }
0x55: {  	_ =	shalt  }
0x56: {  	_ =	shalt  }
0x57: {  	_ =	shalt  }
0x58: {  	_ =	shalt  }
0x59: {  	_ =	shalt  }
0x5a: {  	_ =	shalt  }
0x5b: {  	_ =	shalt  }
0x5c: {  	_ =	shalt  }
0x5d: {  	_ =	shalt  }
0x5e: {  	_ =	shalt  }
0x5f: {  	_ =	shalt  }
0x60: {  	_ =	shalt  }
0x61: {  	_ =	shalt  }
0x62: {  	_ =	shalt  }
0x63: {  	_ =	shalt  }
0x64: {  	_ =	shalt  }
0x65: {  	_ =	shalt  }
0x66: {  	_ =	shalt  }
0x67: {  	_ =	shalt  }
0x68: {  	_ =	shalt  }
0x69: {  	_ =	shalt  }
0x6a: {  	_ =	shalt  }
0x6b: {  	_ =	shalt  }
0x6c: {  	_ =	shalt  }
0x6d: {  	_ =	shalt  }
0x6e: {  	_ =	shalt  }
0x6f: {  	_ =	shalt  }
0x70: {  	_ =	shalt  }
0x71: {  	_ =	shalt  }
0x72: {  	_ =	shalt  }
0x73: {  	_ =	shalt  }
0x74: {  	_ =	shalt  }
0x75: {  	_ =	shalt  }
0x76: {  	_ =	shalt  }
0x77: {  	_ =	shalt  }
0x78: {  	_ =	shalt  }
0x79: {  	_ =	shalt  }
0x7a: {  	_ =	shalt  }
0x7b: {  	_ =	shalt  }
0x7c: {  	_ =	shalt  }
0x7d: {  	_ =	shalt  }
0x7e: {  	_ =	shalt  }
0x7f: {  	_ =	shalt  }
0x80: {  	_ =	shalt  }
0x81: {  	_ =	shalt  }
0x82: {  	_ =	shalt  }
0x83: {  	_ =	shalt  }
0x84: {  	_ =	shalt  }
0x85: {  	_ =	shalt  }
0x86: {  	_ =	shalt  }
0x87: {  	_ =	shalt  }
.Lfunc_end0:
.L_simem_size_0:
called_computation.1_lowered:
.L_overlay_start_0:
0x88: {  	s2 =	sld [smem:$0x3FD9]  }
0x89: {  	s3 =	sld [smem:$0x3FFE];
	_ =	sdelay $0x1  }
0x8a: {  	s1 =	srdreg.scid  }
0x8b: {  	s0 =	sand.u32 $0x1, s1  }
0x8c: {  	s17 =	sshll.u32 s0, $0xA;
	s2 =	sadd.s32 s3, s2  }
0x8d: {  	s2 =	sadd.s32 s2, s17  }
0x8e: {  	[smem:$0x3FB7] =	sst s2  }
0x8f: {  	_ = 	snop  }
0x90: {  	s2 =	sld [smem:$0x3FD0];
	(tm) =	ssettm $0x1  }
0x91: {  	s18 =	sld [smem:$0x3FFB];
	_ =	sdelay $0x3  }
0x92: {  	_ =	strace s18  }
0x93: {  	s3 =	sld [smem:$0x3FFC];
	_ =	sdelay $0x3  }
0x94: {  	_ =	strace s3  }
0x95: {  	s3 =	sld [smem:$0x3FFD];
	_ =	sdelay $0x3  }
0x96: {  	_ =	strace s3  }
0x97: {  	_ =	strace $0x8FFFFFFF  }
0x98: {  	s19 =	sld [smem:$0x3FDB];
	_ =	sdelay $0x1  }
0x99: {  	s4 =	simm.s32 $_scs_section_size  }
0x9a: {  	s5 =	simm.s32 $_size__tile_overlayer_lowered;
	s6 =	simm.s32 $_tile_overlayer_lowered  }
0x9b: {  	s22 =	simm.s32 $0x1BFF;
	s21 =	sshll.u32 s6, $0x1;
	s3 =	sadd.s32 s4, s19  }
0x9c: {  	s7 =	simm.s32 $0x0;
	s20 =	sshll.u32 s5, $0x1;
	s5 =	sadd.s32 s21, s3  }
0x9d: {  	[timem:s7], [sflag:s22] =	dma.local [hbm:s5], s20  }
0x9e: {  	_ =	swait.ge [sflag:s22], s20  }
0x9f: {  	s4 =	ssub.s32 $0x0, s20;
	[sflag:s22] =	ssyncset.done $0x0  }
0xa0: {  	[sflag:s22] =	ssyncadd.s32 s4;
	_ =	sdelay $0x1  }
0xa1: {  	s23 =	simm.s32 $0x1B8B  }
0xa2: {  	_ =	swait.ge [sflag:s23], $0x1  }
0xa3: {  	[sflag:s23] =	ssyncset.done $0x0  }
0xa4: {  	s25 =	simm.s32 $0x1B8E;
	s24 =	sld [smem:$0x3FFE];
	[sflag:s23] =	ssyncadd.s32 $0xFFFFFFFF  }
0xa5: {  	s26 =	simm.s32 $execute0_lowered;
	[smem:$0x3FD2] =	sst s25  }
0xa6: {  	s5 =	sshll.u32 s26, $0x1;
	_ =	strace $0x80000049;
	[dreg:$0x1] =	wrdreg $0xFFFFFFFF  }
0xa7: {  	s28 =	simm.s32 $_size_execute0_lowered;
	s3 =	sadd.s32 s3, s5;
	[dreg:$0x0] =	wrdreg $0x0  }
0xa8: {  	s5 =	sshll.u32 s28, $0x1;
	[dreg:$0x2] =	wrdreg s3  }
0xa9: {  	[dreg:$0x3] =	wrdreg s5  }
0xaa: {  	[dreg:$0x4] =	wrdreg $0xC0  }
0xab: {  	_ =	task [dreg:s7], $0x5FFFF  }
0xac: {  	[dreg:$0x1] =	wrdreg $0xFFFFFFFF  }
0xad: {  	[dreg:$0x0] =	wrdreg $0x60  }
0xae: {  	[dreg:$0x2] =	wrdreg s24  }
0xaf: {  	[dreg:$0x3] =	wrdreg s2  }
0xb0: {  	[dreg:$0x4] =	wrdreg $0x9  }
0xb1: {  	_ =	task.clear_ibuf [dreg:s7], $0x5FFFF;
	_ =	strace $0x90000049  }
0xb2: {  	s29 =	simm.s32 $0x9;
	_ =	strace $0x8000004B  }
0xb3: {  	_ =	swait.ge [sflag:s29], $0x1  }
0xb4: {  	[sflag:s29] =	ssyncadd.s32 $0xFFFFFFFF  }
0xb5: {  	_ =	strace $0x9000004B  }
0xb6: {  	_ =	sfence  }
0xb7: {  	s30 =	sld [smem:$0x0];
	_ =	sdelay $0x2  }
0xb8: {  	s31 =	sshll.u32 s1, $0xD;
	s1 =	sshrl.u32 s1, $0x2  }
0xb9: {  	s3 =	sand.u32 $0x4000, s31;
	s1 =	sadd.s32 s1, s30  }
0xba: {  	s0 =	sor.u32 s3, s0;
	s1 =	sshll.u32 s1, $0x11  }
0xbb: {  	s0 =	sor.u32 s1, s0  }
0xbc: {  	s0 =	sadd.s32 $0x8F2B, s0  }
0xbd: {  	[sflag:s0] =	ssyncadd.remote.s32 $0x1  }
0xbe: {  	_ =	sfence.sel $0xFFFF  }
0xbf: {  	[dreg:$0x0] =	wrdreg $0xFFFFFFFF;
	(pc) =	sbr.abs _section_cstart, $3  }
0xc0: {  	[dreg:$0x1] =	wrdreg $0xFFFFFFFF  }
0xc1: {  	_ =	task.clear_ibuf [dreg:s7], $0x2FFFF;
	_ =	strace $0x9FFFFFFF  }
0xc2: {  	(tm) =	ssettm $0x7FFFFFFF  }
0xc3: {  	_ =	shalt  }
tec
execute0_lowered:
.L_overlay_start_1:
0x0: {  	(tag) =	ssettag $0x1  }
0x1: {  	s1 =	srdreg.scid  }
0x2: {  	s0 =	stileid.u32;
	s9 =	rddreg [dreg:$0x0]  }
0x3: {  	s3 =	rddreg [dreg:$0x1];
	s6 =	sand.u32 $0x1, s1;
	s30 =	sshll.u32 s0, $0x1  }
0x4: {  	s2 =	simm.s32 $0x0;
	s1 =	rddreg [dreg:$0x2];
	s7 =	sor.u32 s6, s30  }
0x5: {  	s8 =	simm.s32 $0x1;
	[smem:$0x7FF] =	sst s2;
	s4 =	smul.u32 $0x14, s7  }
0x6: {  	s5 =	sadd.s32 $0x316400, s9;
	_ =	strace $0x8000004A;
	s11 =	ssub.s32 $0x2, s6  }
0x7: {  	s6 =	simm.s32 $0xA0;
	s4 =	sadd.s32 s3, s4;
	s3 =	simm.s32 $0x2  }
0x8: {  	[tilespmem:s2], [sflag:$0x2] =	stream.linear.gather [hbm4b:s4+s2], $0xA0, $0x38;
	[tilespmem:$0x5100] =	vst v63  }
0x9: {  	s10 =	smul.u32 $0xA00, s7;
	s12 =	sshrl.u32 s11, $0x1;
	_ =	swait.ge [sflag:s3], $0xA0  }
0xa: {  	s7 =	simm.s32 $0x100;
	s31 =	ssub.s32 s11, s12;
	[sflag:s3] =	ssyncset.done $0x0  }
0xb: {  	s9 =	sadd.s32 s10, s9;
	s10 =	smax.u32 s31, $0x1;
	[sflag:s3] =	ssyncadd.s32 $0xFFFFFF60  }
0xc: {  	[tilespmem:s7], [sflag:$0x1] =	stream.indirect.gather [hbm4b:s5+s6], $0x80, s2, s6, $0xb8;
	[tilespmem:$0x5100] =	vst v63  }
0xd: {  	p0 =	sne.s32 s10, $0x1;
	_ =	swait.ge [sflag:s8], $0x5000  }
.Ltmp0:
0xe: {  	[sflag:s8] =	ssyncset.done $0x0;
	(pc) =	sbr.rel @!p0 .LBB2_2-.Ltmp0, $4  }
0xf: {  	s9 =	sadd.s32 $0xD000, s9;
	[sflag:s8] =	ssyncadd.s32 $0xFFFFB000  }
0x10: {  	[hbm4b:s9+s2] =	stream.linear.scatter [tilespmem:s7], [sflag:$0x2], $0x5000, $0x38;
	[tilespmem:$0x5100] =	vst v63  }
0x11: {  	_ =	swait.ge [sflag:s3], $0x5000  }
0x12: {  	s10 =	sadd.s32 $0xFFFFFFFF, s10;
	[sflag:s3] =	ssyncset.done $0x0  }
.LBB2_1:
0x13: {  	p0 =	sne.s32 s10, $0x1;
	s10 =	sadd.s32 $0xFFFFFFFF, s10;
	[sflag:s3] =	ssyncadd.s32 $0xFFFFB000  }
0x14: {  	[tilespmem:s2], [sflag:$0x2] =	stream.linear.gather [hbm4b:s4+s2], $0xA0, $0x38;
	[tilespmem:$0x5100] =	vst v63  }
0x15: {  	_ =	swait.ge [sflag:s3], $0xA0  }
0x16: {  	[sflag:s3] =	ssyncset.done $0x0  }
0x17: {  	[sflag:s3] =	ssyncadd.s32 $0xFFFFFF60  }
0x18: {  	[tilespmem:s7], [sflag:$0x1] =	stream.indirect.gather [hbm4b:s5+s6], $0x80, s2, s6, $0xb8;
	[tilespmem:$0x5100] =	vst v63  }
0x19: {  	_ =	swait.ge [sflag:s8], $0x5000  }
.Ltmp1:
0x1a: {  	[sflag:s8] =	ssyncset.done $0x0;
	(pc) =	sbr.rel @p0 .LBB2_1-.Ltmp1, $4  }
0x1b: {  	[sflag:s8] =	ssyncadd.s32 $0xFFFFB000  }
0x1c: {  	[hbm4b:s9+s2] =	stream.linear.scatter [tilespmem:s7], [sflag:$0x2], $0x5000, $0x38;
	[tilespmem:$0x5100] =	vst v63  }
0x1d: {  	_ =	swait.ge [sflag:s3], $0x5000  }
0x1e: {  	[sflag:s3] =	ssyncset.done $0x0  }
.LBB2_2:
0x1f: {  	[sflag:s3] =	ssyncadd.s32 $0xFFFFB000  }
0x20: {  	_ =	sfence.sel $0x180000  }
0x21: {  	[bflag:$0x0] =	sbarrier.arrive $0xFFFF  }
0x22: {  	p0 =	sne.s32 s0, $0x0;
	_ =	strace $0x9000004A  }
0x23: {  	s0 =	sadd.s32 @!p0 $0x100000, s1;
	[bflag:$0x2] =	sbarrier.arrive $0xFFFF  }
0x24: {  	[sflag:s0] =	ssyncadd.tile.s32 @!p0 $0x1;
	_ =	shalt  }
.Lfunc_end2:
_tile_overlayer_lowered:
.L_overlay_start_2:
0x25: {  	(tag) =	ssettag $0x2  }
0x26: {  	s0 =	rddreg [dreg:$0x0];
	s2 =	stileid.u32  }
0x27: {  	s1 =	rddreg [dreg:$0x1];
	p0 =	sne.s32 s2, $0x0  }
0x28: {  	s3 =	rddreg [dreg:$0x2];
	[bflag:$0x3] =	sbarrier.arrive $0xFFFF;
	s2 =	simm.s32 @!p0 $0x1C02  }
0x29: {  	[timem:s3], [sflag:s2] =	dma.local @!p0 [hbm:s0], s1  }
0x2a: {  	s0 =	simm.s32 @!p0 $0x2  }
0x2b: {  	_ =	swait.ge @!p0 [sflag:s0], s1  }
0x2c: {  	s1 =	ssub.s32 @!p0 $0x0, s1;
	[sflag:s0] =	ssyncset.done @!p0 $0x0  }
0x2d: {  	[sflag:s0] =	ssyncadd.s32 @!p0 s1  }
0x2e: {  	[bflag:$0x3] =	sbarrier.arrive $0xFFFF  }
0x2f: {  	_ =	shalt  }

// kernel: kernel.7.cloned.1.call-start
scs
__scs_entry_jumppad:
0x0: {  	(pc) =	sbr.rel $0x88, $3  }
0x1: {  	(tag) =	ssettag $0x0;
	lr =	simm.s32 $0x1  }
0x2: {  	[smem:$0x3F90] =	sst lr;
	_ =	strace $0xD0000000  }
0x3: {  	_ = 	snop  }
0x4: {  	_ = 	snop  }
0x5: {  	_ = 	snop  }
0x6: {  	_ = 	snop  }
0x7: {  	_ = 	snop  }
__scs_overlays_trampoline_lowered:
0x8: {  	[smem:$0x3F9F] =	sst s0  }
0x9: {  	[smem:$0x3FA0] =	sst s1  }
0xa: {  	[smem:$0x3FA1] =	sst s2  }
0xb: {  	[smem:$0x3FA2] =	sst s3  }
0xc: {  	[smem:$0x3FA3] =	sst s4  }
0xd: {  	[smem:$0x3FA4] =	sst s5  }
0xe: {  	[smem:$0x3FA5] =	sst s6  }
0xf: {  	[smem:$0x3FA6] =	sst s7  }
0x10: {  	[smem:$0x3FA7] =	sst s8  }
0x11: {  	[smem:$0x3FA8] =	sst s9;
	s0 =	simm.s32 @!p0 $0x0  }
0x12: {  	s1 =	sld [smem:$0x3F8E];
	s0 =	simm.s32 @p0 $0x1  }
0x13: {  	[smem:$0x3FA9] =	sst s0;
	s0 =	simm.s32 @!p1 $0x0  }
0x14: {  	s2 =	sld [smem:$0x3F8D];
	s0 =	simm.s32 @p1 $0x1  }
0x15: {  	[smem:$0x3FAA] =	sst s0;
	s0 =	simm.s32 @!p2 $0x0  }
0x16: {  	s3 =	sld [smem:$0x3FDB];
	s0 =	simm.s32 @p2 $0x1  }
0x17: {  	s4 =	simm.s32 $0x1BF5;
	[smem:$0x3FAC] =	sst s0  }
0x18: {  	s0 =	sld [smem:$0x3F8F];
	_ =	swait.ge [sflag:s4], $0x0  }
0x19: {  	s7 =	sld [smem:$0x3F90]  }
0x1a: {  	s8 =	sadd.s32 $0xFFFFE003, lr  }
0x1b: {  	s9 =	sadd.s32 $0xFFFFFEF7, lr;
	s5 =	simm.s32 $0xFFFFFFFF;
	p2 =	slt.u32 s8, $0xFFFFF086  }
0x1c: {  	p1 =	slt.u32 s9, $0xF7A;
	s5 =	simm.s32 @!p2 $0x0  }
0x1d: {  	s5 =	simm.s32 @p1 $0x1;
	p0 =	seq.s32 s7, s2  }
0x1e: {  	s7 =	smul.u32 @!p0 $0xF7A, s2;
	p2 =	seq.s32 @!p0 s5, $0x0  }
0x1f: {  	s9 =	smul.u32 $0xF7A, s1;
	s8 =	simm.s32 @!p0 $0x1BF5;
	p2 =	por !p2, p0  }
0x20: {  	[sflag:s8] =	ssyncset.s32 @!p0 $0xFFFFF086;
	s6 =	sadd.s32 @!p0 s3, s7;
	s7 =	simm.s32 @!p0 $0x108  }
0x21: {  	s3 =	sadd.s32 s3, s9;
	s6 =	sadd.s32 @!p0 $0x88, s6;
	s7 =	simm.s32 @p2 $0x1082  }
0x22: {  	[simem:s7], [sflag:s8] =	dma.local @!p0 [hbm:s6], $0xF7A  }
0x23: {  	s9 =	sor.u32 $0xD0000000, s2;
	s6 =	simm.s32 $0x108;
	_ =	swait.ge @!p0 [sflag:s8], $0x0  }
0x24: {  	s3 =	sadd.s32 $0x88, s3;
	s6 =	simm.s32 @!p1 $0x1082;
	[sflag:s4] =	ssyncset.s32 $0xFFFFF086  }
0x25: {  	[simem:s6], [sflag:s4] =	dma.local [hbm:s3], $0xF7A  }
0x26: {  	[smem:$0x3F90] =	sst s1;
	(tag) =	ssettag s2;
	_ =	strace s9  }
0x27: {  	s1 =	sld [smem:$0x3FA0]  }
0x28: {  	s2 =	sld [smem:$0x3FA1]  }
0x29: {  	s4 =	sld [smem:$0x3FA3]  }
0x2a: {  	p0 =	seq.s32 s5, $0x0;
	s5 =	sld [smem:$0x3FA4]  }
0x2b: {  	s6 =	sld [smem:$0x3FA5]  }
0x2c: {  	s7 =	sld [smem:$0x3FA6]  }
0x2d: {  	s3 =	simm.s32 $0x108;
	s8 =	sld [smem:$0x3FA7]  }
0x2e: {  	s3 =	simm.s32 @!p0 $0x1082;
	s9 =	sld [smem:$0x3FA8]  }
0x2f: {  	lr =	sadd.s32 s0, s3;
	s0 =	sld [smem:$0x3F9F]  }
0x30: {  	s3 =	sld [smem:$0x3FA2]  }
0x31: {  	[smem:$0x3FAB] =	sst s10  }
0x32: {  	s10 =	sld [smem:$0x3FA9];
	_ =	sdelay $0x3  }
0x33: {  	p0 =	seq.s32 s10, $0x1;
	s10 =	sld [smem:$0x3FAB];
	_ =	sdelay $0x3  }
0x34: {  	[smem:$0x3FAB] =	sst s10  }
0x35: {  	s10 =	sld [smem:$0x3FAA];
	_ =	sdelay $0x3  }
0x36: {  	p1 =	seq.s32 s10, $0x1;
	s10 =	sld [smem:$0x3FAB];
	_ =	sdelay $0x3  }
0x37: {  	[smem:$0x3FAB] =	sst s10  }
0x38: {  	s10 =	sld [smem:$0x3FAC]  }
0x39: {  	_ = 	snop;
	(pc) =	sbr.ind lr, $3  }
0x3a: {  	_ = 	snop  }
0x3b: {  	_ = 	snop  }
0x3c: {  	p2 =	seq.s32 s10, $0x1;
	s10 =	sld [smem:$0x3FAB]  }
0x3d: {  	_ =	shalt  }
0x3e: {  	_ =	shalt  }
0x3f: {  	_ =	shalt  }
0x40: {  	_ =	shalt  }
0x41: {  	_ =	shalt  }
0x42: {  	_ =	shalt  }
0x43: {  	_ =	shalt  }
0x44: {  	_ =	shalt  }
0x45: {  	_ =	shalt  }
0x46: {  	_ =	shalt  }
0x47: {  	_ =	shalt  }
0x48: {  	_ =	shalt  }
0x49: {  	_ =	shalt  }
0x4a: {  	_ =	shalt  }
0x4b: {  	_ =	shalt  }
0x4c: {  	_ =	shalt  }
0x4d: {  	_ =	shalt  }
0x4e: {  	_ =	shalt  }
0x4f: {  	_ =	shalt  }
0x50: {  	_ =	shalt  }
0x51: {  	_ =	shalt  }
0x52: {  	_ =	shalt  }
0x53: {  	_ =	shalt  }
0x54: {  	_ =	shalt  }
0x55: {  	_ =	shalt  }
0x56: {  	_ =	shalt  }
0x57: {  	_ =	shalt  }
0x58: {  	_ =	shalt  }
0x59: {  	_ =	shalt  }
0x5a: {  	_ =	shalt  }
0x5b: {  	_ =	shalt  }
0x5c: {  	_ =	shalt  }
0x5d: {  	_ =	shalt  }
0x5e: {  	_ =	shalt  }
0x5f: {  	_ =	shalt  }
0x60: {  	_ =	shalt  }
0x61: {  	_ =	shalt  }
0x62: {  	_ =	shalt  }
0x63: {  	_ =	shalt  }
0x64: {  	_ =	shalt  }
0x65: {  	_ =	shalt  }
0x66: {  	_ =	shalt  }
0x67: {  	_ =	shalt  }
0x68: {  	_ =	shalt  }
0x69: {  	_ =	shalt  }
0x6a: {  	_ =	shalt  }
0x6b: {  	_ =	shalt  }
0x6c: {  	_ =	shalt  }
0x6d: {  	_ =	shalt  }
0x6e: {  	_ =	shalt  }
0x6f: {  	_ =	shalt  }
0x70: {  	_ =	shalt  }
0x71: {  	_ =	shalt  }
0x72: {  	_ =	shalt  }
0x73: {  	_ =	shalt  }
0x74: {  	_ =	shalt  }
0x75: {  	_ =	shalt  }
0x76: {  	_ =	shalt  }
0x77: {  	_ =	shalt  }
0x78: {  	_ =	shalt  }
0x79: {  	_ =	shalt  }
0x7a: {  	_ =	shalt  }
0x7b: {  	_ =	shalt  }
0x7c: {  	_ =	shalt  }
0x7d: {  	_ =	shalt  }
0x7e: {  	_ =	shalt  }
0x7f: {  	_ =	shalt  }
0x80: {  	_ =	shalt  }
0x81: {  	_ =	shalt  }
0x82: {  	_ =	shalt  }
0x83: {  	_ =	shalt  }
0x84: {  	_ =	shalt  }
0x85: {  	_ =	shalt  }
0x86: {  	_ =	shalt  }
0x87: {  	_ =	shalt  }
.Lfunc_end0:
.L_simem_size_0:
called_computation_lowered:
.L_overlay_start_0:
0x88: {  	s2 =	sld [smem:$0x3FD9]  }
0x89: {  	s3 =	sld [smem:$0x3FFE];
	_ =	sdelay $0x1  }
0x8a: {  	s1 =	srdreg.scid  }
0x8b: {  	s0 =	sand.u32 $0x1, s1  }
0x8c: {  	s16 =	sshll.u32 s0, $0xA;
	s2 =	sadd.s32 s3, s2  }
0x8d: {  	s2 =	sadd.s32 s2, s16  }
0x8e: {  	[smem:$0x3FB7] =	sst s2  }
0x8f: {  	_ = 	snop  }
0x90: {  	(tm) =	ssettm $0x1  }
0x91: {  	s17 =	sld [smem:$0x3FFB];
	_ =	sdelay $0x3  }
0x92: {  	_ =	strace s17  }
0x93: {  	s2 =	sld [smem:$0x3FFC];
	_ =	sdelay $0x3  }
0x94: {  	_ =	strace s2  }
0x95: {  	s2 =	sld [smem:$0x3FFD];
	_ =	sdelay $0x3  }
0x96: {  	_ =	strace s2  }
0x97: {  	_ =	strace $0x8FFFFFFF  }
0x98: {  	s18 =	sld [smem:$0x3FDB];
	_ =	sdelay $0x1  }
0x99: {  	s19 =	simm.s32 $_scs_section_size  }
0x9a: {  	s4 =	simm.s32 $_size__tile_overlayer_lowered;
	s5 =	simm.s32 $_tile_overlayer_lowered  }
0x9b: {  	s22 =	simm.s32 $0x1BFF;
	s21 =	sshll.u32 s5, $0x1;
	s2 =	sadd.s32 s19, s18  }
0x9c: {  	s6 =	simm.s32 $0x0;
	s20 =	sshll.u32 s4, $0x1;
	s4 =	sadd.s32 s21, s2  }
0x9d: {  	[timem:s6], [sflag:s22] =	dma.local [hbm:s4], s20  }
0x9e: {  	_ =	swait.ge [sflag:s22], s20  }
0x9f: {  	s3 =	ssub.s32 $0x0, s20;
	[sflag:s22] =	ssyncset.done $0x0  }
0xa0: {  	[sflag:s22] =	ssyncadd.s32 s3;
	_ =	sdelay $0x1  }
0xa1: {  	s23 =	simm.s32 $0x1B8B  }
0xa2: {  	_ =	swait.ge [sflag:s23], $0x1  }
0xa3: {  	[sflag:s23] =	ssyncset.done $0x0  }
0xa4: {  	s25 =	simm.s32 $0x1B8E;
	s24 =	sld [smem:$0x3FFE];
	[sflag:s23] =	ssyncadd.s32 $0xFFFFFFFF  }
0xa5: {  	s26 =	simm.s32 $execute0_lowered;
	[smem:$0x3FD2] =	sst s25  }
0xa6: {  	s4 =	sshll.u32 s26, $0x1;
	_ =	strace $0x80000046;
	[dreg:$0x1] =	wrdreg $0xFFFFFFFF  }
0xa7: {  	s28 =	simm.s32 $_size_execute0_lowered;
	s2 =	sadd.s32 s2, s4;
	[dreg:$0x0] =	wrdreg $0x0  }
0xa8: {  	s4 =	sshll.u32 s28, $0x1;
	[dreg:$0x2] =	wrdreg s2  }
0xa9: {  	[dreg:$0x3] =	wrdreg s4  }
0xaa: {  	[dreg:$0x4] =	wrdreg $0xC0  }
0xab: {  	_ =	task [dreg:s6], $0x5FFFF  }
0xac: {  	[dreg:$0x1] =	wrdreg $0xFFFFFFFF  }
0xad: {  	[dreg:$0x0] =	wrdreg $0x60  }
0xae: {  	[dreg:$0x2] =	wrdreg s24  }
0xaf: {  	[dreg:$0x3] =	wrdreg $0x9  }
0xb0: {  	_ =	task.clear_ibuf [dreg:s6], $0x4FFFF;
	_ =	strace $0x90000046  }
0xb1: {  	s29 =	simm.s32 $0x9;
	_ =	strace $0x80000048  }
0xb2: {  	_ =	swait.ge [sflag:s29], $0x1  }
0xb3: {  	[sflag:s29] =	ssyncadd.s32 $0xFFFFFFFF  }
0xb4: {  	_ =	strace $0x90000048  }
0xb5: {  	_ =	sfence  }
0xb6: {  	s30 =	sld [smem:$0x0];
	_ =	sdelay $0x2  }
0xb7: {  	s31 =	sshll.u32 s1, $0xD;
	s1 =	sshrl.u32 s1, $0x2  }
0xb8: {  	s3 =	sand.u32 $0x4000, s31;
	s1 =	sadd.s32 s1, s30  }
0xb9: {  	s0 =	sor.u32 s3, s0;
	s1 =	sshll.u32 s1, $0x11  }
0xba: {  	s0 =	sor.u32 s1, s0  }
0xbb: {  	s0 =	sadd.s32 $0x8F2B, s0  }
0xbc: {  	[sflag:s0] =	ssyncadd.remote.s32 $0x1  }
0xbd: {  	_ =	sfence.sel $0xFFFF  }
0xbe: {  	[dreg:$0x0] =	wrdreg $0xFFFFFFFF;
	(pc) =	sbr.abs _section_cstart, $3  }
0xbf: {  	[dreg:$0x1] =	wrdreg $0xFFFFFFFF  }
0xc0: {  	_ =	task.clear_ibuf [dreg:s6], $0x2FFFF;
	_ =	strace $0x9FFFFFFF  }
0xc1: {  	(tm) =	ssettm $0x7FFFFFFF  }
tec
execute0_lowered:
.L_overlay_start_1:
0x0: {  	(tag) =	ssettag $0x1  }
0x1: {  	s1 =	srdreg.scid;
	s0 =	stileid.u32  }
0x2: {  	s14 =	sand.u32 $0x1, s1;
	s28 =	sshll.u32 s0, $0x1  }
0x3: {  	s8 =	sor.u32 s14, s28  }
0x4: {  	s9 =	rddreg [dreg:$0x0];
	s13 =	smul.u32 $0xA00, s8  }
0x5: {  	s2 =	simm.s32 $0x0;
	s1 =	rddreg [dreg:$0x1]  }
0x6: {  	[smem:$0x7FF] =	sst s2;
	s15 =	sadd.s32 $0xD000, s9;
	s3 =	sshrl.u32 s13, $0x3  }
0x7: {  	_ =	strace $0x80000047;
	s4 =	sadd.s32 s15, s3;
	s3 =	simm.s32 $0x2  }
0x8: {  	[tilespmem:s2], [sflag:$0x2] =	stream.linear.gather [hbm4b:s4+s2], $0x280, $0x38;
	[tilespmem:$0x14280] =	vst v63  }
0x9: {  	_ =	swait.ge [sflag:s3], $0x280  }
0xa: {  	s6 =	simm.s32 $0x280;
	[sflag:s3] =	ssyncset.done $0x0  }
0xb: {  	s7 =	simm.s32 $0x1;
	s5 =	sadd.s32 $0x316400, s9;
	[sflag:s3] =	ssyncadd.s32 $0xFFFFFD80  }
0xc: {  	[tilespmem:s6], [sflag:$0x1] =	stream.indirect.gather [hbm4b:s5+s6], $0x80, s2, s6, $0xb8;
	[tilespmem:$0x14280] =	vst v63  }
0xd: {  	s8 =	smul.u32 $0xA000, s8;
	_ =	swait.ge [sflag:s7], $0x14000  }
0xe: {  	s16 =	sadd.s32 $0xF800, s9;
	[sflag:s7] =	ssyncset.done $0x0  }
0xf: {  	s8 =	sadd.s32 s16, s8;
	[sflag:s7] =	ssyncadd.s32 $0xFFFEC000  }
0x10: {  	[hbm4b:s8+s2] =	stream.linear.scatter [tilespmem:s6], [sflag:$0x2], $0x14000, $0x38;
	[tilespmem:$0x14280] =	vst v63  }
0x11: {  	s10 =	sadd.s32 $0x280, s13;
	_ =	swait.ge [sflag:s3], $0x14000  }
0x12: {  	s29 =	sshrl.u32 s10, $0x3;
	[sflag:s3] =	ssyncset.done $0x0  }
0x13: {  	s9 =	sadd.s32 s15, s29;
	[sflag:s3] =	ssyncadd.s32 $0xFFFEC000  }
0x14: {  	[tilespmem:s2], [sflag:$0x2] =	stream.linear.gather [hbm4b:s9+s2], $0x280, $0x38;
	[tilespmem:$0x14280] =	vst v63  }
0x15: {  	_ =	swait.ge [sflag:s3], $0x280  }
0x16: {  	[sflag:s3] =	ssyncset.done $0x0  }
0x17: {  	[sflag:s3] =	ssyncadd.s32 $0xFFFFFD80  }
0x18: {  	[tilespmem:s6], [sflag:$0x1] =	stream.indirect.gather [hbm4b:s5+s6], $0x80, s2, s6, $0xb8;
	[tilespmem:$0x14280] =	vst v63  }
0x19: {  	_ =	swait.ge [sflag:s7], $0x14000  }
0x1a: {  	s10 =	sshll.u32 s10, $0x4;
	[sflag:s7] =	ssyncset.done $0x0  }
0x1b: {  	s10 =	sadd.s32 s16, s10;
	[sflag:s7] =	ssyncadd.s32 $0xFFFEC000  }
0x1c: {  	[hbm4b:s10+s2] =	stream.linear.scatter [tilespmem:s6], [sflag:$0x2], $0x14000, $0x38;
	[tilespmem:$0x14280] =	vst v63  }
0x1d: {  	s12 =	sadd.s32 $0x500, s13;
	_ =	swait.ge [sflag:s3], $0x14000  }
0x1e: {  	s11 =	sshrl.u32 s12, $0x3;
	[sflag:s3] =	ssyncset.done $0x0  }
0x1f: {  	s11 =	sadd.s32 s15, s11;
	[sflag:s3] =	ssyncadd.s32 $0xFFFEC000  }
0x20: {  	[tilespmem:s2], [sflag:$0x2] =	stream.linear.gather [hbm4b:s11+s2], $0x280, $0x38;
	[tilespmem:$0x14280] =	vst v63  }
0x21: {  	_ =	swait.ge [sflag:s3], $0x280  }
0x22: {  	[sflag:s3] =	ssyncset.done $0x0  }
0x23: {  	[sflag:s3] =	ssyncadd.s32 $0xFFFFFD80  }
0x24: {  	[tilespmem:s6], [sflag:$0x1] =	stream.indirect.gather [hbm4b:s5+s6], $0x80, s2, s6, $0xb8;
	[tilespmem:$0x14280] =	vst v63  }
0x25: {  	_ =	swait.ge [sflag:s7], $0x14000  }
0x26: {  	s12 =	sshll.u32 s12, $0x4;
	[sflag:s7] =	ssyncset.done $0x0  }
0x27: {  	s12 =	sadd.s32 s16, s12;
	[sflag:s7] =	ssyncadd.s32 $0xFFFEC000  }
0x28: {  	[hbm4b:s12+s2] =	stream.linear.scatter [tilespmem:s6], [sflag:$0x2], $0x14000, $0x38;
	[tilespmem:$0x14280] =	vst v63  }
0x29: {  	s17 =	sadd.s32 $0x780, s13;
	_ =	swait.ge [sflag:s3], $0x14000  }
0x2a: {  	s13 =	sshrl.u32 s17, $0x3;
	[sflag:s3] =	ssyncset.done $0x0  }
0x2b: {  	s14 =	ssub.s32 $0x2, s14;
	s13 =	sadd.s32 s15, s13;
	[sflag:s3] =	ssyncadd.s32 $0xFFFEC000  }
0x2c: {  	[tilespmem:s2], [sflag:$0x2] =	stream.linear.gather [hbm4b:s13+s2], $0x280, $0x38;
	[tilespmem:$0x14280] =	vst v63  }
0x2d: {  	s30 =	sshrl.u32 s14, $0x1;
	_ =	swait.ge [sflag:s3], $0x280  }
0x2e: {  	s15 =	ssub.s32 s14, s30;
	[sflag:s3] =	ssyncset.done $0x0  }
0x2f: {  	s15 =	smax.u32 s15, $0x1;
	[sflag:s3] =	ssyncadd.s32 $0xFFFFFD80  }
0x30: {  	[tilespmem:s6], [sflag:$0x1] =	stream.indirect.gather [hbm4b:s5+s6], $0x80, s2, s6, $0xb8;
	[tilespmem:$0x14280] =	vst v63  }
0x31: {  	p0 =	sne.s32 s15, $0x1;
	_ =	swait.ge [sflag:s7], $0x14000  }
.Ltmp0:
0x32: {  	s31 =	sshll.u32 s17, $0x4;
	[sflag:s7] =	ssyncset.done $0x0;
	(pc) =	sbr.rel @!p0 .LBB2_2-.Ltmp0, $4  }
0x33: {  	s14 =	sadd.s32 s16, s31;
	[sflag:s7] =	ssyncadd.s32 $0xFFFEC000  }
0x34: {  	[hbm4b:s14+s2] =	stream.linear.scatter [tilespmem:s6], [sflag:$0x2], $0x14000, $0x38;
	[tilespmem:$0x14280] =	vst v63  }
0x35: {  	_ =	swait.ge [sflag:s3], $0x14000  }
0x36: {  	s15 =	sadd.s32 $0xFFFFFFFF, s15;
	[sflag:s3] =	ssyncset.done $0x0  }
.LBB2_1:
0x37: {  	p0 =	sne.s32 s15, $0x1;
	s15 =	sadd.s32 $0xFFFFFFFF, s15;
	[sflag:s3] =	ssyncadd.s32 $0xFFFEC000  }
0x38: {  	[tilespmem:s2], [sflag:$0x2] =	stream.linear.gather [hbm4b:s4+s2], $0x280, $0x38;
	[tilespmem:$0x14280] =	vst v63  }
0x39: {  	_ =	swait.ge [sflag:s3], $0x280  }
0x3a: {  	[sflag:s3] =	ssyncset.done $0x0  }
0x3b: {  	[sflag:s3] =	ssyncadd.s32 $0xFFFFFD80  }
0x3c: {  	[tilespmem:s6], [sflag:$0x1] =	stream.indirect.gather [hbm4b:s5+s6], $0x80, s2, s6, $0xb8;
	[tilespmem:$0x14280] =	vst v63  }
0x3d: {  	_ =	swait.ge [sflag:s7], $0x14000  }
0x3e: {  	[sflag:s7] =	ssyncset.done $0x0  }
0x3f: {  	[sflag:s7] =	ssyncadd.s32 $0xFFFEC000  }
0x40: {  	[hbm4b:s8+s2] =	stream.linear.scatter [tilespmem:s6], [sflag:$0x2], $0x14000, $0x38;
	[tilespmem:$0x14280] =	vst v63  }
0x41: {  	_ =	swait.ge [sflag:s3], $0x14000  }
0x42: {  	[sflag:s3] =	ssyncset.done $0x0  }
0x43: {  	[sflag:s3] =	ssyncadd.s32 $0xFFFEC000  }
0x44: {  	[tilespmem:s2], [sflag:$0x2] =	stream.linear.gather [hbm4b:s9+s2], $0x280, $0x38;
	[tilespmem:$0x14280] =	vst v63  }
0x45: {  	_ =	swait.ge [sflag:s3], $0x280  }
0x46: {  	[sflag:s3] =	ssyncset.done $0x0  }
0x47: {  	[sflag:s3] =	ssyncadd.s32 $0xFFFFFD80  }
0x48: {  	[tilespmem:s6], [sflag:$0x1] =	stream.indirect.gather [hbm4b:s5+s6], $0x80, s2, s6, $0xb8;
	[tilespmem:$0x14280] =	vst v63  }
0x49: {  	_ =	swait.ge [sflag:s7], $0x14000  }
0x4a: {  	[sflag:s7] =	ssyncset.done $0x0  }
0x4b: {  	[sflag:s7] =	ssyncadd.s32 $0xFFFEC000  }
0x4c: {  	[hbm4b:s10+s2] =	stream.linear.scatter [tilespmem:s6], [sflag:$0x2], $0x14000, $0x38;
	[tilespmem:$0x14280] =	vst v63  }
0x4d: {  	_ =	swait.ge [sflag:s3], $0x14000  }
0x4e: {  	[sflag:s3] =	ssyncset.done $0x0  }
0x4f: {  	[sflag:s3] =	ssyncadd.s32 $0xFFFEC000  }
0x50: {  	[tilespmem:s2], [sflag:$0x2] =	stream.linear.gather [hbm4b:s11+s2], $0x280, $0x38;
	[tilespmem:$0x14280] =	vst v63  }
0x51: {  	_ =	swait.ge [sflag:s3], $0x280  }
0x52: {  	[sflag:s3] =	ssyncset.done $0x0  }
0x53: {  	[sflag:s3] =	ssyncadd.s32 $0xFFFFFD80  }
0x54: {  	[tilespmem:s6], [sflag:$0x1] =	stream.indirect.gather [hbm4b:s5+s6], $0x80, s2, s6, $0xb8;
	[tilespmem:$0x14280] =	vst v63  }
0x55: {  	_ =	swait.ge [sflag:s7], $0x14000  }
0x56: {  	[sflag:s7] =	ssyncset.done $0x0  }
0x57: {  	[sflag:s7] =	ssyncadd.s32 $0xFFFEC000  }
0x58: {  	[hbm4b:s12+s2] =	stream.linear.scatter [tilespmem:s6], [sflag:$0x2], $0x14000, $0x38;
	[tilespmem:$0x14280] =	vst v63  }
0x59: {  	_ =	swait.ge [sflag:s3], $0x14000  }
0x5a: {  	[sflag:s3] =	ssyncset.done $0x0  }
0x5b: {  	[sflag:s3] =	ssyncadd.s32 $0xFFFEC000  }
0x5c: {  	[tilespmem:s2], [sflag:$0x2] =	stream.linear.gather [hbm4b:s13+s2], $0x280, $0x38;
	[tilespmem:$0x14280] =	vst v63  }
0x5d: {  	_ =	swait.ge [sflag:s3], $0x280  }
0x5e: {  	[sflag:s3] =	ssyncset.done $0x0  }
0x5f: {  	[sflag:s3] =	ssyncadd.s32 $0xFFFFFD80  }
0x60: {  	[tilespmem:s6], [sflag:$0x1] =	stream.indirect.gather [hbm4b:s5+s6], $0x80, s2, s6, $0xb8;
	[tilespmem:$0x14280] =	vst v63  }
0x61: {  	_ =	swait.ge [sflag:s7], $0x14000  }
.Ltmp1:
0x62: {  	[sflag:s7] =	ssyncset.done $0x0;
	(pc) =	sbr.rel @p0 .LBB2_1-.Ltmp1, $4  }
0x63: {  	[sflag:s7] =	ssyncadd.s32 $0xFFFEC000  }
0x64: {  	[hbm4b:s14+s2] =	stream.linear.scatter [tilespmem:s6], [sflag:$0x2], $0x14000, $0x38;
	[tilespmem:$0x14280] =	vst v63  }
0x65: {  	_ =	swait.ge [sflag:s3], $0x14000  }
0x66: {  	[sflag:s3] =	ssyncset.done $0x0  }
.LBB2_2:
0x67: {  	[sflag:s3] =	ssyncadd.s32 $0xFFFEC000  }
0x68: {  	_ =	sfence.sel $0x180000  }
0x69: {  	[bflag:$0x0] =	sbarrier.arrive $0xFFFF  }
0x6a: {  	p0 =	sne.s32 s0, $0x0;
	_ =	strace $0x90000047  }
0x6b: {  	s0 =	sadd.s32 @!p0 $0x100000, s1;
	[bflag:$0x2] =	sbarrier.arrive $0xFFFF  }
0x6c: {  	[sflag:s0] =	ssyncadd.tile.s32 @!p0 $0x1;
	_ =	shalt  }
.Lfunc_end2:
_tile_overlayer_lowered:
.L_overlay_start_2:
0x6d: {  	(tag) =	ssettag $0x2  }
0x6e: {  	s0 =	rddreg [dreg:$0x0];
	s2 =	stileid.u32  }
0x6f: {  	s1 =	rddreg [dreg:$0x1];
	p0 =	sne.s32 s2, $0x0  }
0x70: {  	s3 =	rddreg [dreg:$0x2];
	[bflag:$0x3] =	sbarrier.arrive $0xFFFF;
	s2 =	simm.s32 @!p0 $0x1C02  }
0x71: {  	[timem:s3], [sflag:s2] =	dma.local @!p0 [hbm:s0], s1  }
0x72: {  	s0 =	simm.s32 @!p0 $0x2  }
0x73: {  	_ =	swait.ge @!p0 [sflag:s0], s1  }
0x74: {  	s1 =	ssub.s32 @!p0 $0x0, s1;
	[sflag:s0] =	ssyncset.done @!p0 $0x0  }
0x75: {  	[sflag:s0] =	ssyncadd.s32 @!p0 s1  }
0x76: {  	[bflag:$0x3] =	sbarrier.arrive $0xFFFF  }
0x77: {  	_ =	shalt  }

</sc_bundles>
